<compile_context>
chip_gen: v7x
topology: tpu7x:2x2x1
jax: 0.10.2.dev20260603
libtpu: 0.0.44.dev20260713+nightly
codegen_flags: <defaults>
</compile_context>

<pallas_src>
import functools

import jax
import jax.numpy as jnp
from jax import lax
from jax.experimental import pallas as pl
from jax.experimental.pallas import tpu as pltpu
from jax.experimental.pallas import tpu_sc as plsc

C = 12
J = 23
D = 32
HM_H = 512
HM_W = 512
HMSZ = HM_H * HM_W
GRID = 104
HALF = 52
V = GRID * GRID * GRID
NC = 2
NS = 16
NW = NC * NS
PERW = V // NW
K = 104
NCH = PERW // K
L = 16
OBYTES = K * D * 4
IBYTES = C * K * 4


def _sc_gather_mean(tbl, idx):
    mesh = plsc.VectorSubcoreMesh(core_axis_name="c", subcore_axis_name="s")

    @functools.partial(
        pl.kernel,
        mesh=mesh,
        out_type=jax.ShapeDtypeStruct((V, D), jnp.float32),
        compiler_params=pltpu.CompilerParams(use_tc_tiling_on_sc=False),
        name="gather_mean",
        scratch_types=[
            pltpu.VMEM((C, K), jnp.int32),
            pltpu.VMEM((C, K), jnp.int32),
            pltpu.VMEM((C, K, D), jnp.float32),
            pltpu.VMEM((C, K, D), jnp.float32),
            pltpu.VMEM((K, D), jnp.float32),
            pltpu.VMEM((K, D), jnp.float32),
            pltpu.SemaphoreType.DMA,
            pltpu.SemaphoreType.DMA,
            pltpu.SemaphoreType.DMA,
            pltpu.SemaphoreType.DMA,
            pltpu.SemaphoreType.DMA,
            pltpu.SemaphoreType.DMA,
        ],
    )
    def body(tbl_hbm, idx_hbm, out_hbm, idx0, idx1, buf0, buf1, ob0, ob1,
             gs0, gs1, is0, is1, os0, os1):
        wid = lax.axis_index("s") * NC + lax.axis_index("c")
        idxs, bufs, obs = [idx0, idx1], [buf0, buf1], [ob0, ob1]
        gss, iss, oss = [gs0, gs1], [is0, is1], [os0, os1]

        def fire_gathers(b):
            for c in range(C):
                pltpu.async_copy(tbl_hbm.at[idxs[b].at[c]], bufs[b].at[c],
                                 gss[b])

        def drain_gathers(b):
            for c in range(C):
                pltpu.make_async_copy(tbl_hbm.at[pl.ds(0, K)],
                                      bufs[b].at[c], gss[b]).wait()

        pltpu.sync_copy(idx_hbm.at[:, wid, 0], idx0)
        fire_gathers(0)
        pltpu.async_copy(idx_hbm.at[:, wid, 1], idx1, is1)

        @pl.loop(0, NCH, step=2)
        def _pair(i):
            for b in range(2):
                ci = i + b
                nb = 1 - b

                drain_gathers(b)

                @pl.when(ci + 2 < NCH)
                def _pf():
                    pltpu.async_copy(idx_hbm.at[:, wid, ci + 2], idxs[b],
                                     iss[b])

                @pl.when(ci + 1 < NCH)
                def _fire():
                    pltpu.make_async_copy(idx_hbm.at[:, wid, 0], idxs[nb],
                                          iss[nb]).wait()
                    fire_gathers(nb)

                @pl.when(ci >= 2)
                def _wout():
                    pltpu.make_async_copy(out_hbm.at[pl.ds(0, K)], obs[b],
                                          oss[b]).wait()

                @pl.loop(0, K)
                def _red(k):
                    for d in range(D // L):
                        acc = bufs[b][0, k, pl.ds(L * d, L)]
                        for c in range(1, C):
                            acc = acc + bufs[b][c, k, pl.ds(L * d, L)]
                        obs[b][k, pl.ds(L * d, L)] = acc * (1.0 / C)

                pltpu.async_copy(
                    obs[b], out_hbm.at[pl.ds(wid * PERW + ci * K, K)], oss[b])

        for b in range(2):
            pltpu.make_async_copy(out_hbm.at[pl.ds(0, K)], obs[b],
                                  oss[b]).wait()

    return body(tbl, idx)


def kernel(heatmaps, center, reproLookup):
    ci = (center[0] / 2.0).astype(jnp.int32)
    sub = lax.dynamic_slice(
        reproLookup,
        (jnp.int32(0), ci[0] - HALF, ci[1] - HALF, ci[2] - HALF, jnp.int32(0)),
        (C, GRID, GRID, GRID, 2),
    )
    coffs = (jnp.arange(C, dtype=jnp.int32) * HMSZ).reshape(C, 1, 1, 1)
    idx = sub[..., 1] * HM_W + sub[..., 0] + coffs
    idx = idx.reshape(C, NW, NCH, K)

    tbl = jnp.pad(heatmaps[0], ((0, 0), (0, D - J), (0, 0), (0, 0)))
    tbl = jnp.transpose(tbl, (0, 2, 3, 1)).reshape(C * HMSZ, D)

    res = _sc_gather_mean(tbl, idx)
    out = res[:, :J].T.reshape(1, J, GRID, GRID, GRID)
    return out

# --- scband reference (transcript-rebuilt; emitter-appended) ---
"""Pipeline reference for scband-reprojection-layer-41472204210545 (READ-ONLY COPY).

The authoritative reference and input builder live on the scoring server;
editing this copy changes nothing except your own understanding.
"""

import jax, jax.numpy as jnp
import numpy as np

B = 1
NUM_CAMS = 12
N_JOINTS = 23
GRID = 104          # ROI_CUBE_SIZE / GRID_SPACING
HALF = 52           # grid_size_half
LOOK = 110          # full lookup grid extent per axis
HM_H = 512
HM_W = 512
OFFSET = 0.0        # GRID_DIM_*[0]
SPACING = 2.0       # GRID_SPACING


def setup_inputs(seed: int = 0) -> dict:
    key = jax.random.key(seed)
    k1, k2 = jax.random.split(key)
    heatmaps = jax.random.normal(k1, (B, NUM_CAMS, N_JOINTS, HM_H, HM_W), dtype=jnp.float32)
    # center placed so center_index = (110 - 0)/2 = 55 -> crop [3, 107) within [0, 110)
    center = jnp.full((B, 3), 110.0, dtype=jnp.float32)
    # precomputed reprojection lookup buffer: per camera, per voxel, (x, y) pixel coords
    reproLookup = jax.random.randint(k2, (NUM_CAMS, LOOK, LOOK, LOOK, 2), 0, 512, dtype=jnp.int32)
    return {"heatmaps": heatmaps, "center": center, "reproLookup": reproLookup}


def reference(heatmaps, center, reproLookup):
    offset = jnp.array([OFFSET, OFFSET, OFFSET], dtype=jnp.float32)
    center_indices = ((center - offset) / SPACING).astype(jnp.int32)
    outs = []
    for b in range(heatmaps.shape[0]):
        ci = center_indices[b]
        start = (jnp.int32(0), ci[0] - HALF, ci[1] - HALF, ci[2] - HALF, jnp.int32(0))
        lookup_subset = jax.lax.dynamic_slice(
            reproLookup, start, (NUM_CAMS, GRID, GRID, GRID, 2))
        # lookup_subset2[i] = lookup[i,...,1]*512 + lookup[i,...,0]
        lookup2 = lookup_subset[..., 1] * HM_W + lookup_subset[..., 0]  # [12,104,104,104]
        # torch: transpose(heatmaps[b],0,1).flatten(2) -> [23, 12, H*W]
        hm = jnp.transpose(heatmaps[b], (1, 0, 2, 3)).reshape(N_JOINTS, NUM_CAMS, HM_H * HM_W)
        # torch: mean(hm[:, ii, lookup2[ii,xx,yy,zz]], dim=1)
        acc = jnp.zeros((N_JOINTS, GRID, GRID, GRID), dtype=jnp.float32)
        for c in range(NUM_CAMS):
            acc = acc + hm[:, c, :][:, lookup2[c]]
        outs.append(acc / NUM_CAMS)
    return jnp.stack(outs, axis=0)  # [B, 23, 104, 104, 104]

if __name__ == "__main__":
    import jax
    _d = setup_inputs()
    print(jax.jit(kernel)(*tuple(_d.values())))

</pallas_src>

<mosaic_0001>
#map = affine_map<(d0, d1) -> (0, 0)>
#map1 = affine_map<(d0, d1) -> (0, 0, 0, 0)>
module attributes {stable_mosaic.version = 14 : i64} {
  func.func @gather_mean(%arg0: i32, %arg1: i32, %arg2: memref<3145728x32xf32, #tpu.memory_space<hbm>>, %arg3: memref<12x32x338x104xi32, #tpu.memory_space<hbm>>, %arg4: memref<1124864x32xf32, #tpu.memory_space<hbm>>, %arg5: memref<12x104xi32, #tpu.memory_space<vmem>>, %arg6: memref<12x104xi32, #tpu.memory_space<vmem>>, %arg7: memref<12x104x32xf32, #tpu.memory_space<vmem>>, %arg8: memref<12x104x32xf32, #tpu.memory_space<vmem>>, %arg9: memref<104x32xf32, #tpu.memory_space<vmem>>, %arg10: memref<104x32xf32, #tpu.memory_space<vmem>>, %arg11: memref<!tpu.dma_semaphore, #tpu.memory_space<semaphore_mem>>, %arg12: memref<!tpu.dma_semaphore, #tpu.memory_space<semaphore_mem>>, %arg13: memref<!tpu.dma_semaphore, #tpu.memory_space<semaphore_mem>>, %arg14: memref<!tpu.dma_semaphore, #tpu.memory_space<semaphore_mem>>, %arg15: memref<!tpu.dma_semaphore, #tpu.memory_space<semaphore_mem>>, %arg16: memref<!tpu.dma_semaphore, #tpu.memory_space<semaphore_mem>>) attributes {dimension_semantics = [#tpu.dimension_semantics<core_parallel>, #tpu.dimension_semantics<subcore_parallel>], iteration_bounds = array<i64: 2, 16>, scalar_prefetch = 0 : i64, scratch_operands = 12 : i64, tpu.core_type = #tpu.core_type<sc_vector_subcore>, window_params = [{transform_indices = #map}, {transform_indices = #map1}, {transform_indices = #map}]} {
    %mul3A = arith.constant 2 : i32
    %mul3A_0 = arith.muli %arg1, %mul3A : i32
    %add3A = arith.addi %mul3A_0, %arg0 : i32
    %run_scoped3A = arith.constant 0 : i32
    "tpu.region"() ({
      %run_scoped3A_168 = tpu.sem_alloc : memref<!tpu.dma_semaphore, #tpu.memory_space<semaphore_mem>>
      %dma_start3A_169 = arith.constant 0 : i32
      %dma_start3A_170 = arith.constant 0 : i32
      %dma_start3A_171 = tpu.memref_slice %arg3[%dma_start3A_169, %add3A, %run_scoped3A, %dma_start3A_170] : memref<12x32x338x104xi32, #tpu.memory_space<hbm>> -> memref<12x1x1x104xi32, #tpu.memory_space<hbm>>
      %dma_start3A_172 = tpu.memref_squeeze %dma_start3A_171 : memref<12x1x1x104xi32, #tpu.memory_space<hbm>> -> memref<12x104xi32, #tpu.memory_space<hbm>>
      %dma_start3A_173 = arith.constant 0 : i32
      %dma_start3A_174 = arith.constant 0 : i32
      %dma_start3A_175 = tpu.memref_slice %arg3[%dma_start3A_173, %add3A, %run_scoped3A, %dma_start3A_174] : memref<12x32x338x104xi32, #tpu.memory_space<hbm>> -> memref<12x1x1x104xi32, #tpu.memory_space<hbm>>
      %dma_start3A_176 = tpu.memref_squeeze %dma_start3A_175 : memref<12x1x1x104xi32, #tpu.memory_space<hbm>> -> memref<12x104xi32, #tpu.memory_space<hbm>>
      tpu.enqueue_dma source(%dma_start3A_176 : memref<12x104xi32, #tpu.memory_space<hbm>>) target(%arg5 : memref<12x104xi32, #tpu.memory_space<vmem>>) target_semaphore(%run_scoped3A_168 : memref<!tpu.dma_semaphore, #tpu.memory_space<semaphore_mem>>)
      %dma_wait3A_177 = arith.constant 0 : i32
      %dma_wait3A_178 = arith.constant 0 : i32
      %dma_wait3A_179 = tpu.memref_slice %arg3[%dma_wait3A_177, %add3A, %run_scoped3A, %dma_wait3A_178] : memref<12x32x338x104xi32, #tpu.memory_space<hbm>> -> memref<12x1x1x104xi32, #tpu.memory_space<hbm>>
      %dma_wait3A_180 = tpu.memref_squeeze %dma_wait3A_179 : memref<12x1x1x104xi32, #tpu.memory_space<hbm>> -> memref<12x104xi32, #tpu.memory_space<hbm>>
      %dma_wait3A_181 = arith.constant 0 : i32
      %dma_wait3A_182 = arith.constant 0 : i32
      %dma_wait3A_183 = tpu.memref_slice %arg3[%dma_wait3A_181, %add3A, %run_scoped3A, %dma_wait3A_182] : memref<12x32x338x104xi32, #tpu.memory_space<hbm>> -> memref<12x1x1x104xi32, #tpu.memory_space<hbm>>
      %dma_wait3A_184 = tpu.memref_squeeze %dma_wait3A_183 : memref<12x1x1x104xi32, #tpu.memory_space<hbm>> -> memref<12x104xi32, #tpu.memory_space<hbm>>
      tpu.wait_dma2 semaphore(%run_scoped3A_168 : memref<!tpu.dma_semaphore, #tpu.memory_space<semaphore_mem>>) src(%dma_wait3A_184 : memref<12x104xi32, #tpu.memory_space<hbm>>) dst(%arg5 : memref<12x104xi32, #tpu.memory_space<vmem>>)
      tpu.yield
    }) : () -> ()
    %dma_start3A = arith.constant 0 : i32
    %dma_start3A_1 = arith.constant 0 : i32
    %dma_start3A_2 = arith.constant 0 : i32
    %dma_start3A_3 = arith.constant 0 : i32
    %dma_start3A_4 = tpu.memref_slice %arg7[%dma_start3A_1, %dma_start3A_2, %dma_start3A_3] : memref<12x104x32xf32, #tpu.memory_space<vmem>> -> memref<1x104x32xf32, #tpu.memory_space<vmem>>
    %dma_start3A_5 = tpu.memref_squeeze %dma_start3A_4 : memref<1x104x32xf32, #tpu.memory_space<vmem>> -> memref<104x32xf32, #tpu.memory_space<vmem>>
    %dma_start3A_6 = arith.constant 0 : i32
    %dma_start3A_7 = tpu.memref_slice %arg5[%dma_start3A, %dma_start3A_6] : memref<12x104xi32, #tpu.memory_space<vmem>> -> memref<1x104xi32, #tpu.memory_space<vmem>>
    %dma_start3A_8 = tpu.memref_squeeze %dma_start3A_7 : memref<1x104xi32, #tpu.memory_space<vmem>> -> memref<104xi32, #tpu.memory_space<vmem>>
    %dma_start3A_9 = arith.constant 0 : i32
    %dma_start3A_10 = arith.constant 0 : i32
    %dma_start3A_11 = tpu.memref_slice %arg2[%dma_start3A_9, %dma_start3A_10] : memref<3145728x32xf32, #tpu.memory_space<hbm>> -> memref<3145728x32xf32, #tpu.memory_space<hbm>>
    tpu.enqueue_indirect_dma source(%dma_start3A_11 : memref<3145728x32xf32, #tpu.memory_space<hbm>>) target(%dma_start3A_5 : memref<104x32xf32, #tpu.memory_space<vmem>>) offsets(%dma_start3A_8 : memref<104xi32, #tpu.memory_space<vmem>>) semaphore(%arg11 : memref<!tpu.dma_semaphore, #tpu.memory_space<semaphore_mem>>)
    %dma_start3A_12 = arith.constant 1 : i32
    %dma_start3A_13 = arith.constant 1 : i32
    %dma_start3A_14 = arith.constant 0 : i32
    %dma_start3A_15 = arith.constant 0 : i32
    %dma_start3A_16 = tpu.memref_slice %arg7[%dma_start3A_13, %dma_start3A_14, %dma_start3A_15] : memref<12x104x32xf32, #tpu.memory_space<vmem>> -> memref<1x104x32xf32, #tpu.memory_space<vmem>>
    %dma_start3A_17 = tpu.memref_squeeze %dma_start3A_16 : memref<1x104x32xf32, #tpu.memory_space<vmem>> -> memref<104x32xf32, #tpu.memory_space<vmem>>
    %dma_start3A_18 = arith.constant 0 : i32
    %dma_start3A_19 = tpu.memref_slice %arg5[%dma_start3A_12, %dma_start3A_18] : memref<12x104xi32, #tpu.memory_space<vmem>> -> memref<1x104xi32, #tpu.memory_space<vmem>>
    %dma_start3A_20 = tpu.memref_squeeze %dma_start3A_19 : memref<1x104xi32, #tpu.memory_space<vmem>> -> memref<104xi32, #tpu.memory_space<vmem>>
    %dma_start3A_21 = arith.constant 0 : i32
    %dma_start3A_22 = arith.constant 0 : i32
    %dma_start3A_23 = tpu.memref_slice %arg2[%dma_start3A_21, %dma_start3A_22] : memref<3145728x32xf32, #tpu.memory_space<hbm>> -> memref<3145728x32xf32, #tpu.memory_space<hbm>>
    tpu.enqueue_indirect_dma source(%dma_start3A_23 : memref<3145728x32xf32, #tpu.memory_space<hbm>>) target(%dma_start3A_17 : memref<104x32xf32, #tpu.memory_space<vmem>>) offsets(%dma_start3A_20 : memref<104xi32, #tpu.memory_space<vmem>>) semaphore(%arg11 : memref<!tpu.dma_semaphore, #tpu.memory_space<semaphore_mem>>)
    %dma_start3A_24 = arith.constant 2 : i32
    %dma_start3A_25 = arith.constant 2 : i32
    %dma_start3A_26 = arith.constant 0 : i32
    %dma_start3A_27 = arith.constant 0 : i32
    %dma_start3A_28 = tpu.memref_slice %arg7[%dma_start3A_25, %dma_start3A_26, %dma_start3A_27] : memref<12x104x32xf32, #tpu.memory_space<vmem>> -> memref<1x104x32xf32, #tpu.memory_space<vmem>>
    %dma_start3A_29 = tpu.memref_squeeze %dma_start3A_28 : memref<1x104x32xf32, #tpu.memory_space<vmem>> -> memref<104x32xf32, #tpu.memory_space<vmem>>
    %dma_start3A_30 = arith.constant 0 : i32
    %dma_start3A_31 = tpu.memref_slice %arg5[%dma_start3A_24, %dma_start3A_30] : memref<12x104xi32, #tpu.memory_space<vmem>> -> memref<1x104xi32, #tpu.memory_space<vmem>>
    %dma_start3A_32 = tpu.memref_squeeze %dma_start3A_31 : memref<1x104xi32, #tpu.memory_space<vmem>> -> memref<104xi32, #tpu.memory_space<vmem>>
    %dma_start3A_33 = arith.constant 0 : i32
    %dma_start3A_34 = arith.constant 0 : i32
    %dma_start3A_35 = tpu.memref_slice %arg2[%dma_start3A_33, %dma_start3A_34] : memref<3145728x32xf32, #tpu.memory_space<hbm>> -> memref<3145728x32xf32, #tpu.memory_space<hbm>>
    tpu.enqueue_indirect_dma source(%dma_start3A_35 : memref<3145728x32xf32, #tpu.memory_space<hbm>>) target(%dma_start3A_29 : memref<104x32xf32, #tpu.memory_space<vmem>>) offsets(%dma_start3A_32 : memref<104xi32, #tpu.memory_space<vmem>>) semaphore(%arg11 : memref<!tpu.dma_semaphore, #tpu.memory_space<semaphore_mem>>)
    %dma_start3A_36 = arith.constant 3 : i32
    %dma_start3A_37 = arith.constant 3 : i32
    %dma_start3A_38 = arith.constant 0 : i32
    %dma_start3A_39 = arith.constant 0 : i32
    %dma_start3A_40 = tpu.memref_slice %arg7[%dma_start3A_37, %dma_start3A_38, %dma_start3A_39] : memref<12x104x32xf32, #tpu.memory_space<vmem>> -> memref<1x104x32xf32, #tpu.memory_space<vmem>>
    %dma_start3A_41 = tpu.memref_squeeze %dma_start3A_40 : memref<1x104x32xf32, #tpu.memory_space<vmem>> -> memref<104x32xf32, #tpu.memory_space<vmem>>
    %dma_start3A_42 = arith.constant 0 : i32
    %dma_start3A_43 = tpu.memref_slice %arg5[%dma_start3A_36, %dma_start3A_42] : memref<12x104xi32, #tpu.memory_space<vmem>> -> memref<1x104xi32, #tpu.memory_space<vmem>>
    %dma_start3A_44 = tpu.memref_squeeze %dma_start3A_43 : memref<1x104xi32, #tpu.memory_space<vmem>> -> memref<104xi32, #tpu.memory_space<vmem>>
    %dma_start3A_45 = arith.constant 0 : i32
    %dma_start3A_46 = arith.constant 0 : i32
    %dma_start3A_47 = tpu.memref_slice %arg2[%dma_start3A_45, %dma_start3A_46] : memref<3145728x32xf32, #tpu.memory_space<hbm>> -> memref<3145728x32xf32, #tpu.memory_space<hbm>>
    tpu.enqueue_indirect_dma source(%dma_start3A_47 : memref<3145728x32xf32, #tpu.memory_space<hbm>>) target(%dma_start3A_41 : memref<104x32xf32, #tpu.memory_space<vmem>>) offsets(%dma_start3A_44 : memref<104xi32, #tpu.memory_space<vmem>>) semaphore(%arg11 : memref<!tpu.dma_semaphore, #tpu.memory_space<semaphore_mem>>)
    %dma_start3A_48 = arith.constant 4 : i32
    %dma_start3A_49 = arith.constant 4 : i32
    %dma_start3A_50 = arith.constant 0 : i32
    %dma_start3A_51 = arith.constant 0 : i32
    %dma_start3A_52 = tpu.memref_slice %arg7[%dma_start3A_49, %dma_start3A_50, %dma_start3A_51] : memref<12x104x32xf32, #tpu.memory_space<vmem>> -> memref<1x104x32xf32, #tpu.memory_space<vmem>>
    %dma_start3A_53 = tpu.memref_squeeze %dma_start3A_52 : memref<1x104x32xf32, #tpu.memory_space<vmem>> -> memref<104x32xf32, #tpu.memory_space<vmem>>
    %dma_start3A_54 = arith.constant 0 : i32
    %dma_start3A_55 = tpu.memref_slice %arg5[%dma_start3A_48, %dma_start3A_54] : memref<12x104xi32, #tpu.memory_space<vmem>> -> memref<1x104xi32, #tpu.memory_space<vmem>>
    %dma_start3A_56 = tpu.memref_squeeze %dma_start3A_55 : memref<1x104xi32, #tpu.memory_space<vmem>> -> memref<104xi32, #tpu.memory_space<vmem>>
    %dma_start3A_57 = arith.constant 0 : i32
    %dma_start3A_58 = arith.constant 0 : i32
    %dma_start3A_59 = tpu.memref_slice %arg2[%dma_start3A_57, %dma_start3A_58] : memref<3145728x32xf32, #tpu.memory_space<hbm>> -> memref<3145728x32xf32, #tpu.memory_space<hbm>>
    tpu.enqueue_indirect_dma source(%dma_start3A_59 : memref<3145728x32xf32, #tpu.memory_space<hbm>>) target(%dma_start3A_53 : memref<104x32xf32, #tpu.memory_space<vmem>>) offsets(%dma_start3A_56 : memref<104xi32, #tpu.memory_space<vmem>>) semaphore(%arg11 : memref<!tpu.dma_semaphore, #tpu.memory_space<semaphore_mem>>)
    %dma_start3A_60 = arith.constant 5 : i32
    %dma_start3A_61 = arith.constant 5 : i32
    %dma_start3A_62 = arith.constant 0 : i32
    %dma_start3A_63 = arith.constant 0 : i32
    %dma_start3A_64 = tpu.memref_slice %arg7[%dma_start3A_61, %dma_start3A_62, %dma_start3A_63] : memref<12x104x32xf32, #tpu.memory_space<vmem>> -> memref<1x104x32xf32, #tpu.memory_space<vmem>>
    %dma_start3A_65 = tpu.memref_squeeze %dma_start3A_64 : memref<1x104x32xf32, #tpu.memory_space<vmem>> -> memref<104x32xf32, #tpu.memory_space<vmem>>
    %dma_start3A_66 = arith.constant 0 : i32
    %dma_start3A_67 = tpu.memref_slice %arg5[%dma_start3A_60, %dma_start3A_66] : memref<12x104xi32, #tpu.memory_space<vmem>> -> memref<1x104xi32, #tpu.memory_space<vmem>>
    %dma_start3A_68 = tpu.memref_squeeze %dma_start3A_67 : memref<1x104xi32, #tpu.memory_space<vmem>> -> memref<104xi32, #tpu.memory_space<vmem>>
    %dma_start3A_69 = arith.constant 0 : i32
    %dma_start3A_70 = arith.constant 0 : i32
    %dma_start3A_71 = tpu.memref_slice %arg2[%dma_start3A_69, %dma_start3A_70] : memref<3145728x32xf32, #tpu.memory_space<hbm>> -> memref<3145728x32xf32, #tpu.memory_space<hbm>>
    tpu.enqueue_indirect_dma source(%dma_start3A_71 : memref<3145728x32xf32, #tpu.memory_space<hbm>>) target(%dma_start3A_65 : memref<104x32xf32, #tpu.memory_space<vmem>>) offsets(%dma_start3A_68 : memref<104xi32, #tpu.memory_space<vmem>>) semaphore(%arg11 : memref<!tpu.dma_semaphore, #tpu.memory_space<semaphore_mem>>)
    %dma_start3A_72 = arith.constant 6 : i32
    %dma_start3A_73 = arith.constant 6 : i32
    %dma_start3A_74 = arith.constant 0 : i32
    %dma_start3A_75 = arith.constant 0 : i32
    %dma_start3A_76 = tpu.memref_slice %arg7[%dma_start3A_73, %dma_start3A_74, %dma_start3A_75] : memref<12x104x32xf32, #tpu.memory_space<vmem>> -> memref<1x104x32xf32, #tpu.memory_space<vmem>>
    %dma_start3A_77 = tpu.memref_squeeze %dma_start3A_76 : memref<1x104x32xf32, #tpu.memory_space<vmem>> -> memref<104x32xf32, #tpu.memory_space<vmem>>
    %dma_start3A_78 = arith.constant 0 : i32
    %dma_start3A_79 = tpu.memref_slice %arg5[%dma_start3A_72, %dma_start3A_78] : memref<12x104xi32, #tpu.memory_space<vmem>> -> memref<1x104xi32, #tpu.memory_space<vmem>>
    %dma_start3A_80 = tpu.memref_squeeze %dma_start3A_79 : memref<1x104xi32, #tpu.memory_space<vmem>> -> memref<104xi32, #tpu.memory_space<vmem>>
    %dma_start3A_81 = arith.constant 0 : i32
    %dma_start3A_82 = arith.constant 0 : i32
    %dma_start3A_83 = tpu.memref_slice %arg2[%dma_start3A_81, %dma_start3A_82] : memref<3145728x32xf32, #tpu.memory_space<hbm>> -> memref<3145728x32xf32, #tpu.memory_space<hbm>>
    tpu.enqueue_indirect_dma source(%dma_start3A_83 : memref<3145728x32xf32, #tpu.memory_space<hbm>>) target(%dma_start3A_77 : memref<104x32xf32, #tpu.memory_space<vmem>>) offsets(%dma_start3A_80 : memref<104xi32, #tpu.memory_space<vmem>>) semaphore(%arg11 : memref<!tpu.dma_semaphore, #tpu.memory_space<semaphore_mem>>)
    %dma_start3A_84 = arith.constant 7 : i32
    %dma_start3A_85 = arith.constant 7 : i32
    %dma_start3A_86 = arith.constant 0 : i32
    %dma_start3A_87 = arith.constant 0 : i32
    %dma_start3A_88 = tpu.memref_slice %arg7[%dma_start3A_85, %dma_start3A_86, %dma_start3A_87] : memref<12x104x32xf32, #tpu.memory_space<vmem>> -> memref<1x104x32xf32, #tpu.memory_space<vmem>>
    %dma_start3A_89 = tpu.memref_squeeze %dma_start3A_88 : memref<1x104x32xf32, #tpu.memory_space<vmem>> -> memref<104x32xf32, #tpu.memory_space<vmem>>
    %dma_start3A_90 = arith.constant 0 : i32
    %dma_start3A_91 = tpu.memref_slice %arg5[%dma_start3A_84, %dma_start3A_90] : memref<12x104xi32, #tpu.memory_space<vmem>> -> memref<1x104xi32, #tpu.memory_space<vmem>>
    %dma_start3A_92 = tpu.memref_squeeze %dma_start3A_91 : memref<1x104xi32, #tpu.memory_space<vmem>> -> memref<104xi32, #tpu.memory_space<vmem>>
    %dma_start3A_93 = arith.constant 0 : i32
    %dma_start3A_94 = arith.constant 0 : i32
    %dma_start3A_95 = tpu.memref_slice %arg2[%dma_start3A_93, %dma_start3A_94] : memref<3145728x32xf32, #tpu.memory_space<hbm>> -> memref<3145728x32xf32, #tpu.memory_space<hbm>>
    tpu.enqueue_indirect_dma source(%dma_start3A_95 : memref<3145728x32xf32, #tpu.memory_space<hbm>>) target(%dma_start3A_89 : memref<104x32xf32, #tpu.memory_space<vmem>>) offsets(%dma_start3A_92 : memref<104xi32, #tpu.memory_space<vmem>>) semaphore(%arg11 : memref<!tpu.dma_semaphore, #tpu.memory_space<semaphore_mem>>)
    %dma_start3A_96 = arith.constant 8 : i32
    %dma_start3A_97 = arith.constant 8 : i32
    %dma_start3A_98 = arith.constant 0 : i32
    %dma_start3A_99 = arith.constant 0 : i32
    %dma_start3A_100 = tpu.memref_slice %arg7[%dma_start3A_97, %dma_start3A_98, %dma_start3A_99] : memref<12x104x32xf32, #tpu.memory_space<vmem>> -> memref<1x104x32xf32, #tpu.memory_space<vmem>>
    %dma_start3A_101 = tpu.memref_squeeze %dma_start3A_100 : memref<1x104x32xf32, #tpu.memory_space<vmem>> -> memref<104x32xf32, #tpu.memory_space<vmem>>
    %dma_start3A_102 = arith.constant 0 : i32
    %dma_start3A_103 = tpu.memref_slice %arg5[%dma_start3A_96, %dma_start3A_102] : memref<12x104xi32, #tpu.memory_space<vmem>> -> memref<1x104xi32, #tpu.memory_space<vmem>>
    %dma_start3A_104 = tpu.memref_squeeze %dma_start3A_103 : memref<1x104xi32, #tpu.memory_space<vmem>> -> memref<104xi32, #tpu.memory_space<vmem>>
    %dma_start3A_105 = arith.constant 0 : i32
    %dma_start3A_106 = arith.constant 0 : i32
    %dma_start3A_107 = tpu.memref_slice %arg2[%dma_start3A_105, %dma_start3A_106] : memref<3145728x32xf32, #tpu.memory_space<hbm>> -> memref<3145728x32xf32, #tpu.memory_space<hbm>>
    tpu.enqueue_indirect_dma source(%dma_start3A_107 : memref<3145728x32xf32, #tpu.memory_space<hbm>>) target(%dma_start3A_101 : memref<104x32xf32, #tpu.memory_space<vmem>>) offsets(%dma_start3A_104 : memref<104xi32, #tpu.memory_space<vmem>>) semaphore(%arg11 : memref<!tpu.dma_semaphore, #tpu.memory_space<semaphore_mem>>)
    %dma_start3A_108 = arith.constant 9 : i32
    %dma_start3A_109 = arith.constant 9 : i32
    %dma_start3A_110 = arith.constant 0 : i32
    %dma_start3A_111 = arith.constant 0 : i32
    %dma_start3A_112 = tpu.memref_slice %arg7[%dma_start3A_109, %dma_start3A_110, %dma_start3A_111] : memref<12x104x32xf32, #tpu.memory_space<vmem>> -> memref<1x104x32xf32, #tpu.memory_space<vmem>>
    %dma_start3A_113 = tpu.memref_squeeze %dma_start3A_112 : memref<1x104x32xf32, #tpu.memory_space<vmem>> -> memref<104x32xf32, #tpu.memory_space<vmem>>
    %dma_start3A_114 = arith.constant 0 : i32
    %dma_start3A_115 = tpu.memref_slice %arg5[%dma_start3A_108, %dma_start3A_114] : memref<12x104xi32, #tpu.memory_space<vmem>> -> memref<1x104xi32, #tpu.memory_space<vmem>>
    %dma_start3A_116 = tpu.memref_squeeze %dma_start3A_115 : memref<1x104xi32, #tpu.memory_space<vmem>> -> memref<104xi32, #tpu.memory_space<vmem>>
    %dma_start3A_117 = arith.constant 0 : i32
    %dma_start3A_118 = arith.constant 0 : i32
    %dma_start3A_119 = tpu.memref_slice %arg2[%dma_start3A_117, %dma_start3A_118] : memref<3145728x32xf32, #tpu.memory_space<hbm>> -> memref<3145728x32xf32, #tpu.memory_space<hbm>>
    tpu.enqueue_indirect_dma source(%dma_start3A_119 : memref<3145728x32xf32, #tpu.memory_space<hbm>>) target(%dma_start3A_113 : memref<104x32xf32, #tpu.memory_space<vmem>>) offsets(%dma_start3A_116 : memref<104xi32, #tpu.memory_space<vmem>>) semaphore(%arg11 : memref<!tpu.dma_semaphore, #tpu.memory_space<semaphore_mem>>)
    %dma_start3A_120 = arith.constant 10 : i32
    %dma_start3A_121 = arith.constant 10 : i32
    %dma_start3A_122 = arith.constant 0 : i32
    %dma_start3A_123 = arith.constant 0 : i32
    %dma_start3A_124 = tpu.memref_slice %arg7[%dma_start3A_121, %dma_start3A_122, %dma_start3A_123] : memref<12x104x32xf32, #tpu.memory_space<vmem>> -> memref<1x104x32xf32, #tpu.memory_space<vmem>>
    %dma_start3A_125 = tpu.memref_squeeze %dma_start3A_124 : memref<1x104x32xf32, #tpu.memory_space<vmem>> -> memref<104x32xf32, #tpu.memory_space<vmem>>
    %dma_start3A_126 = arith.constant 0 : i32
    %dma_start3A_127 = tpu.memref_slice %arg5[%dma_start3A_120, %dma_start3A_126] : memref<12x104xi32, #tpu.memory_space<vmem>> -> memref<1x104xi32, #tpu.memory_space<vmem>>
    %dma_start3A_128 = tpu.memref_squeeze %dma_start3A_127 : memref<1x104xi32, #tpu.memory_space<vmem>> -> memref<104xi32, #tpu.memory_space<vmem>>
    %dma_start3A_129 = arith.constant 0 : i32
    %dma_start3A_130 = arith.constant 0 : i32
    %dma_start3A_131 = tpu.memref_slice %arg2[%dma_start3A_129, %dma_start3A_130] : memref<3145728x32xf32, #tpu.memory_space<hbm>> -> memref<3145728x32xf32, #tpu.memory_space<hbm>>
    tpu.enqueue_indirect_dma source(%dma_start3A_131 : memref<3145728x32xf32, #tpu.memory_space<hbm>>) target(%dma_start3A_125 : memref<104x32xf32, #tpu.memory_space<vmem>>) offsets(%dma_start3A_128 : memref<104xi32, #tpu.memory_space<vmem>>) semaphore(%arg11 : memref<!tpu.dma_semaphore, #tpu.memory_space<semaphore_mem>>)
    %dma_start3A_132 = arith.constant 11 : i32
    %dma_start3A_133 = arith.constant 11 : i32
    %dma_start3A_134 = arith.constant 0 : i32
    %dma_start3A_135 = arith.constant 0 : i32
    %dma_start3A_136 = tpu.memref_slice %arg7[%dma_start3A_133, %dma_start3A_134, %dma_start3A_135] : memref<12x104x32xf32, #tpu.memory_space<vmem>> -> memref<1x104x32xf32, #tpu.memory_space<vmem>>
    %dma_start3A_137 = tpu.memref_squeeze %dma_start3A_136 : memref<1x104x32xf32, #tpu.memory_space<vmem>> -> memref<104x32xf32, #tpu.memory_space<vmem>>
    %dma_start3A_138 = arith.constant 0 : i32
    %dma_start3A_139 = tpu.memref_slice %arg5[%dma_start3A_132, %dma_start3A_138] : memref<12x104xi32, #tpu.memory_space<vmem>> -> memref<1x104xi32, #tpu.memory_space<vmem>>
    %dma_start3A_140 = tpu.memref_squeeze %dma_start3A_139 : memref<1x104xi32, #tpu.memory_space<vmem>> -> memref<104xi32, #tpu.memory_space<vmem>>
    %dma_start3A_141 = arith.constant 0 : i32
    %dma_start3A_142 = arith.constant 0 : i32
    %dma_start3A_143 = tpu.memref_slice %arg2[%dma_start3A_141, %dma_start3A_142] : memref<3145728x32xf32, #tpu.memory_space<hbm>> -> memref<3145728x32xf32, #tpu.memory_space<hbm>>
    tpu.enqueue_indirect_dma source(%dma_start3A_143 : memref<3145728x32xf32, #tpu.memory_space<hbm>>) target(%dma_start3A_137 : memref<104x32xf32, #tpu.memory_space<vmem>>) offsets(%dma_start3A_140 : memref<104xi32, #tpu.memory_space<vmem>>) semaphore(%arg11 : memref<!tpu.dma_semaphore, #tpu.memory_space<semaphore_mem>>)
    %dma_start3A_144 = arith.constant 1 : i32
    %dma_start3A_145 = arith.constant 0 : i32
    %dma_start3A_146 = arith.constant 0 : i32
    %dma_start3A_147 = tpu.memref_slice %arg3[%dma_start3A_145, %add3A, %dma_start3A_144, %dma_start3A_146] : memref<12x32x338x104xi32, #tpu.memory_space<hbm>> -> memref<12x1x1x104xi32, #tpu.memory_space<hbm>>
    %dma_start3A_148 = tpu.memref_squeeze %dma_start3A_147 : memref<12x1x1x104xi32, #tpu.memory_space<hbm>> -> memref<12x104xi32, #tpu.memory_space<hbm>>
    %dma_start3A_149 = arith.constant 0 : i32
    %dma_start3A_150 = arith.constant 0 : i32
    %dma_start3A_151 = tpu.memref_slice %arg3[%dma_start3A_149, %add3A, %dma_start3A_144, %dma_start3A_150] : memref<12x32x338x104xi32, #tpu.memory_space<hbm>> -> memref<12x1x1x104xi32, #tpu.memory_space<hbm>>
    %dma_start3A_152 = tpu.memref_squeeze %dma_start3A_151 : memref<12x1x1x104xi32, #tpu.memory_space<hbm>> -> memref<12x104xi32, #tpu.memory_space<hbm>>
    tpu.enqueue_dma source(%dma_start3A_152 : memref<12x104xi32, #tpu.memory_space<hbm>>) target(%arg6 : memref<12x104xi32, #tpu.memory_space<vmem>>) target_semaphore(%arg14 : memref<!tpu.dma_semaphore, #tpu.memory_space<semaphore_mem>>)
    %scan3A = arith.constant 0 : i32
    %scan3A_153 = arith.constant 169 : i32
    %scan3A_154 = arith.addi %scan3A, %scan3A_153 : i32
    %scan3A_155 = arith.constant 1 : i32
    scf.for %scan3A_168 = %scan3A to %scan3A_154 step %scan3A_155  : i32 {
      %mul3A_169 = arith.constant 2 : i32
      %mul3A_170 = arith.muli %scan3A_168, %mul3A_169 : i32
      %add3A_171 = arith.constant 0 : i32
      %add3A_172 = arith.addi %add3A_171, %mul3A_170 : i32
      %add3A_173 = arith.constant 0 : i32
      %add3A_174 = arith.addi %add3A_172, %add3A_173 : i32
      %dma_wait3A_175 = arith.constant 0 : i32
      %dma_wait3A_176 = arith.constant 0 : i32
      %dma_wait3A_177 = arith.constant 0 : i32
      %dma_wait3A_178 = tpu.memref_slice %arg7[%dma_wait3A_175, %dma_wait3A_176, %dma_wait3A_177] : memref<12x104x32xf32, #tpu.memory_space<vmem>> -> memref<1x104x32xf32, #tpu.memory_space<vmem>>
      %dma_wait3A_179 = tpu.memref_squeeze %dma_wait3A_178 : memref<1x104x32xf32, #tpu.memory_space<vmem>> -> memref<104x32xf32, #tpu.memory_space<vmem>>
      %dma_wait3A_180 = arith.constant 0 : i32
      %dma_wait3A_181 = arith.constant 0 : i32
      %dma_wait3A_182 = tpu.memref_slice %arg2[%dma_wait3A_180, %dma_wait3A_181] : memref<3145728x32xf32, #tpu.memory_space<hbm>> -> memref<104x32xf32, #tpu.memory_space<hbm>>
      %dma_wait3A_183 = arith.constant 0 : i32
      %dma_wait3A_184 = arith.constant 0 : i32
      %dma_wait3A_185 = tpu.memref_slice %arg7[%dma_wait3A_175, %dma_wait3A_183, %dma_wait3A_184] : memref<12x104x32xf32, #tpu.memory_space<vmem>> -> memref<1x104x32xf32, #tpu.memory_space<vmem>>
      %dma_wait3A_186 = tpu.memref_squeeze %dma_wait3A_185 : memref<1x104x32xf32, #tpu.memory_space<vmem>> -> memref<104x32xf32, #tpu.memory_space<vmem>>
      %dma_wait3A_187 = arith.constant 0 : i32
      %dma_wait3A_188 = arith.constant 0 : i32
      %dma_wait3A_189 = tpu.memref_slice %arg2[%dma_wait3A_187, %dma_wait3A_188] : memref<3145728x32xf32, #tpu.memory_space<hbm>> -> memref<104x32xf32, #tpu.memory_space<hbm>>
      tpu.wait_dma2 semaphore(%arg11 : memref<!tpu.dma_semaphore, #tpu.memory_space<semaphore_mem>>) src(%dma_wait3A_189 : memref<104x32xf32, #tpu.memory_space<hbm>>) dst(%dma_wait3A_186 : memref<104x32xf32, #tpu.memory_space<vmem>>)
      %dma_wait3A_190 = arith.constant 1 : i32
      %dma_wait3A_191 = arith.constant 0 : i32
      %dma_wait3A_192 = arith.constant 0 : i32
      %dma_wait3A_193 = tpu.memref_slice %arg7[%dma_wait3A_190, %dma_wait3A_191, %dma_wait3A_192] : memref<12x104x32xf32, #tpu.memory_space<vmem>> -> memref<1x104x32xf32, #tpu.memory_space<vmem>>
      %dma_wait3A_194 = tpu.memref_squeeze %dma_wait3A_193 : memref<1x104x32xf32, #tpu.memory_space<vmem>> -> memref<104x32xf32, #tpu.memory_space<vmem>>
      %dma_wait3A_195 = arith.constant 0 : i32
      %dma_wait3A_196 = arith.constant 0 : i32
      %dma_wait3A_197 = tpu.memref_slice %arg2[%dma_wait3A_195, %dma_wait3A_196] : memref<3145728x32xf32, #tpu.memory_space<hbm>> -> memref<104x32xf32, #tpu.memory_space<hbm>>
      %dma_wait3A_198 = arith.constant 0 : i32
      %dma_wait3A_199 = arith.constant 0 : i32
      %dma_wait3A_200 = tpu.memref_slice %arg7[%dma_wait3A_190, %dma_wait3A_198, %dma_wait3A_199] : memref<12x104x32xf32, #tpu.memory_space<vmem>> -> memref<1x104x32xf32, #tpu.memory_space<vmem>>
      %dma_wait3A_201 = tpu.memref_squeeze %dma_wait3A_200 : memref<1x104x32xf32, #tpu.memory_space<vmem>> -> memref<104x32xf32, #tpu.memory_space<vmem>>
      %dma_wait3A_202 = arith.constant 0 : i32
      %dma_wait3A_203 = arith.constant 0 : i32
      %dma_wait3A_204 = tpu.memref_slice %arg2[%dma_wait3A_202, %dma_wait3A_203] : memref<3145728x32xf32, #tpu.memory_space<hbm>> -> memref<104x32xf32, #tpu.memory_space<hbm>>
      tpu.wait_dma2 semaphore(%arg11 : memref<!tpu.dma_semaphore, #tpu.memory_space<semaphore_mem>>) src(%dma_wait3A_204 : memref<104x32xf32, #tpu.memory_space<hbm>>) dst(%dma_wait3A_201 : memref<104x32xf32, #tpu.memory_space<vmem>>)
      %dma_wait3A_205 = arith.constant 2 : i32
      %dma_wait3A_206 = arith.constant 0 : i32
      %dma_wait3A_207 = arith.constant 0 : i32
      %dma_wait3A_208 = tpu.memref_slice %arg7[%dma_wait3A_205, %dma_wait3A_206, %dma_wait3A_207] : memref<12x104x32xf32, #tpu.memory_space<vmem>> -> memref<1x104x32xf32, #tpu.memory_space<vmem>>
      %dma_wait3A_209 = tpu.memref_squeeze %dma_wait3A_208 : memref<1x104x32xf32, #tpu.memory_space<vmem>> -> memref<104x32xf32, #tpu.memory_space<vmem>>
      %dma_wait3A_210 = arith.constant 0 : i32
      %dma_wait3A_211 = arith.constant 0 : i32
      %dma_wait3A_212 = tpu.memref_slice %arg2[%dma_wait3A_210, %dma_wait3A_211] : memref<3145728x32xf32, #tpu.memory_space<hbm>> -> memref<104x32xf32, #tpu.memory_space<hbm>>
      %dma_wait3A_213 = arith.constant 0 : i32
      %dma_wait3A_214 = arith.constant 0 : i32
      %dma_wait3A_215 = tpu.memref_slice %arg7[%dma_wait3A_205, %dma_wait3A_213, %dma_wait3A_214] : memref<12x104x32xf32, #tpu.memory_space<vmem>> -> memref<1x104x32xf32, #tpu.memory_space<vmem>>
      %dma_wait3A_216 = tpu.memref_squeeze %dma_wait3A_215 : memref<1x104x32xf32, #tpu.memory_space<vmem>> -> memref<104x32xf32, #tpu.memory_space<vmem>>
      %dma_wait3A_217 = arith.constant 0 : i32
      %dma_wait3A_218 = arith.constant 0 : i32
      %dma_wait3A_219 = tpu.memref_slice %arg2[%dma_wait3A_217, %dma_wait3A_218] : memref<3145728x32xf32, #tpu.memory_space<hbm>> -> memref<104x32xf32, #tpu.memory_space<hbm>>
      tpu.wait_dma2 semaphore(%arg11 : memref<!tpu.dma_semaphore, #tpu.memory_space<semaphore_mem>>) src(%dma_wait3A_219 : memref<104x32xf32, #tpu.memory_space<hbm>>) dst(%dma_wait3A_216 : memref<104x32xf32, #tpu.memory_space<vmem>>)
      %dma_wait3A_220 = arith.constant 3 : i32
      %dma_wait3A_221 = arith.constant 0 : i32
      %dma_wait3A_222 = arith.constant 0 : i32
      %dma_wait3A_223 = tpu.memref_slice %arg7[%dma_wait3A_220, %dma_wait3A_221, %dma_wait3A_222] : memref<12x104x32xf32, #tpu.memory_space<vmem>> -> memref<1x104x32xf32, #tpu.memory_space<vmem>>
      %dma_wait3A_224 = tpu.memref_squeeze %dma_wait3A_223 : memref<1x104x32xf32, #tpu.memory_space<vmem>> -> memref<104x32xf32, #tpu.memory_space<vmem>>
      %dma_wait3A_225 = arith.constant 0 : i32
      %dma_wait3A_226 = arith.constant 0 : i32
      %dma_wait3A_227 = tpu.memref_slice %arg2[%dma_wait3A_225, %dma_wait3A_226] : memref<3145728x32xf32, #tpu.memory_space<hbm>> -> memref<104x32xf32, #tpu.memory_space<hbm>>
      %dma_wait3A_228 = arith.constant 0 : i32
      %dma_wait3A_229 = arith.constant 0 : i32
      %dma_wait3A_230 = tpu.memref_slice %arg7[%dma_wait3A_220, %dma_wait3A_228, %dma_wait3A_229] : memref<12x104x32xf32, #tpu.memory_space<vmem>> -> memref<1x104x32xf32, #tpu.memory_space<vmem>>
      %dma_wait3A_231 = tpu.memref_squeeze %dma_wait3A_230 : memref<1x104x32xf32, #tpu.memory_space<vmem>> -> memref<104x32xf32, #tpu.memory_space<vmem>>
      %dma_wait3A_232 = arith.constant 0 : i32
      %dma_wait3A_233 = arith.constant 0 : i32
      %dma_wait3A_234 = tpu.memref_slice %arg2[%dma_wait3A_232, %dma_wait3A_233] : memref<3145728x32xf32, #tpu.memory_space<hbm>> -> memref<104x32xf32, #tpu.memory_space<hbm>>
      tpu.wait_dma2 semaphore(%arg11 : memref<!tpu.dma_semaphore, #tpu.memory_space<semaphore_mem>>) src(%dma_wait3A_234 : memref<104x32xf32, #tpu.memory_space<hbm>>) dst(%dma_wait3A_231 : memref<104x32xf32, #tpu.memory_space<vmem>>)
      %dma_wait3A_235 = arith.constant 4 : i32
      %dma_wait3A_236 = arith.constant 0 : i32
      %dma_wait3A_237 = arith.constant 0 : i32
      %dma_wait3A_238 = tpu.memref_slice %arg7[%dma_wait3A_235, %dma_wait3A_236, %dma_wait3A_237] : memref<12x104x32xf32, #tpu.memory_space<vmem>> -> memref<1x104x32xf32, #tpu.memory_space<vmem>>
      %dma_wait3A_239 = tpu.memref_squeeze %dma_wait3A_238 : memref<1x104x32xf32, #tpu.memory_space<vmem>> -> memref<104x32xf32, #tpu.memory_space<vmem>>
      %dma_wait3A_240 = arith.constant 0 : i32
      %dma_wait3A_241 = arith.constant 0 : i32
      %dma_wait3A_242 = tpu.memref_slice %arg2[%dma_wait3A_240, %dma_wait3A_241] : memref<3145728x32xf32, #tpu.memory_space<hbm>> -> memref<104x32xf32, #tpu.memory_space<hbm>>
      %dma_wait3A_243 = arith.constant 0 : i32
      %dma_wait3A_244 = arith.constant 0 : i32
      %dma_wait3A_245 = tpu.memref_slice %arg7[%dma_wait3A_235, %dma_wait3A_243, %dma_wait3A_244] : memref<12x104x32xf32, #tpu.memory_space<vmem>> -> memref<1x104x32xf32, #tpu.memory_space<vmem>>
      %dma_wait3A_246 = tpu.memref_squeeze %dma_wait3A_245 : memref<1x104x32xf32, #tpu.memory_space<vmem>> -> memref<104x32xf32, #tpu.memory_space<vmem>>
      %dma_wait3A_247 = arith.constant 0 : i32
      %dma_wait3A_248 = arith.constant 0 : i32
      %dma_wait3A_249 = tpu.memref_slice %arg2[%dma_wait3A_247, %dma_wait3A_248] : memref<3145728x32xf32, #tpu.memory_space<hbm>> -> memref<104x32xf32, #tpu.memory_space<hbm>>
      tpu.wait_dma2 semaphore(%arg11 : memref<!tpu.dma_semaphore, #tpu.memory_space<semaphore_mem>>) src(%dma_wait3A_249 : memref<104x32xf32, #tpu.memory_space<hbm>>) dst(%dma_wait3A_246 : memref<104x32xf32, #tpu.memory_space<vmem>>)
      %dma_wait3A_250 = arith.constant 5 : i32
      %dma_wait3A_251 = arith.constant 0 : i32
      %dma_wait3A_252 = arith.constant 0 : i32
      %dma_wait3A_253 = tpu.memref_slice %arg7[%dma_wait3A_250, %dma_wait3A_251, %dma_wait3A_252] : memref<12x104x32xf32, #tpu.memory_space<vmem>> -> memref<1x104x32xf32, #tpu.memory_space<vmem>>
      %dma_wait3A_254 = tpu.memref_squeeze %dma_wait3A_253 : memref<1x104x32xf32, #tpu.memory_space<vmem>> -> memref<104x32xf32, #tpu.memory_space<vmem>>
      %dma_wait3A_255 = arith.constant 0 : i32
      %dma_wait3A_256 = arith.constant 0 : i32
      %dma_wait3A_257 = tpu.memref_slice %arg2[%dma_wait3A_255, %dma_wait3A_256] : memref<3145728x32xf32, #tpu.memory_space<hbm>> -> memref<104x32xf32, #tpu.memory_space<hbm>>
      %dma_wait3A_258 = arith.constant 0 : i32
      %dma_wait3A_259 = arith.constant 0 : i32
      %dma_wait3A_260 = tpu.memref_slice %arg7[%dma_wait3A_250, %dma_wait3A_258, %dma_wait3A_259] : memref<12x104x32xf32, #tpu.memory_space<vmem>> -> memref<1x104x32xf32, #tpu.memory_space<vmem>>
      %dma_wait3A_261 = tpu.memref_squeeze %dma_wait3A_260 : memref<1x104x32xf32, #tpu.memory_space<vmem>> -> memref<104x32xf32, #tpu.memory_space<vmem>>
      %dma_wait3A_262 = arith.constant 0 : i32
      %dma_wait3A_263 = arith.constant 0 : i32
      %dma_wait3A_264 = tpu.memref_slice %arg2[%dma_wait3A_262, %dma_wait3A_263] : memref<3145728x32xf32, #tpu.memory_space<hbm>> -> memref<104x32xf32, #tpu.memory_space<hbm>>
      tpu.wait_dma2 semaphore(%arg11 : memref<!tpu.dma_semaphore, #tpu.memory_space<semaphore_mem>>) src(%dma_wait3A_264 : memref<104x32xf32, #tpu.memory_space<hbm>>) dst(%dma_wait3A_261 : memref<104x32xf32, #tpu.memory_space<vmem>>)
      %dma_wait3A_265 = arith.constant 6 : i32
      %dma_wait3A_266 = arith.constant 0 : i32
      %dma_wait3A_267 = arith.constant 0 : i32
      %dma_wait3A_268 = tpu.memref_slice %arg7[%dma_wait3A_265, %dma_wait3A_266, %dma_wait3A_267] : memref<12x104x32xf32, #tpu.memory_space<vmem>> -> memref<1x104x32xf32, #tpu.memory_space<vmem>>
      %dma_wait3A_269 = tpu.memref_squeeze %dma_wait3A_268 : memref<1x104x32xf32, #tpu.memory_space<vmem>> -> memref<104x32xf32, #tpu.memory_space<vmem>>
      %dma_wait3A_270 = arith.constant 0 : i32
      %dma_wait3A_271 = arith.constant 0 : i32
      %dma_wait3A_272 = tpu.memref_slice %arg2[%dma_wait3A_270, %dma_wait3A_271] : memref<3145728x32xf32, #tpu.memory_space<hbm>> -> memref<104x32xf32, #tpu.memory_space<hbm>>
      %dma_wait3A_273 = arith.constant 0 : i32
      %dma_wait3A_274 = arith.constant 0 : i32
      %dma_wait3A_275 = tpu.memref_slice %arg7[%dma_wait3A_265, %dma_wait3A_273, %dma_wait3A_274] : memref<12x104x32xf32, #tpu.memory_space<vmem>> -> memref<1x104x32xf32, #tpu.memory_space<vmem>>
      %dma_wait3A_276 = tpu.memref_squeeze %dma_wait3A_275 : memref<1x104x32xf32, #tpu.memory_space<vmem>> -> memref<104x32xf32, #tpu.memory_space<vmem>>
      %dma_wait3A_277 = arith.constant 0 : i32
      %dma_wait3A_278 = arith.constant 0 : i32
      %dma_wait3A_279 = tpu.memref_slice %arg2[%dma_wait3A_277, %dma_wait3A_278] : memref<3145728x32xf32, #tpu.memory_space<hbm>> -> memref<104x32xf32, #tpu.memory_space<hbm>>
      tpu.wait_dma2 semaphore(%arg11 : memref<!tpu.dma_semaphore, #tpu.memory_space<semaphore_mem>>) src(%dma_wait3A_279 : memref<104x32xf32, #tpu.memory_space<hbm>>) dst(%dma_wait3A_276 : memref<104x32xf32, #tpu.memory_space<vmem>>)
      %dma_wait3A_280 = arith.constant 7 : i32
      %dma_wait3A_281 = arith.constant 0 : i32
      %dma_wait3A_282 = arith.constant 0 : i32
      %dma_wait3A_283 = tpu.memref_slice %arg7[%dma_wait3A_280, %dma_wait3A_281, %dma_wait3A_282] : memref<12x104x32xf32, #tpu.memory_space<vmem>> -> memref<1x104x32xf32, #tpu.memory_space<vmem>>
      %dma_wait3A_284 = tpu.memref_squeeze %dma_wait3A_283 : memref<1x104x32xf32, #tpu.memory_space<vmem>> -> memref<104x32xf32, #tpu.memory_space<vmem>>
      %dma_wait3A_285 = arith.constant 0 : i32
      %dma_wait3A_286 = arith.constant 0 : i32
      %dma_wait3A_287 = tpu.memref_slice %arg2[%dma_wait3A_285, %dma_wait3A_286] : memref<3145728x32xf32, #tpu.memory_space<hbm>> -> memref<104x32xf32, #tpu.memory_space<hbm>>
      %dma_wait3A_288 = arith.constant 0 : i32
      %dma_wait3A_289 = arith.constant 0 : i32
      %dma_wait3A_290 = tpu.memref_slice %arg7[%dma_wait3A_280, %dma_wait3A_288, %dma_wait3A_289] : memref<12x104x32xf32, #tpu.memory_space<vmem>> -> memref<1x104x32xf32, #tpu.memory_space<vmem>>
      %dma_wait3A_291 = tpu.memref_squeeze %dma_wait3A_290 : memref<1x104x32xf32, #tpu.memory_space<vmem>> -> memref<104x32xf32, #tpu.memory_space<vmem>>
      %dma_wait3A_292 = arith.constant 0 : i32
      %dma_wait3A_293 = arith.constant 0 : i32
      %dma_wait3A_294 = tpu.memref_slice %arg2[%dma_wait3A_292, %dma_wait3A_293] : memref<3145728x32xf32, #tpu.memory_space<hbm>> -> memref<104x32xf32, #tpu.memory_space<hbm>>
      tpu.wait_dma2 semaphore(%arg11 : memref<!tpu.dma_semaphore, #tpu.memory_space<semaphore_mem>>) src(%dma_wait3A_294 : memref<104x32xf32, #tpu.memory_space<hbm>>) dst(%dma_wait3A_291 : memref<104x32xf32, #tpu.memory_space<vmem>>)
      %dma_wait3A_295 = arith.constant 8 : i32
      %dma_wait3A_296 = arith.constant 0 : i32
      %dma_wait3A_297 = arith.constant 0 : i32
      %dma_wait3A_298 = tpu.memref_slice %arg7[%dma_wait3A_295, %dma_wait3A_296, %dma_wait3A_297] : memref<12x104x32xf32, #tpu.memory_space<vmem>> -> memref<1x104x32xf32, #tpu.memory_space<vmem>>
      %dma_wait3A_299 = tpu.memref_squeeze %dma_wait3A_298 : memref<1x104x32xf32, #tpu.memory_space<vmem>> -> memref<104x32xf32, #tpu.memory_space<vmem>>
      %dma_wait3A_300 = arith.constant 0 : i32
      %dma_wait3A_301 = arith.constant 0 : i32
      %dma_wait3A_302 = tpu.memref_slice %arg2[%dma_wait3A_300, %dma_wait3A_301] : memref<3145728x32xf32, #tpu.memory_space<hbm>> -> memref<104x32xf32, #tpu.memory_space<hbm>>
      %dma_wait3A_303 = arith.constant 0 : i32
      %dma_wait3A_304 = arith.constant 0 : i32
      %dma_wait3A_305 = tpu.memref_slice %arg7[%dma_wait3A_295, %dma_wait3A_303, %dma_wait3A_304] : memref<12x104x32xf32, #tpu.memory_space<vmem>> -> memref<1x104x32xf32, #tpu.memory_space<vmem>>
      %dma_wait3A_306 = tpu.memref_squeeze %dma_wait3A_305 : memref<1x104x32xf32, #tpu.memory_space<vmem>> -> memref<104x32xf32, #tpu.memory_space<vmem>>
      %dma_wait3A_307 = arith.constant 0 : i32
      %dma_wait3A_308 = arith.constant 0 : i32
      %dma_wait3A_309 = tpu.memref_slice %arg2[%dma_wait3A_307, %dma_wait3A_308] : memref<3145728x32xf32, #tpu.memory_space<hbm>> -> memref<104x32xf32, #tpu.memory_space<hbm>>
      tpu.wait_dma2 semaphore(%arg11 : memref<!tpu.dma_semaphore, #tpu.memory_space<semaphore_mem>>) src(%dma_wait3A_309 : memref<104x32xf32, #tpu.memory_space<hbm>>) dst(%dma_wait3A_306 : memref<104x32xf32, #tpu.memory_space<vmem>>)
      %dma_wait3A_310 = arith.constant 9 : i32
      %dma_wait3A_311 = arith.constant 0 : i32
      %dma_wait3A_312 = arith.constant 0 : i32
      %dma_wait3A_313 = tpu.memref_slice %arg7[%dma_wait3A_310, %dma_wait3A_311, %dma_wait3A_312] : memref<12x104x32xf32, #tpu.memory_space<vmem>> -> memref<1x104x32xf32, #tpu.memory_space<vmem>>
      %dma_wait3A_314 = tpu.memref_squeeze %dma_wait3A_313 : memref<1x104x32xf32, #tpu.memory_space<vmem>> -> memref<104x32xf32, #tpu.memory_space<vmem>>
      %dma_wait3A_315 = arith.constant 0 : i32
      %dma_wait3A_316 = arith.constant 0 : i32
      %dma_wait3A_317 = tpu.memref_slice %arg2[%dma_wait3A_315, %dma_wait3A_316] : memref<3145728x32xf32, #tpu.memory_space<hbm>> -> memref<104x32xf32, #tpu.memory_space<hbm>>
      %dma_wait3A_318 = arith.constant 0 : i32
      %dma_wait3A_319 = arith.constant 0 : i32
      %dma_wait3A_320 = tpu.memref_slice %arg7[%dma_wait3A_310, %dma_wait3A_318, %dma_wait3A_319] : memref<12x104x32xf32, #tpu.memory_space<vmem>> -> memref<1x104x32xf32, #tpu.memory_space<vmem>>
      %dma_wait3A_321 = tpu.memref_squeeze %dma_wait3A_320 : memref<1x104x32xf32, #tpu.memory_space<vmem>> -> memref<104x32xf32, #tpu.memory_space<vmem>>
      %dma_wait3A_322 = arith.constant 0 : i32
      %dma_wait3A_323 = arith.constant 0 : i32
      %dma_wait3A_324 = tpu.memref_slice %arg2[%dma_wait3A_322, %dma_wait3A_323] : memref<3145728x32xf32, #tpu.memory_space<hbm>> -> memref<104x32xf32, #tpu.memory_space<hbm>>
      tpu.wait_dma2 semaphore(%arg11 : memref<!tpu.dma_semaphore, #tpu.memory_space<semaphore_mem>>) src(%dma_wait3A_324 : memref<104x32xf32, #tpu.memory_space<hbm>>) dst(%dma_wait3A_321 : memref<104x32xf32, #tpu.memory_space<vmem>>)
      %dma_wait3A_325 = arith.constant 10 : i32
      %dma_wait3A_326 = arith.constant 0 : i32
      %dma_wait3A_327 = arith.constant 0 : i32
      %dma_wait3A_328 = tpu.memref_slice %arg7[%dma_wait3A_325, %dma_wait3A_326, %dma_wait3A_327] : memref<12x104x32xf32, #tpu.memory_space<vmem>> -> memref<1x104x32xf32, #tpu.memory_space<vmem>>
      %dma_wait3A_329 = tpu.memref_squeeze %dma_wait3A_328 : memref<1x104x32xf32, #tpu.memory_space<vmem>> -> memref<104x32xf32, #tpu.memory_space<vmem>>
      %dma_wait3A_330 = arith.constant 0 : i32
      %dma_wait3A_331 = arith.constant 0 : i32
      %dma_wait3A_332 = tpu.memref_slice %arg2[%dma_wait3A_330, %dma_wait3A_331] : memref<3145728x32xf32, #tpu.memory_space<hbm>> -> memref<104x32xf32, #tpu.memory_space<hbm>>
      %dma_wait3A_333 = arith.constant 0 : i32
      %dma_wait3A_334 = arith.constant 0 : i32
      %dma_wait3A_335 = tpu.memref_slice %arg7[%dma_wait3A_325, %dma_wait3A_333, %dma_wait3A_334] : memref<12x104x32xf32, #tpu.memory_space<vmem>> -> memref<1x104x32xf32, #tpu.memory_space<vmem>>
      %dma_wait3A_336 = tpu.memref_squeeze %dma_wait3A_335 : memref<1x104x32xf32, #tpu.memory_space<vmem>> -> memref<104x32xf32, #tpu.memory_space<vmem>>
      %dma_wait3A_337 = arith.constant 0 : i32
      %dma_wait3A_338 = arith.constant 0 : i32
      %dma_wait3A_339 = tpu.memref_slice %arg2[%dma_wait3A_337, %dma_wait3A_338] : memref<3145728x32xf32, #tpu.memory_space<hbm>> -> memref<104x32xf32, #tpu.memory_space<hbm>>
      tpu.wait_dma2 semaphore(%arg11 : memref<!tpu.dma_semaphore, #tpu.memory_space<semaphore_mem>>) src(%dma_wait3A_339 : memref<104x32xf32, #tpu.memory_space<hbm>>) dst(%dma_wait3A_336 : memref<104x32xf32, #tpu.memory_space<vmem>>)
      %dma_wait3A_340 = arith.constant 11 : i32
      %dma_wait3A_341 = arith.constant 0 : i32
      %dma_wait3A_342 = arith.constant 0 : i32
      %dma_wait3A_343 = tpu.memref_slice %arg7[%dma_wait3A_340, %dma_wait3A_341, %dma_wait3A_342] : memref<12x104x32xf32, #tpu.memory_space<vmem>> -> memref<1x104x32xf32, #tpu.memory_space<vmem>>
      %dma_wait3A_344 = tpu.memref_squeeze %dma_wait3A_343 : memref<1x104x32xf32, #tpu.memory_space<vmem>> -> memref<104x32xf32, #tpu.memory_space<vmem>>
      %dma_wait3A_345 = arith.constant 0 : i32
      %dma_wait3A_346 = arith.constant 0 : i32
      %dma_wait3A_347 = tpu.memref_slice %arg2[%dma_wait3A_345, %dma_wait3A_346] : memref<3145728x32xf32, #tpu.memory_space<hbm>> -> memref<104x32xf32, #tpu.memory_space<hbm>>
      %dma_wait3A_348 = arith.constant 0 : i32
      %dma_wait3A_349 = arith.constant 0 : i32
      %dma_wait3A_350 = tpu.memref_slice %arg7[%dma_wait3A_340, %dma_wait3A_348, %dma_wait3A_349] : memref<12x104x32xf32, #tpu.memory_space<vmem>> -> memref<1x104x32xf32, #tpu.memory_space<vmem>>
      %dma_wait3A_351 = tpu.memref_squeeze %dma_wait3A_350 : memref<1x104x32xf32, #tpu.memory_space<vmem>> -> memref<104x32xf32, #tpu.memory_space<vmem>>
      %dma_wait3A_352 = arith.constant 0 : i32
      %dma_wait3A_353 = arith.constant 0 : i32
      %dma_wait3A_354 = tpu.memref_slice %arg2[%dma_wait3A_352, %dma_wait3A_353] : memref<3145728x32xf32, #tpu.memory_space<hbm>> -> memref<104x32xf32, #tpu.memory_space<hbm>>
      tpu.wait_dma2 semaphore(%arg11 : memref<!tpu.dma_semaphore, #tpu.memory_space<semaphore_mem>>) src(%dma_wait3A_354 : memref<104x32xf32, #tpu.memory_space<hbm>>) dst(%dma_wait3A_351 : memref<104x32xf32, #tpu.memory_space<vmem>>)
      %add3A_355 = arith.constant 2 : i32
      %add3A_356 = arith.addi %add3A_174, %add3A_355 : i32
      %lt3A = arith.constant 338 : i32
      %lt3A_357 = arith.cmpi slt, %add3A_356, %lt3A : i32
      %convert_element_type3A = arith.extui %lt3A_357 : i1 to i32
      %cond3A = arith.constant 0 : i32
      %cond3A_358 = arith.cmpi ne, %convert_element_type3A, %cond3A : i32
      scf.if %cond3A_358 {
        %add3A_599 = arith.constant 2 : i32
        %add3A_600 = arith.addi %add3A_174, %add3A_599 : i32
        %dma_start3A_601 = arith.constant 0 : i32
        %dma_start3A_602 = arith.constant 0 : i32
        %dma_start3A_603 = tpu.memref_slice %arg3[%dma_start3A_601, %add3A, %add3A_600, %dma_start3A_602] : memref<12x32x338x104xi32, #tpu.memory_space<hbm>> -> memref<12x1x1x104xi32, #tpu.memory_space<hbm>>
        %dma_start3A_604 = tpu.memref_squeeze %dma_start3A_603 : memref<12x1x1x104xi32, #tpu.memory_space<hbm>> -> memref<12x104xi32, #tpu.memory_space<hbm>>
        %dma_start3A_605 = arith.constant 0 : i32
        %dma_start3A_606 = arith.constant 0 : i32
        %dma_start3A_607 = tpu.memref_slice %arg3[%dma_start3A_605, %add3A, %add3A_600, %dma_start3A_606] : memref<12x32x338x104xi32, #tpu.memory_space<hbm>> -> memref<12x1x1x104xi32, #tpu.memory_space<hbm>>
        %dma_start3A_608 = tpu.memref_squeeze %dma_start3A_607 : memref<12x1x1x104xi32, #tpu.memory_space<hbm>> -> memref<12x104xi32, #tpu.memory_space<hbm>>
        tpu.enqueue_dma source(%dma_start3A_608 : memref<12x104xi32, #tpu.memory_space<hbm>>) target(%arg5 : memref<12x104xi32, #tpu.memory_space<vmem>>) target_semaphore(%arg13 : memref<!tpu.dma_semaphore, #tpu.memory_space<semaphore_mem>>)
      } else {
      }
      %add3A_359 = arith.constant 1 : i32
      %add3A_360 = arith.addi %add3A_174, %add3A_359 : i32
      %lt3A_361 = arith.constant 338 : i32
      %lt3A_362 = arith.cmpi slt, %add3A_360, %lt3A_361 : i32
      %convert_element_type3A_363 = arith.extui %lt3A_362 : i1 to i32
      %cond3A_364 = arith.constant 0 : i32
      %cond3A_365 = arith.cmpi ne, %convert_element_type3A_363, %cond3A_364 : i32
      scf.if %cond3A_365 {
        %dma_wait3A_599 = arith.constant 0 : i32
        %dma_wait3A_600 = arith.constant 0 : i32
        %dma_wait3A_601 = arith.constant 0 : i32
        %dma_wait3A_602 = tpu.memref_slice %arg3[%dma_wait3A_600, %add3A, %dma_wait3A_599, %dma_wait3A_601] : memref<12x32x338x104xi32, #tpu.memory_space<hbm>> -> memref<12x1x1x104xi32, #tpu.memory_space<hbm>>
        %dma_wait3A_603 = tpu.memref_squeeze %dma_wait3A_602 : memref<12x1x1x104xi32, #tpu.memory_space<hbm>> -> memref<12x104xi32, #tpu.memory_space<hbm>>
        %dma_wait3A_604 = arith.constant 0 : i32
        %dma_wait3A_605 = arith.constant 0 : i32
        %dma_wait3A_606 = tpu.memref_slice %arg3[%dma_wait3A_604, %add3A, %dma_wait3A_599, %dma_wait3A_605] : memref<12x32x338x104xi32, #tpu.memory_space<hbm>> -> memref<12x1x1x104xi32, #tpu.memory_space<hbm>>
        %dma_wait3A_607 = tpu.memref_squeeze %dma_wait3A_606 : memref<12x1x1x104xi32, #tpu.memory_space<hbm>> -> memref<12x104xi32, #tpu.memory_space<hbm>>
        tpu.wait_dma2 semaphore(%arg14 : memref<!tpu.dma_semaphore, #tpu.memory_space<semaphore_mem>>) src(%dma_wait3A_607 : memref<12x104xi32, #tpu.memory_space<hbm>>) dst(%arg6 : memref<12x104xi32, #tpu.memory_space<vmem>>)
        %dma_start3A_608 = arith.constant 0 : i32
        %dma_start3A_609 = arith.constant 0 : i32
        %dma_start3A_610 = arith.constant 0 : i32
        %dma_start3A_611 = arith.constant 0 : i32
        %dma_start3A_612 = tpu.memref_slice %arg8[%dma_start3A_609, %dma_start3A_610, %dma_start3A_611] : memref<12x104x32xf32, #tpu.memory_space<vmem>> -> memref<1x104x32xf32, #tpu.memory_space<vmem>>
        %dma_start3A_613 = tpu.memref_squeeze %dma_start3A_612 : memref<1x104x32xf32, #tpu.memory_space<vmem>> -> memref<104x32xf32, #tpu.memory_space<vmem>>
        %dma_start3A_614 = arith.constant 0 : i32
        %dma_start3A_615 = tpu.memref_slice %arg6[%dma_start3A_608, %dma_start3A_614] : memref<12x104xi32, #tpu.memory_space<vmem>> -> memref<1x104xi32, #tpu.memory_space<vmem>>
        %dma_start3A_616 = tpu.memref_squeeze %dma_start3A_615 : memref<1x104xi32, #tpu.memory_space<vmem>> -> memref<104xi32, #tpu.memory_space<vmem>>
        %dma_start3A_617 = arith.constant 0 : i32
        %dma_start3A_618 = arith.constant 0 : i32
        %dma_start3A_619 = tpu.memref_slice %arg2[%dma_start3A_617, %dma_start3A_618] : memref<3145728x32xf32, #tpu.memory_space<hbm>> -> memref<3145728x32xf32, #tpu.memory_space<hbm>>
        tpu.enqueue_indirect_dma source(%dma_start3A_619 : memref<3145728x32xf32, #tpu.memory_space<hbm>>) target(%dma_start3A_613 : memref<104x32xf32, #tpu.memory_space<vmem>>) offsets(%dma_start3A_616 : memref<104xi32, #tpu.memory_space<vmem>>) semaphore(%arg12 : memref<!tpu.dma_semaphore, #tpu.memory_space<semaphore_mem>>)
        %dma_start3A_620 = arith.constant 1 : i32
        %dma_start3A_621 = arith.constant 1 : i32
        %dma_start3A_622 = arith.constant 0 : i32
        %dma_start3A_623 = arith.constant 0 : i32
        %dma_start3A_624 = tpu.memref_slice %arg8[%dma_start3A_621, %dma_start3A_622, %dma_start3A_623] : memref<12x104x32xf32, #tpu.memory_space<vmem>> -> memref<1x104x32xf32, #tpu.memory_space<vmem>>
        %dma_start3A_625 = tpu.memref_squeeze %dma_start3A_624 : memref<1x104x32xf32, #tpu.memory_space<vmem>> -> memref<104x32xf32, #tpu.memory_space<vmem>>
        %dma_start3A_626 = arith.constant 0 : i32
        %dma_start3A_627 = tpu.memref_slice %arg6[%dma_start3A_620, %dma_start3A_626] : memref<12x104xi32, #tpu.memory_space<vmem>> -> memref<1x104xi32, #tpu.memory_space<vmem>>
        %dma_start3A_628 = tpu.memref_squeeze %dma_start3A_627 : memref<1x104xi32, #tpu.memory_space<vmem>> -> memref<104xi32, #tpu.memory_space<vmem>>
        %dma_start3A_629 = arith.constant 0 : i32
        %dma_start3A_630 = arith.constant 0 : i32
        %dma_start3A_631 = tpu.memref_slice %arg2[%dma_start3A_629, %dma_start3A_630] : memref<3145728x32xf32, #tpu.memory_space<hbm>> -> memref<3145728x32xf32, #tpu.memory_space<hbm>>
        tpu.enqueue_indirect_dma source(%dma_start3A_631 : memref<3145728x32xf32, #tpu.memory_space<hbm>>) target(%dma_start3A_625 : memref<104x32xf32, #tpu.memory_space<vmem>>) offsets(%dma_start3A_628 : memref<104xi32, #tpu.memory_space<vmem>>) semaphore(%arg12 : memref<!tpu.dma_semaphore, #tpu.memory_space<semaphore_mem>>)
        %dma_start3A_632 = arith.constant 2 : i32
        %dma_start3A_633 = arith.constant 2 : i32
        %dma_start3A_634 = arith.constant 0 : i32
        %dma_start3A_635 = arith.constant 0 : i32
        %dma_start3A_636 = tpu.memref_slice %arg8[%dma_start3A_633, %dma_start3A_634, %dma_start3A_635] : memref<12x104x32xf32, #tpu.memory_space<vmem>> -> memref<1x104x32xf32, #tpu.memory_space<vmem>>
        %dma_start3A_637 = tpu.memref_squeeze %dma_start3A_636 : memref<1x104x32xf32, #tpu.memory_space<vmem>> -> memref<104x32xf32, #tpu.memory_space<vmem>>
        %dma_start3A_638 = arith.constant 0 : i32
        %dma_start3A_639 = tpu.memref_slice %arg6[%dma_start3A_632, %dma_start3A_638] : memref<12x104xi32, #tpu.memory_space<vmem>> -> memref<1x104xi32, #tpu.memory_space<vmem>>
        %dma_start3A_640 = tpu.memref_squeeze %dma_start3A_639 : memref<1x104xi32, #tpu.memory_space<vmem>> -> memref<104xi32, #tpu.memory_space<vmem>>
        %dma_start3A_641 = arith.constant 0 : i32
        %dma_start3A_642 = arith.constant 0 : i32
        %dma_start3A_643 = tpu.memref_slice %arg2[%dma_start3A_641, %dma_start3A_642] : memref<3145728x32xf32, #tpu.memory_space<hbm>> -> memref<3145728x32xf32, #tpu.memory_space<hbm>>
        tpu.enqueue_indirect_dma source(%dma_start3A_643 : memref<3145728x32xf32, #tpu.memory_space<hbm>>) target(%dma_start3A_637 : memref<104x32xf32, #tpu.memory_space<vmem>>) offsets(%dma_start3A_640 : memref<104xi32, #tpu.memory_space<vmem>>) semaphore(%arg12 : memref<!tpu.dma_semaphore, #tpu.memory_space<semaphore_mem>>)
        %dma_start3A_644 = arith.constant 3 : i32
        %dma_start3A_645 = arith.constant 3 : i32
        %dma_start3A_646 = arith.constant 0 : i32
        %dma_start3A_647 = arith.constant 0 : i32
        %dma_start3A_648 = tpu.memref_slice %arg8[%dma_start3A_645, %dma_start3A_646, %dma_start3A_647] : memref<12x104x32xf32, #tpu.memory_space<vmem>> -> memref<1x104x32xf32, #tpu.memory_space<vmem>>
        %dma_start3A_649 = tpu.memref_squeeze %dma_start3A_648 : memref<1x104x32xf32, #tpu.memory_space<vmem>> -> memref<104x32xf32, #tpu.memory_space<vmem>>
        %dma_start3A_650 = arith.constant 0 : i32
        %dma_start3A_651 = tpu.memref_slice %arg6[%dma_start3A_644, %dma_start3A_650] : memref<12x104xi32, #tpu.memory_space<vmem>> -> memref<1x104xi32, #tpu.memory_space<vmem>>
        %dma_start3A_652 = tpu.memref_squeeze %dma_start3A_651 : memref<1x104xi32, #tpu.memory_space<vmem>> -> memref<104xi32, #tpu.memory_space<vmem>>
        %dma_start3A_653 = arith.constant 0 : i32
        %dma_start3A_654 = arith.constant 0 : i32
        %dma_start3A_655 = tpu.memref_slice %arg2[%dma_start3A_653, %dma_start3A_654] : memref<3145728x32xf32, #tpu.memory_space<hbm>> -> memref<3145728x32xf32, #tpu.memory_space<hbm>>
        tpu.enqueue_indirect_dma source(%dma_start3A_655 : memref<3145728x32xf32, #tpu.memory_space<hbm>>) target(%dma_start3A_649 : memref<104x32xf32, #tpu.memory_space<vmem>>) offsets(%dma_start3A_652 : memref<104xi32, #tpu.memory_space<vmem>>) semaphore(%arg12 : memref<!tpu.dma_semaphore, #tpu.memory_space<semaphore_mem>>)
        %dma_start3A_656 = arith.constant 4 : i32
        %dma_start3A_657 = arith.constant 4 : i32
        %dma_start3A_658 = arith.constant 0 : i32
        %dma_start3A_659 = arith.constant 0 : i32
        %dma_start3A_660 = tpu.memref_slice %arg8[%dma_start3A_657, %dma_start3A_658, %dma_start3A_659] : memref<12x104x32xf32, #tpu.memory_space<vmem>> -> memref<1x104x32xf32, #tpu.memory_space<vmem>>
        %dma_start3A_661 = tpu.memref_squeeze %dma_start3A_660 : memref<1x104x32xf32, #tpu.memory_space<vmem>> -> memref<104x32xf32, #tpu.memory_space<vmem>>
        %dma_start3A_662 = arith.constant 0 : i32
        %dma_start3A_663 = tpu.memref_slice %arg6[%dma_start3A_656, %dma_start3A_662] : memref<12x104xi32, #tpu.memory_space<vmem>> -> memref<1x104xi32, #tpu.memory_space<vmem>>
        %dma_start3A_664 = tpu.memref_squeeze %dma_start3A_663 : memref<1x104xi32, #tpu.memory_space<vmem>> -> memref<104xi32, #tpu.memory_space<vmem>>
        %dma_start3A_665 = arith.constant 0 : i32
        %dma_start3A_666 = arith.constant 0 : i32
        %dma_start3A_667 = tpu.memref_slice %arg2[%dma_start3A_665, %dma_start3A_666] : memref<3145728x32xf32, #tpu.memory_space<hbm>> -> memref<3145728x32xf32, #tpu.memory_space<hbm>>
        tpu.enqueue_indirect_dma source(%dma_start3A_667 : memref<3145728x32xf32, #tpu.memory_space<hbm>>) target(%dma_start3A_661 : memref<104x32xf32, #tpu.memory_space<vmem>>) offsets(%dma_start3A_664 : memref<104xi32, #tpu.memory_space<vmem>>) semaphore(%arg12 : memref<!tpu.dma_semaphore, #tpu.memory_space<semaphore_mem>>)
        %dma_start3A_668 = arith.constant 5 : i32
        %dma_start3A_669 = arith.constant 5 : i32
        %dma_start3A_670 = arith.constant 0 : i32
        %dma_start3A_671 = arith.constant 0 : i32
        %dma_start3A_672 = tpu.memref_slice %arg8[%dma_start3A_669, %dma_start3A_670, %dma_start3A_671] : memref<12x104x32xf32, #tpu.memory_space<vmem>> -> memref<1x104x32xf32, #tpu.memory_space<vmem>>
        %dma_start3A_673 = tpu.memref_squeeze %dma_start3A_672 : memref<1x104x32xf32, #tpu.memory_space<vmem>> -> memref<104x32xf32, #tpu.memory_space<vmem>>
        %dma_start3A_674 = arith.constant 0 : i32
        %dma_start3A_675 = tpu.memref_slice %arg6[%dma_start3A_668, %dma_start3A_674] : memref<12x104xi32, #tpu.memory_space<vmem>> -> memref<1x104xi32, #tpu.memory_space<vmem>>
        %dma_start3A_676 = tpu.memref_squeeze %dma_start3A_675 : memref<1x104xi32, #tpu.memory_space<vmem>> -> memref<104xi32, #tpu.memory_space<vmem>>
        %dma_start3A_677 = arith.constant 0 : i32
        %dma_start3A_678 = arith.constant 0 : i32
        %dma_start3A_679 = tpu.memref_slice %arg2[%dma_start3A_677, %dma_start3A_678] : memref<3145728x32xf32, #tpu.memory_space<hbm>> -> memref<3145728x32xf32, #tpu.memory_space<hbm>>
        tpu.enqueue_indirect_dma source(%dma_start3A_679 : memref<3145728x32xf32, #tpu.memory_space<hbm>>) target(%dma_start3A_673 : memref<104x32xf32, #tpu.memory_space<vmem>>) offsets(%dma_start3A_676 : memref<104xi32, #tpu.memory_space<vmem>>) semaphore(%arg12 : memref<!tpu.dma_semaphore, #tpu.memory_space<semaphore_mem>>)
        %dma_start3A_680 = arith.constant 6 : i32
        %dma_start3A_681 = arith.constant 6 : i32
        %dma_start3A_682 = arith.constant 0 : i32
        %dma_start3A_683 = arith.constant 0 : i32
        %dma_start3A_684 = tpu.memref_slice %arg8[%dma_start3A_681, %dma_start3A_682, %dma_start3A_683] : memref<12x104x32xf32, #tpu.memory_space<vmem>> -> memref<1x104x32xf32, #tpu.memory_space<vmem>>
        %dma_start3A_685 = tpu.memref_squeeze %dma_start3A_684 : memref<1x104x32xf32, #tpu.memory_space<vmem>> -> memref<104x32xf32, #tpu.memory_space<vmem>>
        %dma_start3A_686 = arith.constant 0 : i32
        %dma_start3A_687 = tpu.memref_slice %arg6[%dma_start3A_680, %dma_start3A_686] : memref<12x104xi32, #tpu.memory_space<vmem>> -> memref<1x104xi32, #tpu.memory_space<vmem>>
        %dma_start3A_688 = tpu.memref_squeeze %dma_start3A_687 : memref<1x104xi32, #tpu.memory_space<vmem>> -> memref<104xi32, #tpu.memory_space<vmem>>
        %dma_start3A_689 = arith.constant 0 : i32
        %dma_start3A_690 = arith.constant 0 : i32
        %dma_start3A_691 = tpu.memref_slice %arg2[%dma_start3A_689, %dma_start3A_690] : memref<3145728x32xf32, #tpu.memory_space<hbm>> -> memref<3145728x32xf32, #tpu.memory_space<hbm>>
        tpu.enqueue_indirect_dma source(%dma_start3A_691 : memref<3145728x32xf32, #tpu.memory_space<hbm>>) target(%dma_start3A_685 : memref<104x32xf32, #tpu.memory_space<vmem>>) offsets(%dma_start3A_688 : memref<104xi32, #tpu.memory_space<vmem>>) semaphore(%arg12 : memref<!tpu.dma_semaphore, #tpu.memory_space<semaphore_mem>>)
        %dma_start3A_692 = arith.constant 7 : i32
        %dma_start3A_693 = arith.constant 7 : i32
        %dma_start3A_694 = arith.constant 0 : i32
        %dma_start3A_695 = arith.constant 0 : i32
        %dma_start3A_696 = tpu.memref_slice %arg8[%dma_start3A_693, %dma_start3A_694, %dma_start3A_695] : memref<12x104x32xf32, #tpu.memory_space<vmem>> -> memref<1x104x32xf32, #tpu.memory_space<vmem>>
        %dma_start3A_697 = tpu.memref_squeeze %dma_start3A_696 : memref<1x104x32xf32, #tpu.memory_space<vmem>> -> memref<104x32xf32, #tpu.memory_space<vmem>>
        %dma_start3A_698 = arith.constant 0 : i32
        %dma_start3A_699 = tpu.memref_slice %arg6[%dma_start3A_692, %dma_start3A_698] : memref<12x104xi32, #tpu.memory_space<vmem>> -> memref<1x104xi32, #tpu.memory_space<vmem>>
        %dma_start3A_700 = tpu.memref_squeeze %dma_start3A_699 : memref<1x104xi32, #tpu.memory_space<vmem>> -> memref<104xi32, #tpu.memory_space<vmem>>
        %dma_start3A_701 = arith.constant 0 : i32
        %dma_start3A_702 = arith.constant 0 : i32
        %dma_start3A_703 = tpu.memref_slice %arg2[%dma_start3A_701, %dma_start3A_702] : memref<3145728x32xf32, #tpu.memory_space<hbm>> -> memref<3145728x32xf32, #tpu.memory_space<hbm>>
        tpu.enqueue_indirect_dma source(%dma_start3A_703 : memref<3145728x32xf32, #tpu.memory_space<hbm>>) target(%dma_start3A_697 : memref<104x32xf32, #tpu.memory_space<vmem>>) offsets(%dma_start3A_700 : memref<104xi32, #tpu.memory_space<vmem>>) semaphore(%arg12 : memref<!tpu.dma_semaphore, #tpu.memory_space<semaphore_mem>>)
        %dma_start3A_704 = arith.constant 8 : i32
        %dma_start3A_705 = arith.constant 8 : i32
        %dma_start3A_706 = arith.constant 0 : i32
        %dma_start3A_707 = arith.constant 0 : i32
        %dma_start3A_708 = tpu.memref_slice %arg8[%dma_start3A_705, %dma_start3A_706, %dma_start3A_707] : memref<12x104x32xf32, #tpu.memory_space<vmem>> -> memref<1x104x32xf32, #tpu.memory_space<vmem>>
        %dma_start3A_709 = tpu.memref_squeeze %dma_start3A_708 : memref<1x104x32xf32, #tpu.memory_space<vmem>> -> memref<104x32xf32, #tpu.memory_space<vmem>>
        %dma_start3A_710 = arith.constant 0 : i32
        %dma_start3A_711 = tpu.memref_slice %arg6[%dma_start3A_704, %dma_start3A_710] : memref<12x104xi32, #tpu.memory_space<vmem>> -> memref<1x104xi32, #tpu.memory_space<vmem>>
        %dma_start3A_712 = tpu.memref_squeeze %dma_start3A_711 : memref<1x104xi32, #tpu.memory_space<vmem>> -> memref<104xi32, #tpu.memory_space<vmem>>
        %dma_start3A_713 = arith.constant 0 : i32
        %dma_start3A_714 = arith.constant 0 : i32
        %dma_start3A_715 = tpu.memref_slice %arg2[%dma_start3A_713, %dma_start3A_714] : memref<3145728x32xf32, #tpu.memory_space<hbm>> -> memref<3145728x32xf32, #tpu.memory_space<hbm>>
        tpu.enqueue_indirect_dma source(%dma_start3A_715 : memref<3145728x32xf32, #tpu.memory_space<hbm>>) target(%dma_start3A_709 : memref<104x32xf32, #tpu.memory_space<vmem>>) offsets(%dma_start3A_712 : memref<104xi32, #tpu.memory_space<vmem>>) semaphore(%arg12 : memref<!tpu.dma_semaphore, #tpu.memory_space<semaphore_mem>>)
        %dma_start3A_716 = arith.constant 9 : i32
        %dma_start3A_717 = arith.constant 9 : i32
        %dma_start3A_718 = arith.constant 0 : i32
        %dma_start3A_719 = arith.constant 0 : i32
        %dma_start3A_720 = tpu.memref_slice %arg8[%dma_start3A_717, %dma_start3A_718, %dma_start3A_719] : memref<12x104x32xf32, #tpu.memory_space<vmem>> -> memref<1x104x32xf32, #tpu.memory_space<vmem>>
        %dma_start3A_721 = tpu.memref_squeeze %dma_start3A_720 : memref<1x104x32xf32, #tpu.memory_space<vmem>> -> memref<104x32xf32, #tpu.memory_space<vmem>>
        %dma_start3A_722 = arith.constant 0 : i32
        %dma_start3A_723 = tpu.memref_slice %arg6[%dma_start3A_716, %dma_start3A_722] : memref<12x104xi32, #tpu.memory_space<vmem>> -> memref<1x104xi32, #tpu.memory_space<vmem>>
        %dma_start3A_724 = tpu.memref_squeeze %dma_start3A_723 : memref<1x104xi32, #tpu.memory_space<vmem>> -> memref<104xi32, #tpu.memory_space<vmem>>
        %dma_start3A_725 = arith.constant 0 : i32
        %dma_start3A_726 = arith.constant 0 : i32
        %dma_start3A_727 = tpu.memref_slice %arg2[%dma_start3A_725, %dma_start3A_726] : memref<3145728x32xf32, #tpu.memory_space<hbm>> -> memref<3145728x32xf32, #tpu.memory_space<hbm>>
        tpu.enqueue_indirect_dma source(%dma_start3A_727 : memref<3145728x32xf32, #tpu.memory_space<hbm>>) target(%dma_start3A_721 : memref<104x32xf32, #tpu.memory_space<vmem>>) offsets(%dma_start3A_724 : memref<104xi32, #tpu.memory_space<vmem>>) semaphore(%arg12 : memref<!tpu.dma_semaphore, #tpu.memory_space<semaphore_mem>>)
        %dma_start3A_728 = arith.constant 10 : i32
        %dma_start3A_729 = arith.constant 10 : i32
        %dma_start3A_730 = arith.constant 0 : i32
        %dma_start3A_731 = arith.constant 0 : i32
        %dma_start3A_732 = tpu.memref_slice %arg8[%dma_start3A_729, %dma_start3A_730, %dma_start3A_731] : memref<12x104x32xf32, #tpu.memory_space<vmem>> -> memref<1x104x32xf32, #tpu.memory_space<vmem>>
        %dma_start3A_733 = tpu.memref_squeeze %dma_start3A_732 : memref<1x104x32xf32, #tpu.memory_space<vmem>> -> memref<104x32xf32, #tpu.memory_space<vmem>>
        %dma_start3A_734 = arith.constant 0 : i32
        %dma_start3A_735 = tpu.memref_slice %arg6[%dma_start3A_728, %dma_start3A_734] : memref<12x104xi32, #tpu.memory_space<vmem>> -> memref<1x104xi32, #tpu.memory_space<vmem>>
        %dma_start3A_736 = tpu.memref_squeeze %dma_start3A_735 : memref<1x104xi32, #tpu.memory_space<vmem>> -> memref<104xi32, #tpu.memory_space<vmem>>
        %dma_start3A_737 = arith.constant 0 : i32
        %dma_start3A_738 = arith.constant 0 : i32
        %dma_start3A_739 = tpu.memref_slice %arg2[%dma_start3A_737, %dma_start3A_738] : memref<3145728x32xf32, #tpu.memory_space<hbm>> -> memref<3145728x32xf32, #tpu.memory_space<hbm>>
        tpu.enqueue_indirect_dma source(%dma_start3A_739 : memref<3145728x32xf32, #tpu.memory_space<hbm>>) target(%dma_start3A_733 : memref<104x32xf32, #tpu.memory_space<vmem>>) offsets(%dma_start3A_736 : memref<104xi32, #tpu.memory_space<vmem>>) semaphore(%arg12 : memref<!tpu.dma_semaphore, #tpu.memory_space<semaphore_mem>>)
        %dma_start3A_740 = arith.constant 11 : i32
        %dma_start3A_741 = arith.constant 11 : i32
        %dma_start3A_742 = arith.constant 0 : i32
        %dma_start3A_743 = arith.constant 0 : i32
        %dma_start3A_744 = tpu.memref_slice %arg8[%dma_start3A_741, %dma_start3A_742, %dma_start3A_743] : memref<12x104x32xf32, #tpu.memory_space<vmem>> -> memref<1x104x32xf32, #tpu.memory_space<vmem>>
        %dma_start3A_745 = tpu.memref_squeeze %dma_start3A_744 : memref<1x104x32xf32, #tpu.memory_space<vmem>> -> memref<104x32xf32, #tpu.memory_space<vmem>>
        %dma_start3A_746 = arith.constant 0 : i32
        %dma_start3A_747 = tpu.memref_slice %arg6[%dma_start3A_740, %dma_start3A_746] : memref<12x104xi32, #tpu.memory_space<vmem>> -> memref<1x104xi32, #tpu.memory_space<vmem>>
        %dma_start3A_748 = tpu.memref_squeeze %dma_start3A_747 : memref<1x104xi32, #tpu.memory_space<vmem>> -> memref<104xi32, #tpu.memory_space<vmem>>
        %dma_start3A_749 = arith.constant 0 : i32
        %dma_start3A_750 = arith.constant 0 : i32
        %dma_start3A_751 = tpu.memref_slice %arg2[%dma_start3A_749, %dma_start3A_750] : memref<3145728x32xf32, #tpu.memory_space<hbm>> -> memref<3145728x32xf32, #tpu.memory_space<hbm>>
        tpu.enqueue_indirect_dma source(%dma_start3A_751 : memref<3145728x32xf32, #tpu.memory_space<hbm>>) target(%dma_start3A_745 : memref<104x32xf32, #tpu.memory_space<vmem>>) offsets(%dma_start3A_748 : memref<104xi32, #tpu.memory_space<vmem>>) semaphore(%arg12 : memref<!tpu.dma_semaphore, #tpu.memory_space<semaphore_mem>>)
      } else {
      }
      %ge3A = arith.constant 2 : i32
      %ge3A_366 = arith.cmpi sge, %add3A_174, %ge3A : i32
      %convert_element_type3A_367 = arith.extui %ge3A_366 : i1 to i32
      %cond3A_368 = arith.constant 0 : i32
      %cond3A_369 = arith.cmpi ne, %convert_element_type3A_367, %cond3A_368 : i32
      scf.if %cond3A_369 {
        %dma_wait3A_599 = arith.constant 0 : i32
        %dma_wait3A_600 = arith.constant 0 : i32
        %dma_wait3A_601 = tpu.memref_slice %arg4[%dma_wait3A_599, %dma_wait3A_600] : memref<1124864x32xf32, #tpu.memory_space<hbm>> -> memref<104x32xf32, #tpu.memory_space<hbm>>
        %dma_wait3A_602 = arith.constant 0 : i32
        %dma_wait3A_603 = arith.constant 0 : i32
        %dma_wait3A_604 = tpu.memref_slice %arg4[%dma_wait3A_602, %dma_wait3A_603] : memref<1124864x32xf32, #tpu.memory_space<hbm>> -> memref<104x32xf32, #tpu.memory_space<hbm>>
        tpu.wait_dma2 semaphore(%arg15 : memref<!tpu.dma_semaphore, #tpu.memory_space<semaphore_mem>>) src(%dma_wait3A_604 : memref<104x32xf32, #tpu.memory_space<hbm>>) dst(%arg9 : memref<104x32xf32, #tpu.memory_space<vmem>>)
      } else {
      }
      %scan3A_370 = arith.constant 0 : i32
      %scan3A_371 = arith.constant 104 : i32
      %scan3A_372 = arith.addi %scan3A_370, %scan3A_371 : i32
      %scan3A_373 = arith.constant 1 : i32
      scf.for %scan3A_599 = %scan3A_370 to %scan3A_372 step %scan3A_373  : i32 {
        %mul3A_600 = arith.constant 1 : i32
        %mul3A_601 = arith.muli %scan3A_599, %mul3A_600 : i32
        %add3A_602 = arith.constant 0 : i32
        %add3A_603 = arith.addi %add3A_602, %mul3A_601 : i32
        %get3A = arith.constant 0 : i32
        %get3A_604 = arith.index_cast %get3A : i32 to index
        %get3A_605 = arith.index_cast %add3A_603 : i32 to index
        %get3A_606 = arith.constant 0 : index
        %get3A_607 = tpu.vector_load %arg7[%get3A_604, %get3A_605, %get3A_606] {strides = array<i32>} : memref<12x104x32xf32, #tpu.memory_space<vmem>>, vector<1x1x16xf32>,
        %get3A_608 = vector.shape_cast %get3A_607 : vector<1x1x16xf32> to vector<16xf32>
        %get3A_609 = arith.constant 1 : i32
        %get3A_610 = arith.index_cast %get3A_609 : i32 to index
        %get3A_611 = arith.index_cast %add3A_603 : i32 to index
        %get3A_612 = arith.constant 0 : index
        %get3A_613 = tpu.vector_load %arg7[%get3A_610, %get3A_611, %get3A_612] {strides = array<i32>} : memref<12x104x32xf32, #tpu.memory_space<vmem>>, vector<1x1x16xf32>,
        %get3A_614 = vector.shape_cast %get3A_613 : vector<1x1x16xf32> to vector<16xf32>
        %add3A_615 = arith.addf %get3A_608, %get3A_614 : vector<16xf32>
        %get3A_616 = arith.constant 2 : i32
        %get3A_617 = arith.index_cast %get3A_616 : i32 to index
        %get3A_618 = arith.index_cast %add3A_603 : i32 to index
        %get3A_619 = arith.constant 0 : index
        %get3A_620 = tpu.vector_load %arg7[%get3A_617, %get3A_618, %get3A_619] {strides = array<i32>} : memref<12x104x32xf32, #tpu.memory_space<vmem>>, vector<1x1x16xf32>,
        %get3A_621 = vector.shape_cast %get3A_620 : vector<1x1x16xf32> to vector<16xf32>
        %add3A_622 = arith.addf %add3A_615, %get3A_621 : vector<16xf32>
        %get3A_623 = arith.constant 3 : i32
        %get3A_624 = arith.index_cast %get3A_623 : i32 to index
        %get3A_625 = arith.index_cast %add3A_603 : i32 to index
        %get3A_626 = arith.constant 0 : index
        %get3A_627 = tpu.vector_load %arg7[%get3A_624, %get3A_625, %get3A_626] {strides = array<i32>} : memref<12x104x32xf32, #tpu.memory_space<vmem>>, vector<1x1x16xf32>,
        %get3A_628 = vector.shape_cast %get3A_627 : vector<1x1x16xf32> to vector<16xf32>
        %add3A_629 = arith.addf %add3A_622, %get3A_628 : vector<16xf32>
        %get3A_630 = arith.constant 4 : i32
        %get3A_631 = arith.index_cast %get3A_630 : i32 to index
        %get3A_632 = arith.index_cast %add3A_603 : i32 to index
        %get3A_633 = arith.constant 0 : index
        %get3A_634 = tpu.vector_load %arg7[%get3A_631, %get3A_632, %get3A_633] {strides = array<i32>} : memref<12x104x32xf32, #tpu.memory_space<vmem>>, vector<1x1x16xf32>,
        %get3A_635 = vector.shape_cast %get3A_634 : vector<1x1x16xf32> to vector<16xf32>
        %add3A_636 = arith.addf %add3A_629, %get3A_635 : vector<16xf32>
        %get3A_637 = arith.constant 5 : i32
        %get3A_638 = arith.index_cast %get3A_637 : i32 to index
        %get3A_639 = arith.index_cast %add3A_603 : i32 to index
        %get3A_640 = arith.constant 0 : index
        %get3A_641 = tpu.vector_load %arg7[%get3A_638, %get3A_639, %get3A_640] {strides = array<i32>} : memref<12x104x32xf32, #tpu.memory_space<vmem>>, vector<1x1x16xf32>,
        %get3A_642 = vector.shape_cast %get3A_641 : vector<1x1x16xf32> to vector<16xf32>
        %add3A_643 = arith.addf %add3A_636, %get3A_642 : vector<16xf32>
        %get3A_644 = arith.constant 6 : i32
        %get3A_645 = arith.index_cast %get3A_644 : i32 to index
        %get3A_646 = arith.index_cast %add3A_603 : i32 to index
        %get3A_647 = arith.constant 0 : index
        %get3A_648 = tpu.vector_load %arg7[%get3A_645, %get3A_646, %get3A_647] {strides = array<i32>} : memref<12x104x32xf32, #tpu.memory_space<vmem>>, vector<1x1x16xf32>,
        %get3A_649 = vector.shape_cast %get3A_648 : vector<1x1x16xf32> to vector<16xf32>
        %add3A_650 = arith.addf %add3A_643, %get3A_649 : vector<16xf32>
        %get3A_651 = arith.constant 7 : i32
        %get3A_652 = arith.index_cast %get3A_651 : i32 to index
        %get3A_653 = arith.index_cast %add3A_603 : i32 to index
        %get3A_654 = arith.constant 0 : index
        %get3A_655 = tpu.vector_load %arg7[%get3A_652, %get3A_653, %get3A_654] {strides = array<i32>} : memref<12x104x32xf32, #tpu.memory_space<vmem>>, vector<1x1x16xf32>,
        %get3A_656 = vector.shape_cast %get3A_655 : vector<1x1x16xf32> to vector<16xf32>
        %add3A_657 = arith.addf %add3A_650, %get3A_656 : vector<16xf32>
        %get3A_658 = arith.constant 8 : i32
        %get3A_659 = arith.index_cast %get3A_658 : i32 to index
        %get3A_660 = arith.index_cast %add3A_603 : i32 to index
        %get3A_661 = arith.constant 0 : index
        %get3A_662 = tpu.vector_load %arg7[%get3A_659, %get3A_660, %get3A_661] {strides = array<i32>} : memref<12x104x32xf32, #tpu.memory_space<vmem>>, vector<1x1x16xf32>,
        %get3A_663 = vector.shape_cast %get3A_662 : vector<1x1x16xf32> to vector<16xf32>
        %add3A_664 = arith.addf %add3A_657, %get3A_663 : vector<16xf32>
        %get3A_665 = arith.constant 9 : i32
        %get3A_666 = arith.index_cast %get3A_665 : i32 to index
        %get3A_667 = arith.index_cast %add3A_603 : i32 to index
        %get3A_668 = arith.constant 0 : index
        %get3A_669 = tpu.vector_load %arg7[%get3A_666, %get3A_667, %get3A_668] {strides = array<i32>} : memref<12x104x32xf32, #tpu.memory_space<vmem>>, vector<1x1x16xf32>,
        %get3A_670 = vector.shape_cast %get3A_669 : vector<1x1x16xf32> to vector<16xf32>
        %add3A_671 = arith.addf %add3A_664, %get3A_670 : vector<16xf32>
        %get3A_672 = arith.constant 10 : i32
        %get3A_673 = arith.index_cast %get3A_672 : i32 to index
        %get3A_674 = arith.index_cast %add3A_603 : i32 to index
        %get3A_675 = arith.constant 0 : index
        %get3A_676 = tpu.vector_load %arg7[%get3A_673, %get3A_674, %get3A_675] {strides = array<i32>} : memref<12x104x32xf32, #tpu.memory_space<vmem>>, vector<1x1x16xf32>,
        %get3A_677 = vector.shape_cast %get3A_676 : vector<1x1x16xf32> to vector<16xf32>
        %add3A_678 = arith.addf %add3A_671, %get3A_677 : vector<16xf32>
        %get3A_679 = arith.constant 11 : i32
        %get3A_680 = arith.index_cast %get3A_679 : i32 to index
        %get3A_681 = arith.index_cast %add3A_603 : i32 to index
        %get3A_682 = arith.constant 0 : index
        %get3A_683 = tpu.vector_load %arg7[%get3A_680, %get3A_681, %get3A_682] {strides = array<i32>} : memref<12x104x32xf32, #tpu.memory_space<vmem>>, vector<1x1x16xf32>,
        %get3A_684 = vector.shape_cast %get3A_683 : vector<1x1x16xf32> to vector<16xf32>
        %add3A_685 = arith.addf %add3A_678, %get3A_684 : vector<16xf32>
        %mul3A_686 = arith.constant 0.0833333358 : f32
        %mul3A_687 = vector.broadcast %mul3A_686 : f32 to vector<16xf32>
        %mul3A_688 = arith.mulf %add3A_685, %mul3A_687 : vector<16xf32>
        %swap3A = arith.index_cast %add3A_603 : i32 to index
        %swap3A_689 = arith.constant 0 : index
        %swap3A_690 = tpu.vector_load %arg9[%swap3A, %swap3A_689] {strides = array<i32>} : memref<104x32xf32, #tpu.memory_space<vmem>>, vector<1x16xf32>,
        %swap3A_691 = vector.shape_cast %swap3A_690 : vector<1x16xf32> to vector<16xf32>
        %swap3A_692 = vector.shape_cast %mul3A_688 : vector<16xf32> to vector<1x16xf32>
        tpu.vector_store %arg9[%swap3A, %swap3A_689], %swap3A_692 {strides = array<i32>} : memref<104x32xf32, #tpu.memory_space<vmem>>, vector<1x16xf32>,
        %get3A_693 = arith.constant 0 : i32
        %get3A_694 = arith.index_cast %get3A_693 : i32 to index
        %get3A_695 = arith.index_cast %add3A_603 : i32 to index
        %get3A_696 = arith.constant 16 : index
        %get3A_697 = tpu.vector_load %arg7[%get3A_694, %get3A_695, %get3A_696] {strides = array<i32>} : memref<12x104x32xf32, #tpu.memory_space<vmem>>, vector<1x1x16xf32>,
        %get3A_698 = vector.shape_cast %get3A_697 : vector<1x1x16xf32> to vector<16xf32>
        %get3A_699 = arith.constant 1 : i32
        %get3A_700 = arith.index_cast %get3A_699 : i32 to index
        %get3A_701 = arith.index_cast %add3A_603 : i32 to index
        %get3A_702 = arith.constant 16 : index
        %get3A_703 = tpu.vector_load %arg7[%get3A_700, %get3A_701, %get3A_702] {strides = array<i32>} : memref<12x104x32xf32, #tpu.memory_space<vmem>>, vector<1x1x16xf32>,
        %get3A_704 = vector.shape_cast %get3A_703 : vector<1x1x16xf32> to vector<16xf32>
        %add3A_705 = arith.addf %get3A_698, %get3A_704 : vector<16xf32>
        %get3A_706 = arith.constant 2 : i32
        %get3A_707 = arith.index_cast %get3A_706 : i32 to index
        %get3A_708 = arith.index_cast %add3A_603 : i32 to index
        %get3A_709 = arith.constant 16 : index
        %get3A_710 = tpu.vector_load %arg7[%get3A_707, %get3A_708, %get3A_709] {strides = array<i32>} : memref<12x104x32xf32, #tpu.memory_space<vmem>>, vector<1x1x16xf32>,
        %get3A_711 = vector.shape_cast %get3A_710 : vector<1x1x16xf32> to vector<16xf32>
        %add3A_712 = arith.addf %add3A_705, %get3A_711 : vector<16xf32>
        %get3A_713 = arith.constant 3 : i32
        %get3A_714 = arith.index_cast %get3A_713 : i32 to index
        %get3A_715 = arith.index_cast %add3A_603 : i32 to index
        %get3A_716 = arith.constant 16 : index
        %get3A_717 = tpu.vector_load %arg7[%get3A_714, %get3A_715, %get3A_716] {strides = array<i32>} : memref<12x104x32xf32, #tpu.memory_space<vmem>>, vector<1x1x16xf32>,
        %get3A_718 = vector.shape_cast %get3A_717 : vector<1x1x16xf32> to vector<16xf32>
        %add3A_719 = arith.addf %add3A_712, %get3A_718 : vector<16xf32>
        %get3A_720 = arith.constant 4 : i32
        %get3A_721 = arith.index_cast %get3A_720 : i32 to index
        %get3A_722 = arith.index_cast %add3A_603 : i32 to index
        %get3A_723 = arith.constant 16 : index
        %get3A_724 = tpu.vector_load %arg7[%get3A_721, %get3A_722, %get3A_723] {strides = array<i32>} : memref<12x104x32xf32, #tpu.memory_space<vmem>>, vector<1x1x16xf32>,
        %get3A_725 = vector.shape_cast %get3A_724 : vector<1x1x16xf32> to vector<16xf32>
        %add3A_726 = arith.addf %add3A_719, %get3A_725 : vector<16xf32>
        %get3A_727 = arith.constant 5 : i32
        %get3A_728 = arith.index_cast %get3A_727 : i32 to index
        %get3A_729 = arith.index_cast %add3A_603 : i32 to index
        %get3A_730 = arith.constant 16 : index
        %get3A_731 = tpu.vector_load %arg7[%get3A_728, %get3A_729, %get3A_730] {strides = array<i32>} : memref<12x104x32xf32, #tpu.memory_space<vmem>>, vector<1x1x16xf32>,
        %get3A_732 = vector.shape_cast %get3A_731 : vector<1x1x16xf32> to vector<16xf32>
        %add3A_733 = arith.addf %add3A_726, %get3A_732 : vector<16xf32>
        %get3A_734 = arith.constant 6 : i32
        %get3A_735 = arith.index_cast %get3A_734 : i32 to index
        %get3A_736 = arith.index_cast %add3A_603 : i32 to index
        %get3A_737 = arith.constant 16 : index
        %get3A_738 = tpu.vector_load %arg7[%get3A_735, %get3A_736, %get3A_737] {strides = array<i32>} : memref<12x104x32xf32, #tpu.memory_space<vmem>>, vector<1x1x16xf32>,
        %get3A_739 = vector.shape_cast %get3A_738 : vector<1x1x16xf32> to vector<16xf32>
        %add3A_740 = arith.addf %add3A_733, %get3A_739 : vector<16xf32>
        %get3A_741 = arith.constant 7 : i32
        %get3A_742 = arith.index_cast %get3A_741 : i32 to index
        %get3A_743 = arith.index_cast %add3A_603 : i32 to index
        %get3A_744 = arith.constant 16 : index
        %get3A_745 = tpu.vector_load %arg7[%get3A_742, %get3A_743, %get3A_744] {strides = array<i32>} : memref<12x104x32xf32, #tpu.memory_space<vmem>>, vector<1x1x16xf32>,
        %get3A_746 = vector.shape_cast %get3A_745 : vector<1x1x16xf32> to vector<16xf32>
        %add3A_747 = arith.addf %add3A_740, %get3A_746 : vector<16xf32>
        %get3A_748 = arith.constant 8 : i32
        %get3A_749 = arith.index_cast %get3A_748 : i32 to index
        %get3A_750 = arith.index_cast %add3A_603 : i32 to index
        %get3A_751 = arith.constant 16 : index
        %get3A_752 = tpu.vector_load %arg7[%get3A_749, %get3A_750, %get3A_751] {strides = array<i32>} : memref<12x104x32xf32, #tpu.memory_space<vmem>>, vector<1x1x16xf32>,
        %get3A_753 = vector.shape_cast %get3A_752 : vector<1x1x16xf32> to vector<16xf32>
        %add3A_754 = arith.addf %add3A_747, %get3A_753 : vector<16xf32>
        %get3A_755 = arith.constant 9 : i32
        %get3A_756 = arith.index_cast %get3A_755 : i32 to index
        %get3A_757 = arith.index_cast %add3A_603 : i32 to index
        %get3A_758 = arith.constant 16 : index
        %get3A_759 = tpu.vector_load %arg7[%get3A_756, %get3A_757, %get3A_758] {strides = array<i32>} : memref<12x104x32xf32, #tpu.memory_space<vmem>>, vector<1x1x16xf32>,
        %get3A_760 = vector.shape_cast %get3A_759 : vector<1x1x16xf32> to vector<16xf32>
        %add3A_761 = arith.addf %add3A_754, %get3A_760 : vector<16xf32>
        %get3A_762 = arith.constant 10 : i32
        %get3A_763 = arith.index_cast %get3A_762 : i32 to index
        %get3A_764 = arith.index_cast %add3A_603 : i32 to index
        %get3A_765 = arith.constant 16 : index
        %get3A_766 = tpu.vector_load %arg7[%get3A_763, %get3A_764, %get3A_765] {strides = array<i32>} : memref<12x104x32xf32, #tpu.memory_space<vmem>>, vector<1x1x16xf32>,
        %get3A_767 = vector.shape_cast %get3A_766 : vector<1x1x16xf32> to vector<16xf32>
        %add3A_768 = arith.addf %add3A_761, %get3A_767 : vector<16xf32>
        %get3A_769 = arith.constant 11 : i32
        %get3A_770 = arith.index_cast %get3A_769 : i32 to index
        %get3A_771 = arith.index_cast %add3A_603 : i32 to index
        %get3A_772 = arith.constant 16 : index
        %get3A_773 = tpu.vector_load %arg7[%get3A_770, %get3A_771, %get3A_772] {strides = array<i32>} : memref<12x104x32xf32, #tpu.memory_space<vmem>>, vector<1x1x16xf32>,
        %get3A_774 = vector.shape_cast %get3A_773 : vector<1x1x16xf32> to vector<16xf32>
        %add3A_775 = arith.addf %add3A_768, %get3A_774 : vector<16xf32>
        %mul3A_776 = arith.constant 0.0833333358 : f32
        %mul3A_777 = vector.broadcast %mul3A_776 : f32 to vector<16xf32>
        %mul3A_778 = arith.mulf %add3A_775, %mul3A_777 : vector<16xf32>
        %swap3A_779 = arith.index_cast %add3A_603 : i32 to index
        %swap3A_780 = arith.constant 16 : index
        %swap3A_781 = tpu.vector_load %arg9[%swap3A_779, %swap3A_780] {strides = array<i32>} : memref<104x32xf32, #tpu.memory_space<vmem>>, vector<1x16xf32>,
        %swap3A_782 = vector.shape_cast %swap3A_781 : vector<1x16xf32> to vector<16xf32>
        %swap3A_783 = vector.shape_cast %mul3A_778 : vector<16xf32> to vector<1x16xf32>
        tpu.vector_store %arg9[%swap3A_779, %swap3A_780], %swap3A_783 {strides = array<i32>} : memref<104x32xf32, #tpu.memory_space<vmem>>, vector<1x16xf32>,
      }
      %scan3A_374 = arith.constant 104 : i32
      %mul3A_375 = arith.constant 35152 : i32
      %mul3A_376 = arith.muli %add3A, %mul3A_375 : i32
      %mul3A_377 = arith.constant 104 : i32
      %mul3A_378 = arith.muli %add3A_174, %mul3A_377 : i32
      %add3A_379 = arith.addi %mul3A_376, %mul3A_378 : i32
      %dma_start3A_380 = arith.constant 0 : i32
      %dma_start3A_381 = tpu.memref_slice %arg4[%add3A_379, %dma_start3A_380] : memref<1124864x32xf32, #tpu.memory_space<hbm>> -> memref<104x32xf32, #tpu.memory_space<hbm>>
      %dma_start3A_382 = arith.constant 0 : i32
      %dma_start3A_383 = tpu.memref_slice %arg4[%add3A_379, %dma_start3A_382] : memref<1124864x32xf32, #tpu.memory_space<hbm>> -> memref<104x32xf32, #tpu.memory_space<hbm>>
      tpu.enqueue_dma source(%arg9 : memref<104x32xf32, #tpu.memory_space<vmem>>) target(%dma_start3A_383 : memref<104x32xf32, #tpu.memory_space<hbm>>) target_semaphore(%arg15 : memref<!tpu.dma_semaphore, #tpu.memory_space<semaphore_mem>>)
      %add3A_384 = arith.constant 1 : i32
      %add3A_385 = arith.addi %add3A_172, %add3A_384 : i32
      %dma_wait3A_386 = arith.constant 0 : i32
      %dma_wait3A_387 = arith.constant 0 : i32
      %dma_wait3A_388 = arith.constant 0 : i32
      %dma_wait3A_389 = tpu.memref_slice %arg8[%dma_wait3A_386, %dma_wait3A_387, %dma_wait3A_388] : memref<12x104x32xf32, #tpu.memory_space<vmem>> -> memref<1x104x32xf32, #tpu.memory_space<vmem>>
      %dma_wait3A_390 = tpu.memref_squeeze %dma_wait3A_389 : memref<1x104x32xf32, #tpu.memory_space<vmem>> -> memref<104x32xf32, #tpu.memory_space<vmem>>
      %dma_wait3A_391 = arith.constant 0 : i32
      %dma_wait3A_392 = arith.constant 0 : i32
      %dma_wait3A_393 = tpu.memref_slice %arg2[%dma_wait3A_391, %dma_wait3A_392] : memref<3145728x32xf32, #tpu.memory_space<hbm>> -> memref<104x32xf32, #tpu.memory_space<hbm>>
      %dma_wait3A_394 = arith.constant 0 : i32
      %dma_wait3A_395 = arith.constant 0 : i32
      %dma_wait3A_396 = tpu.memref_slice %arg8[%dma_wait3A_386, %dma_wait3A_394, %dma_wait3A_395] : memref<12x104x32xf32, #tpu.memory_space<vmem>> -> memref<1x104x32xf32, #tpu.memory_space<vmem>>
      %dma_wait3A_397 = tpu.memref_squeeze %dma_wait3A_396 : memref<1x104x32xf32, #tpu.memory_space<vmem>> -> memref<104x32xf32, #tpu.memory_space<vmem>>
      %dma_wait3A_398 = arith.constant 0 : i32
      %dma_wait3A_399 = arith.constant 0 : i32
      %dma_wait3A_400 = tpu.memref_slice %arg2[%dma_wait3A_398, %dma_wait3A_399] : memref<3145728x32xf32, #tpu.memory_space<hbm>> -> memref<104x32xf32, #tpu.memory_space<hbm>>
      tpu.wait_dma2 semaphore(%arg12 : memref<!tpu.dma_semaphore, #tpu.memory_space<semaphore_mem>>) src(%dma_wait3A_400 : memref<104x32xf32, #tpu.memory_space<hbm>>) dst(%dma_wait3A_397 : memref<104x32xf32, #tpu.memory_space<vmem>>)
      %dma_wait3A_401 = arith.constant 1 : i32
      %dma_wait3A_402 = arith.constant 0 : i32
      %dma_wait3A_403 = arith.constant 0 : i32
      %dma_wait3A_404 = tpu.memref_slice %arg8[%dma_wait3A_401, %dma_wait3A_402, %dma_wait3A_403] : memref<12x104x32xf32, #tpu.memory_space<vmem>> -> memref<1x104x32xf32, #tpu.memory_space<vmem>>
      %dma_wait3A_405 = tpu.memref_squeeze %dma_wait3A_404 : memref<1x104x32xf32, #tpu.memory_space<vmem>> -> memref<104x32xf32, #tpu.memory_space<vmem>>
      %dma_wait3A_406 = arith.constant 0 : i32
      %dma_wait3A_407 = arith.constant 0 : i32
      %dma_wait3A_408 = tpu.memref_slice %arg2[%dma_wait3A_406, %dma_wait3A_407] : memref<3145728x32xf32, #tpu.memory_space<hbm>> -> memref<104x32xf32, #tpu.memory_space<hbm>>
      %dma_wait3A_409 = arith.constant 0 : i32
      %dma_wait3A_410 = arith.constant 0 : i32
      %dma_wait3A_411 = tpu.memref_slice %arg8[%dma_wait3A_401, %dma_wait3A_409, %dma_wait3A_410] : memref<12x104x32xf32, #tpu.memory_space<vmem>> -> memref<1x104x32xf32, #tpu.memory_space<vmem>>
      %dma_wait3A_412 = tpu.memref_squeeze %dma_wait3A_411 : memref<1x104x32xf32, #tpu.memory_space<vmem>> -> memref<104x32xf32, #tpu.memory_space<vmem>>
      %dma_wait3A_413 = arith.constant 0 : i32
      %dma_wait3A_414 = arith.constant 0 : i32
      %dma_wait3A_415 = tpu.memref_slice %arg2[%dma_wait3A_413, %dma_wait3A_414] : memref<3145728x32xf32, #tpu.memory_space<hbm>> -> memref<104x32xf32, #tpu.memory_space<hbm>>
      tpu.wait_dma2 semaphore(%arg12 : memref<!tpu.dma_semaphore, #tpu.memory_space<semaphore_mem>>) src(%dma_wait3A_415 : memref<104x32xf32, #tpu.memory_space<hbm>>) dst(%dma_wait3A_412 : memref<104x32xf32, #tpu.memory_space<vmem>>)
      %dma_wait3A_416 = arith.constant 2 : i32
      %dma_wait3A_417 = arith.constant 0 : i32
      %dma_wait3A_418 = arith.constant 0 : i32
      %dma_wait3A_419 = tpu.memref_slice %arg8[%dma_wait3A_416, %dma_wait3A_417, %dma_wait3A_418] : memref<12x104x32xf32, #tpu.memory_space<vmem>> -> memref<1x104x32xf32, #tpu.memory_space<vmem>>
      %dma_wait3A_420 = tpu.memref_squeeze %dma_wait3A_419 : memref<1x104x32xf32, #tpu.memory_space<vmem>> -> memref<104x32xf32, #tpu.memory_space<vmem>>
      %dma_wait3A_421 = arith.constant 0 : i32
      %dma_wait3A_422 = arith.constant 0 : i32
      %dma_wait3A_423 = tpu.memref_slice %arg2[%dma_wait3A_421, %dma_wait3A_422] : memref<3145728x32xf32, #tpu.memory_space<hbm>> -> memref<104x32xf32, #tpu.memory_space<hbm>>
      %dma_wait3A_424 = arith.constant 0 : i32
      %dma_wait3A_425 = arith.constant 0 : i32
      %dma_wait3A_426 = tpu.memref_slice %arg8[%dma_wait3A_416, %dma_wait3A_424, %dma_wait3A_425] : memref<12x104x32xf32, #tpu.memory_space<vmem>> -> memref<1x104x32xf32, #tpu.memory_space<vmem>>
      %dma_wait3A_427 = tpu.memref_squeeze %dma_wait3A_426 : memref<1x104x32xf32, #tpu.memory_space<vmem>> -> memref<104x32xf32, #tpu.memory_space<vmem>>
      %dma_wait3A_428 = arith.constant 0 : i32
      %dma_wait3A_429 = arith.constant 0 : i32
      %dma_wait3A_430 = tpu.memref_slice %arg2[%dma_wait3A_428, %dma_wait3A_429] : memref<3145728x32xf32, #tpu.memory_space<hbm>> -> memref<104x32xf32, #tpu.memory_space<hbm>>
      tpu.wait_dma2 semaphore(%arg12 : memref<!tpu.dma_semaphore, #tpu.memory_space<semaphore_mem>>) src(%dma_wait3A_430 : memref<104x32xf32, #tpu.memory_space<hbm>>) dst(%dma_wait3A_427 : memref<104x32xf32, #tpu.memory_space<vmem>>)
      %dma_wait3A_431 = arith.constant 3 : i32
      %dma_wait3A_432 = arith.constant 0 : i32
      %dma_wait3A_433 = arith.constant 0 : i32
      %dma_wait3A_434 = tpu.memref_slice %arg8[%dma_wait3A_431, %dma_wait3A_432, %dma_wait3A_433] : memref<12x104x32xf32, #tpu.memory_space<vmem>> -> memref<1x104x32xf32, #tpu.memory_space<vmem>>
      %dma_wait3A_435 = tpu.memref_squeeze %dma_wait3A_434 : memref<1x104x32xf32, #tpu.memory_space<vmem>> -> memref<104x32xf32, #tpu.memory_space<vmem>>
      %dma_wait3A_436 = arith.constant 0 : i32
      %dma_wait3A_437 = arith.constant 0 : i32
      %dma_wait3A_438 = tpu.memref_slice %arg2[%dma_wait3A_436, %dma_wait3A_437] : memref<3145728x32xf32, #tpu.memory_space<hbm>> -> memref<104x32xf32, #tpu.memory_space<hbm>>
      %dma_wait3A_439 = arith.constant 0 : i32
      %dma_wait3A_440 = arith.constant 0 : i32
      %dma_wait3A_441 = tpu.memref_slice %arg8[%dma_wait3A_431, %dma_wait3A_439, %dma_wait3A_440] : memref<12x104x32xf32, #tpu.memory_space<vmem>> -> memref<1x104x32xf32, #tpu.memory_space<vmem>>
      %dma_wait3A_442 = tpu.memref_squeeze %dma_wait3A_441 : memref<1x104x32xf32, #tpu.memory_space<vmem>> -> memref<104x32xf32, #tpu.memory_space<vmem>>
      %dma_wait3A_443 = arith.constant 0 : i32
      %dma_wait3A_444 = arith.constant 0 : i32
      %dma_wait3A_445 = tpu.memref_slice %arg2[%dma_wait3A_443, %dma_wait3A_444] : memref<3145728x32xf32, #tpu.memory_space<hbm>> -> memref<104x32xf32, #tpu.memory_space<hbm>>
      tpu.wait_dma2 semaphore(%arg12 : memref<!tpu.dma_semaphore, #tpu.memory_space<semaphore_mem>>) src(%dma_wait3A_445 : memref<104x32xf32, #tpu.memory_space<hbm>>) dst(%dma_wait3A_442 : memref<104x32xf32, #tpu.memory_space<vmem>>)
      %dma_wait3A_446 = arith.constant 4 : i32
      %dma_wait3A_447 = arith.constant 0 : i32
      %dma_wait3A_448 = arith.constant 0 : i32
      %dma_wait3A_449 = tpu.memref_slice %arg8[%dma_wait3A_446, %dma_wait3A_447, %dma_wait3A_448] : memref<12x104x32xf32, #tpu.memory_space<vmem>> -> memref<1x104x32xf32, #tpu.memory_space<vmem>>
      %dma_wait3A_450 = tpu.memref_squeeze %dma_wait3A_449 : memref<1x104x32xf32, #tpu.memory_space<vmem>> -> memref<104x32xf32, #tpu.memory_space<vmem>>
      %dma_wait3A_451 = arith.constant 0 : i32
      %dma_wait3A_452 = arith.constant 0 : i32
      %dma_wait3A_453 = tpu.memref_slice %arg2[%dma_wait3A_451, %dma_wait3A_452] : memref<3145728x32xf32, #tpu.memory_space<hbm>> -> memref<104x32xf32, #tpu.memory_space<hbm>>
      %dma_wait3A_454 = arith.constant 0 : i32
      %dma_wait3A_455 = arith.constant 0 : i32
      %dma_wait3A_456 = tpu.memref_slice %arg8[%dma_wait3A_446, %dma_wait3A_454, %dma_wait3A_455] : memref<12x104x32xf32, #tpu.memory_space<vmem>> -> memref<1x104x32xf32, #tpu.memory_space<vmem>>
      %dma_wait3A_457 = tpu.memref_squeeze %dma_wait3A_456 : memref<1x104x32xf32, #tpu.memory_space<vmem>> -> memref<104x32xf32, #tpu.memory_space<vmem>>
      %dma_wait3A_458 = arith.constant 0 : i32
      %dma_wait3A_459 = arith.constant 0 : i32
      %dma_wait3A_460 = tpu.memref_slice %arg2[%dma_wait3A_458, %dma_wait3A_459] : memref<3145728x32xf32, #tpu.memory_space<hbm>> -> memref<104x32xf32, #tpu.memory_space<hbm>>
      tpu.wait_dma2 semaphore(%arg12 : memref<!tpu.dma_semaphore, #tpu.memory_space<semaphore_mem>>) src(%dma_wait3A_460 : memref<104x32xf32, #tpu.memory_space<hbm>>) dst(%dma_wait3A_457 : memref<104x32xf32, #tpu.memory_space<vmem>>)
      %dma_wait3A_461 = arith.constant 5 : i32
      %dma_wait3A_462 = arith.constant 0 : i32
      %dma_wait3A_463 = arith.constant 0 : i32
      %dma_wait3A_464 = tpu.memref_slice %arg8[%dma_wait3A_461, %dma_wait3A_462, %dma_wait3A_463] : memref<12x104x32xf32, #tpu.memory_space<vmem>> -> memref<1x104x32xf32, #tpu.memory_space<vmem>>
      %dma_wait3A_465 = tpu.memref_squeeze %dma_wait3A_464 : memref<1x104x32xf32, #tpu.memory_space<vmem>> -> memref<104x32xf32, #tpu.memory_space<vmem>>
      %dma_wait3A_466 = arith.constant 0 : i32
      %dma_wait3A_467 = arith.constant 0 : i32
      %dma_wait3A_468 = tpu.memref_slice %arg2[%dma_wait3A_466, %dma_wait3A_467] : memref<3145728x32xf32, #tpu.memory_space<hbm>> -> memref<104x32xf32, #tpu.memory_space<hbm>>
      %dma_wait3A_469 = arith.constant 0 : i32
      %dma_wait3A_470 = arith.constant 0 : i32
      %dma_wait3A_471 = tpu.memref_slice %arg8[%dma_wait3A_461, %dma_wait3A_469, %dma_wait3A_470] : memref<12x104x32xf32, #tpu.memory_space<vmem>> -> memref<1x104x32xf32, #tpu.memory_space<vmem>>
      %dma_wait3A_472 = tpu.memref_squeeze %dma_wait3A_471 : memref<1x104x32xf32, #tpu.memory_space<vmem>> -> memref<104x32xf32, #tpu.memory_space<vmem>>
      %dma_wait3A_473 = arith.constant 0 : i32
      %dma_wait3A_474 = arith.constant 0 : i32
      %dma_wait3A_475 = tpu.memref_slice %arg2[%dma_wait3A_473, %dma_wait3A_474] : memref<3145728x32xf32, #tpu.memory_space<hbm>> -> memref<104x32xf32, #tpu.memory_space<hbm>>
      tpu.wait_dma2 semaphore(%arg12 : memref<!tpu.dma_semaphore, #tpu.memory_space<semaphore_mem>>) src(%dma_wait3A_475 : memref<104x32xf32, #tpu.memory_space<hbm>>) dst(%dma_wait3A_472 : memref<104x32xf32, #tpu.memory_space<vmem>>)
      %dma_wait3A_476 = arith.constant 6 : i32
      %dma_wait3A_477 = arith.constant 0 : i32
      %dma_wait3A_478 = arith.constant 0 : i32
      %dma_wait3A_479 = tpu.memref_slice %arg8[%dma_wait3A_476, %dma_wait3A_477, %dma_wait3A_478] : memref<12x104x32xf32, #tpu.memory_space<vmem>> -> memref<1x104x32xf32, #tpu.memory_space<vmem>>
      %dma_wait3A_480 = tpu.memref_squeeze %dma_wait3A_479 : memref<1x104x32xf32, #tpu.memory_space<vmem>> -> memref<104x32xf32, #tpu.memory_space<vmem>>
      %dma_wait3A_481 = arith.constant 0 : i32
      %dma_wait3A_482 = arith.constant 0 : i32
      %dma_wait3A_483 = tpu.memref_slice %arg2[%dma_wait3A_481, %dma_wait3A_482] : memref<3145728x32xf32, #tpu.memory_space<hbm>> -> memref<104x32xf32, #tpu.memory_space<hbm>>
      %dma_wait3A_484 = arith.constant 0 : i32
      %dma_wait3A_485 = arith.constant 0 : i32
      %dma_wait3A_486 = tpu.memref_slice %arg8[%dma_wait3A_476, %dma_wait3A_484, %dma_wait3A_485] : memref<12x104x32xf32, #tpu.memory_space<vmem>> -> memref<1x104x32xf32, #tpu.memory_space<vmem>>
      %dma_wait3A_487 = tpu.memref_squeeze %dma_wait3A_486 : memref<1x104x32xf32, #tpu.memory_space<vmem>> -> memref<104x32xf32, #tpu.memory_space<vmem>>
      %dma_wait3A_488 = arith.constant 0 : i32
      %dma_wait3A_489 = arith.constant 0 : i32
      %dma_wait3A_490 = tpu.memref_slice %arg2[%dma_wait3A_488, %dma_wait3A_489] : memref<3145728x32xf32, #tpu.memory_space<hbm>> -> memref<104x32xf32, #tpu.memory_space<hbm>>
      tpu.wait_dma2 semaphore(%arg12 : memref<!tpu.dma_semaphore, #tpu.memory_space<semaphore_mem>>) src(%dma_wait3A_490 : memref<104x32xf32, #tpu.memory_space<hbm>>) dst(%dma_wait3A_487 : memref<104x32xf32, #tpu.memory_space<vmem>>)
      %dma_wait3A_491 = arith.constant 7 : i32
      %dma_wait3A_492 = arith.constant 0 : i32
      %dma_wait3A_493 = arith.constant 0 : i32
      %dma_wait3A_494 = tpu.memref_slice %arg8[%dma_wait3A_491, %dma_wait3A_492, %dma_wait3A_493] : memref<12x104x32xf32, #tpu.memory_space<vmem>> -> memref<1x104x32xf32, #tpu.memory_space<vmem>>
      %dma_wait3A_495 = tpu.memref_squeeze %dma_wait3A_494 : memref<1x104x32xf32, #tpu.memory_space<vmem>> -> memref<104x32xf32, #tpu.memory_space<vmem>>
      %dma_wait3A_496 = arith.constant 0 : i32
      %dma_wait3A_497 = arith.constant 0 : i32
      %dma_wait3A_498 = tpu.memref_slice %arg2[%dma_wait3A_496, %dma_wait3A_497] : memref<3145728x32xf32, #tpu.memory_space<hbm>> -> memref<104x32xf32, #tpu.memory_space<hbm>>
      %dma_wait3A_499 = arith.constant 0 : i32
      %dma_wait3A_500 = arith.constant 0 : i32
      %dma_wait3A_501 = tpu.memref_slice %arg8[%dma_wait3A_491, %dma_wait3A_499, %dma_wait3A_500] : memref<12x104x32xf32, #tpu.memory_space<vmem>> -> memref<1x104x32xf32, #tpu.memory_space<vmem>>
      %dma_wait3A_502 = tpu.memref_squeeze %dma_wait3A_501 : memref<1x104x32xf32, #tpu.memory_space<vmem>> -> memref<104x32xf32, #tpu.memory_space<vmem>>
      %dma_wait3A_503 = arith.constant 0 : i32
      %dma_wait3A_504 = arith.constant 0 : i32
      %dma_wait3A_505 = tpu.memref_slice %arg2[%dma_wait3A_503, %dma_wait3A_504] : memref<3145728x32xf32, #tpu.memory_space<hbm>> -> memref<104x32xf32, #tpu.memory_space<hbm>>
      tpu.wait_dma2 semaphore(%arg12 : memref<!tpu.dma_semaphore, #tpu.memory_space<semaphore_mem>>) src(%dma_wait3A_505 : memref<104x32xf32, #tpu.memory_space<hbm>>) dst(%dma_wait3A_502 : memref<104x32xf32, #tpu.memory_space<vmem>>)
      %dma_wait3A_506 = arith.constant 8 : i32
      %dma_wait3A_507 = arith.constant 0 : i32
      %dma_wait3A_508 = arith.constant 0 : i32
      %dma_wait3A_509 = tpu.memref_slice %arg8[%dma_wait3A_506, %dma_wait3A_507, %dma_wait3A_508] : memref<12x104x32xf32, #tpu.memory_space<vmem>> -> memref<1x104x32xf32, #tpu.memory_space<vmem>>
      %dma_wait3A_510 = tpu.memref_squeeze %dma_wait3A_509 : memref<1x104x32xf32, #tpu.memory_space<vmem>> -> memref<104x32xf32, #tpu.memory_space<vmem>>
      %dma_wait3A_511 = arith.constant 0 : i32
      %dma_wait3A_512 = arith.constant 0 : i32
      %dma_wait3A_513 = tpu.memref_slice %arg2[%dma_wait3A_511, %dma_wait3A_512] : memref<3145728x32xf32, #tpu.memory_space<hbm>> -> memref<104x32xf32, #tpu.memory_space<hbm>>
      %dma_wait3A_514 = arith.constant 0 : i32
      %dma_wait3A_515 = arith.constant 0 : i32
      %dma_wait3A_516 = tpu.memref_slice %arg8[%dma_wait3A_506, %dma_wait3A_514, %dma_wait3A_515] : memref<12x104x32xf32, #tpu.memory_space<vmem>> -> memref<1x104x32xf32, #tpu.memory_space<vmem>>
      %dma_wait3A_517 = tpu.memref_squeeze %dma_wait3A_516 : memref<1x104x32xf32, #tpu.memory_space<vmem>> -> memref<104x32xf32, #tpu.memory_space<vmem>>
      %dma_wait3A_518 = arith.constant 0 : i32
      %dma_wait3A_519 = arith.constant 0 : i32
      %dma_wait3A_520 = tpu.memref_slice %arg2[%dma_wait3A_518, %dma_wait3A_519] : memref<3145728x32xf32, #tpu.memory_space<hbm>> -> memref<104x32xf32, #tpu.memory_space<hbm>>
      tpu.wait_dma2 semaphore(%arg12 : memref<!tpu.dma_semaphore, #tpu.memory_space<semaphore_mem>>) src(%dma_wait3A_520 : memref<104x32xf32, #tpu.memory_space<hbm>>) dst(%dma_wait3A_517 : memref<104x32xf32, #tpu.memory_space<vmem>>)
      %dma_wait3A_521 = arith.constant 9 : i32
      %dma_wait3A_522 = arith.constant 0 : i32
      %dma_wait3A_523 = arith.constant 0 : i32
      %dma_wait3A_524 = tpu.memref_slice %arg8[%dma_wait3A_521, %dma_wait3A_522, %dma_wait3A_523] : memref<12x104x32xf32, #tpu.memory_space<vmem>> -> memref<1x104x32xf32, #tpu.memory_space<vmem>>
      %dma_wait3A_525 = tpu.memref_squeeze %dma_wait3A_524 : memref<1x104x32xf32, #tpu.memory_space<vmem>> -> memref<104x32xf32, #tpu.memory_space<vmem>>
      %dma_wait3A_526 = arith.constant 0 : i32
      %dma_wait3A_527 = arith.constant 0 : i32
      %dma_wait3A_528 = tpu.memref_slice %arg2[%dma_wait3A_526, %dma_wait3A_527] : memref<3145728x32xf32, #tpu.memory_space<hbm>> -> memref<104x32xf32, #tpu.memory_space<hbm>>
      %dma_wait3A_529 = arith.constant 0 : i32
      %dma_wait3A_530 = arith.constant 0 : i32
      %dma_wait3A_531 = tpu.memref_slice %arg8[%dma_wait3A_521, %dma_wait3A_529, %dma_wait3A_530] : memref<12x104x32xf32, #tpu.memory_space<vmem>> -> memref<1x104x32xf32, #tpu.memory_space<vmem>>
      %dma_wait3A_532 = tpu.memref_squeeze %dma_wait3A_531 : memref<1x104x32xf32, #tpu.memory_space<vmem>> -> memref<104x32xf32, #tpu.memory_space<vmem>>
      %dma_wait3A_533 = arith.constant 0 : i32
      %dma_wait3A_534 = arith.constant 0 : i32
      %dma_wait3A_535 = tpu.memref_slice %arg2[%dma_wait3A_533, %dma_wait3A_534] : memref<3145728x32xf32, #tpu.memory_space<hbm>> -> memref<104x32xf32, #tpu.memory_space<hbm>>
      tpu.wait_dma2 semaphore(%arg12 : memref<!tpu.dma_semaphore, #tpu.memory_space<semaphore_mem>>) src(%dma_wait3A_535 : memref<104x32xf32, #tpu.memory_space<hbm>>) dst(%dma_wait3A_532 : memref<104x32xf32, #tpu.memory_space<vmem>>)
      %dma_wait3A_536 = arith.constant 10 : i32
      %dma_wait3A_537 = arith.constant 0 : i32
      %dma_wait3A_538 = arith.constant 0 : i32
      %dma_wait3A_539 = tpu.memref_slice %arg8[%dma_wait3A_536, %dma_wait3A_537, %dma_wait3A_538] : memref<12x104x32xf32, #tpu.memory_space<vmem>> -> memref<1x104x32xf32, #tpu.memory_space<vmem>>
      %dma_wait3A_540 = tpu.memref_squeeze %dma_wait3A_539 : memref<1x104x32xf32, #tpu.memory_space<vmem>> -> memref<104x32xf32, #tpu.memory_space<vmem>>
      %dma_wait3A_541 = arith.constant 0 : i32
      %dma_wait3A_542 = arith.constant 0 : i32
      %dma_wait3A_543 = tpu.memref_slice %arg2[%dma_wait3A_541, %dma_wait3A_542] : memref<3145728x32xf32, #tpu.memory_space<hbm>> -> memref<104x32xf32, #tpu.memory_space<hbm>>
      %dma_wait3A_544 = arith.constant 0 : i32
      %dma_wait3A_545 = arith.constant 0 : i32
      %dma_wait3A_546 = tpu.memref_slice %arg8[%dma_wait3A_536, %dma_wait3A_544, %dma_wait3A_545] : memref<12x104x32xf32, #tpu.memory_space<vmem>> -> memref<1x104x32xf32, #tpu.memory_space<vmem>>
      %dma_wait3A_547 = tpu.memref_squeeze %dma_wait3A_546 : memref<1x104x32xf32, #tpu.memory_space<vmem>> -> memref<104x32xf32, #tpu.memory_space<vmem>>
      %dma_wait3A_548 = arith.constant 0 : i32
      %dma_wait3A_549 = arith.constant 0 : i32
      %dma_wait3A_550 = tpu.memref_slice %arg2[%dma_wait3A_548, %dma_wait3A_549] : memref<3145728x32xf32, #tpu.memory_space<hbm>> -> memref<104x32xf32, #tpu.memory_space<hbm>>
      tpu.wait_dma2 semaphore(%arg12 : memref<!tpu.dma_semaphore, #tpu.memory_space<semaphore_mem>>) src(%dma_wait3A_550 : memref<104x32xf32, #tpu.memory_space<hbm>>) dst(%dma_wait3A_547 : memref<104x32xf32, #tpu.memory_space<vmem>>)
      %dma_wait3A_551 = arith.constant 11 : i32
      %dma_wait3A_552 = arith.constant 0 : i32
      %dma_wait3A_553 = arith.constant 0 : i32
      %dma_wait3A_554 = tpu.memref_slice %arg8[%dma_wait3A_551, %dma_wait3A_552, %dma_wait3A_553] : memref<12x104x32xf32, #tpu.memory_space<vmem>> -> memref<1x104x32xf32, #tpu.memory_space<vmem>>
      %dma_wait3A_555 = tpu.memref_squeeze %dma_wait3A_554 : memref<1x104x32xf32, #tpu.memory_space<vmem>> -> memref<104x32xf32, #tpu.memory_space<vmem>>
      %dma_wait3A_556 = arith.constant 0 : i32
      %dma_wait3A_557 = arith.constant 0 : i32
      %dma_wait3A_558 = tpu.memref_slice %arg2[%dma_wait3A_556, %dma_wait3A_557] : memref<3145728x32xf32, #tpu.memory_space<hbm>> -> memref<104x32xf32, #tpu.memory_space<hbm>>
      %dma_wait3A_559 = arith.constant 0 : i32
      %dma_wait3A_560 = arith.constant 0 : i32
      %dma_wait3A_561 = tpu.memref_slice %arg8[%dma_wait3A_551, %dma_wait3A_559, %dma_wait3A_560] : memref<12x104x32xf32, #tpu.memory_space<vmem>> -> memref<1x104x32xf32, #tpu.memory_space<vmem>>
      %dma_wait3A_562 = tpu.memref_squeeze %dma_wait3A_561 : memref<1x104x32xf32, #tpu.memory_space<vmem>> -> memref<104x32xf32, #tpu.memory_space<vmem>>
      %dma_wait3A_563 = arith.constant 0 : i32
      %dma_wait3A_564 = arith.constant 0 : i32
      %dma_wait3A_565 = tpu.memref_slice %arg2[%dma_wait3A_563, %dma_wait3A_564] : memref<3145728x32xf32, #tpu.memory_space<hbm>> -> memref<104x32xf32, #tpu.memory_space<hbm>>
      tpu.wait_dma2 semaphore(%arg12 : memref<!tpu.dma_semaphore, #tpu.memory_space<semaphore_mem>>) src(%dma_wait3A_565 : memref<104x32xf32, #tpu.memory_space<hbm>>) dst(%dma_wait3A_562 : memref<104x32xf32, #tpu.memory_space<vmem>>)
      %add3A_566 = arith.constant 2 : i32
      %add3A_567 = arith.addi %add3A_385, %add3A_566 : i32
      %lt3A_568 = arith.constant 338 : i32
      %lt3A_569 = arith.cmpi slt, %add3A_567, %lt3A_568 : i32
      %convert_element_type3A_570 = arith.extui %lt3A_569 : i1 to i32
      %cond3A_571 = arith.constant 0 : i32
      %cond3A_572 = arith.cmpi ne, %convert_element_type3A_570, %cond3A_571 : i32
      scf.if %cond3A_572 {
        %add3A_599 = arith.constant 2 : i32
        %add3A_600 = arith.addi %add3A_385, %add3A_599 : i32
        %dma_start3A_601 = arith.constant 0 : i32
        %dma_start3A_602 = arith.constant 0 : i32
        %dma_start3A_603 = tpu.memref_slice %arg3[%dma_start3A_601, %add3A, %add3A_600, %dma_start3A_602] : memref<12x32x338x104xi32, #tpu.memory_space<hbm>> -> memref<12x1x1x104xi32, #tpu.memory_space<hbm>>
        %dma_start3A_604 = tpu.memref_squeeze %dma_start3A_603 : memref<12x1x1x104xi32, #tpu.memory_space<hbm>> -> memref<12x104xi32, #tpu.memory_space<hbm>>
        %dma_start3A_605 = arith.constant 0 : i32
        %dma_start3A_606 = arith.constant 0 : i32
        %dma_start3A_607 = tpu.memref_slice %arg3[%dma_start3A_605, %add3A, %add3A_600, %dma_start3A_606] : memref<12x32x338x104xi32, #tpu.memory_space<hbm>> -> memref<12x1x1x104xi32, #tpu.memory_space<hbm>>
        %dma_start3A_608 = tpu.memref_squeeze %dma_start3A_607 : memref<12x1x1x104xi32, #tpu.memory_space<hbm>> -> memref<12x104xi32, #tpu.memory_space<hbm>>
        tpu.enqueue_dma source(%dma_start3A_608 : memref<12x104xi32, #tpu.memory_space<hbm>>) target(%arg6 : memref<12x104xi32, #tpu.memory_space<vmem>>) target_semaphore(%arg14 : memref<!tpu.dma_semaphore, #tpu.memory_space<semaphore_mem>>)
      } else {
      }
      %add3A_573 = arith.constant 1 : i32
      %add3A_574 = arith.addi %add3A_385, %add3A_573 : i32
      %lt3A_575 = arith.constant 338 : i32
      %lt3A_576 = arith.cmpi slt, %add3A_574, %lt3A_575 : i32
      %convert_element_type3A_577 = arith.extui %lt3A_576 : i1 to i32
      %cond3A_578 = arith.constant 0 : i32
      %cond3A_579 = arith.cmpi ne, %convert_element_type3A_577, %cond3A_578 : i32
      scf.if %cond3A_579 {
        %dma_wait3A_599 = arith.constant 0 : i32
        %dma_wait3A_600 = arith.constant 0 : i32
        %dma_wait3A_601 = arith.constant 0 : i32
        %dma_wait3A_602 = tpu.memref_slice %arg3[%dma_wait3A_600, %add3A, %dma_wait3A_599, %dma_wait3A_601] : memref<12x32x338x104xi32, #tpu.memory_space<hbm>> -> memref<12x1x1x104xi32, #tpu.memory_space<hbm>>
        %dma_wait3A_603 = tpu.memref_squeeze %dma_wait3A_602 : memref<12x1x1x104xi32, #tpu.memory_space<hbm>> -> memref<12x104xi32, #tpu.memory_space<hbm>>
        %dma_wait3A_604 = arith.constant 0 : i32
        %dma_wait3A_605 = arith.constant 0 : i32
        %dma_wait3A_606 = tpu.memref_slice %arg3[%dma_wait3A_604, %add3A, %dma_wait3A_599, %dma_wait3A_605] : memref<12x32x338x104xi32, #tpu.memory_space<hbm>> -> memref<12x1x1x104xi32, #tpu.memory_space<hbm>>
        %dma_wait3A_607 = tpu.memref_squeeze %dma_wait3A_606 : memref<12x1x1x104xi32, #tpu.memory_space<hbm>> -> memref<12x104xi32, #tpu.memory_space<hbm>>
        tpu.wait_dma2 semaphore(%arg13 : memref<!tpu.dma_semaphore, #tpu.memory_space<semaphore_mem>>) src(%dma_wait3A_607 : memref<12x104xi32, #tpu.memory_space<hbm>>) dst(%arg5 : memref<12x104xi32, #tpu.memory_space<vmem>>)
        %dma_start3A_608 = arith.constant 0 : i32
        %dma_start3A_609 = arith.constant 0 : i32
        %dma_start3A_610 = arith.constant 0 : i32
        %dma_start3A_611 = arith.constant 0 : i32
        %dma_start3A_612 = tpu.memref_slice %arg7[%dma_start3A_609, %dma_start3A_610, %dma_start3A_611] : memref<12x104x32xf32, #tpu.memory_space<vmem>> -> memref<1x104x32xf32, #tpu.memory_space<vmem>>
        %dma_start3A_613 = tpu.memref_squeeze %dma_start3A_612 : memref<1x104x32xf32, #tpu.memory_space<vmem>> -> memref<104x32xf32, #tpu.memory_space<vmem>>
        %dma_start3A_614 = arith.constant 0 : i32
        %dma_start3A_615 = tpu.memref_slice %arg5[%dma_start3A_608, %dma_start3A_614] : memref<12x104xi32, #tpu.memory_space<vmem>> -> memref<1x104xi32, #tpu.memory_space<vmem>>
        %dma_start3A_616 = tpu.memref_squeeze %dma_start3A_615 : memref<1x104xi32, #tpu.memory_space<vmem>> -> memref<104xi32, #tpu.memory_space<vmem>>
        %dma_start3A_617 = arith.constant 0 : i32
        %dma_start3A_618 = arith.constant 0 : i32
        %dma_start3A_619 = tpu.memref_slice %arg2[%dma_start3A_617, %dma_start3A_618] : memref<3145728x32xf32, #tpu.memory_space<hbm>> -> memref<3145728x32xf32, #tpu.memory_space<hbm>>
        tpu.enqueue_indirect_dma source(%dma_start3A_619 : memref<3145728x32xf32, #tpu.memory_space<hbm>>) target(%dma_start3A_613 : memref<104x32xf32, #tpu.memory_space<vmem>>) offsets(%dma_start3A_616 : memref<104xi32, #tpu.memory_space<vmem>>) semaphore(%arg11 : memref<!tpu.dma_semaphore, #tpu.memory_space<semaphore_mem>>)
        %dma_start3A_620 = arith.constant 1 : i32
        %dma_start3A_621 = arith.constant 1 : i32
        %dma_start3A_622 = arith.constant 0 : i32
        %dma_start3A_623 = arith.constant 0 : i32
        %dma_start3A_624 = tpu.memref_slice %arg7[%dma_start3A_621, %dma_start3A_622, %dma_start3A_623] : memref<12x104x32xf32, #tpu.memory_space<vmem>> -> memref<1x104x32xf32, #tpu.memory_space<vmem>>
        %dma_start3A_625 = tpu.memref_squeeze %dma_start3A_624 : memref<1x104x32xf32, #tpu.memory_space<vmem>> -> memref<104x32xf32, #tpu.memory_space<vmem>>
        %dma_start3A_626 = arith.constant 0 : i32
        %dma_start3A_627 = tpu.memref_slice %arg5[%dma_start3A_620, %dma_start3A_626] : memref<12x104xi32, #tpu.memory_space<vmem>> -> memref<1x104xi32, #tpu.memory_space<vmem>>
        %dma_start3A_628 = tpu.memref_squeeze %dma_start3A_627 : memref<1x104xi32, #tpu.memory_space<vmem>> -> memref<104xi32, #tpu.memory_space<vmem>>
        %dma_start3A_629 = arith.constant 0 : i32
        %dma_start3A_630 = arith.constant 0 : i32
        %dma_start3A_631 = tpu.memref_slice %arg2[%dma_start3A_629, %dma_start3A_630] : memref<3145728x32xf32, #tpu.memory_space<hbm>> -> memref<3145728x32xf32, #tpu.memory_space<hbm>>
        tpu.enqueue_indirect_dma source(%dma_start3A_631 : memref<3145728x32xf32, #tpu.memory_space<hbm>>) target(%dma_start3A_625 : memref<104x32xf32, #tpu.memory_space<vmem>>) offsets(%dma_start3A_628 : memref<104xi32, #tpu.memory_space<vmem>>) semaphore(%arg11 : memref<!tpu.dma_semaphore, #tpu.memory_space<semaphore_mem>>)
        %dma_start3A_632 = arith.constant 2 : i32
        %dma_start3A_633 = arith.constant 2 : i32
        %dma_start3A_634 = arith.constant 0 : i32
        %dma_start3A_635 = arith.constant 0 : i32
        %dma_start3A_636 = tpu.memref_slice %arg7[%dma_start3A_633, %dma_start3A_634, %dma_start3A_635] : memref<12x104x32xf32, #tpu.memory_space<vmem>> -> memref<1x104x32xf32, #tpu.memory_space<vmem>>
        %dma_start3A_637 = tpu.memref_squeeze %dma_start3A_636 : memref<1x104x32xf32, #tpu.memory_space<vmem>> -> memref<104x32xf32, #tpu.memory_space<vmem>>
        %dma_start3A_638 = arith.constant 0 : i32
        %dma_start3A_639 = tpu.memref_slice %arg5[%dma_start3A_632, %dma_start3A_638] : memref<12x104xi32, #tpu.memory_space<vmem>> -> memref<1x104xi32, #tpu.memory_space<vmem>>
        %dma_start3A_640 = tpu.memref_squeeze %dma_start3A_639 : memref<1x104xi32, #tpu.memory_space<vmem>> -> memref<104xi32, #tpu.memory_space<vmem>>
        %dma_start3A_641 = arith.constant 0 : i32
        %dma_start3A_642 = arith.constant 0 : i32
        %dma_start3A_643 = tpu.memref_slice %arg2[%dma_start3A_641, %dma_start3A_642] : memref<3145728x32xf32, #tpu.memory_space<hbm>> -> memref<3145728x32xf32, #tpu.memory_space<hbm>>
        tpu.enqueue_indirect_dma source(%dma_start3A_643 : memref<3145728x32xf32, #tpu.memory_space<hbm>>) target(%dma_start3A_637 : memref<104x32xf32, #tpu.memory_space<vmem>>) offsets(%dma_start3A_640 : memref<104xi32, #tpu.memory_space<vmem>>) semaphore(%arg11 : memref<!tpu.dma_semaphore, #tpu.memory_space<semaphore_mem>>)
        %dma_start3A_644 = arith.constant 3 : i32
        %dma_start3A_645 = arith.constant 3 : i32
        %dma_start3A_646 = arith.constant 0 : i32
        %dma_start3A_647 = arith.constant 0 : i32
        %dma_start3A_648 = tpu.memref_slice %arg7[%dma_start3A_645, %dma_start3A_646, %dma_start3A_647] : memref<12x104x32xf32, #tpu.memory_space<vmem>> -> memref<1x104x32xf32, #tpu.memory_space<vmem>>
        %dma_start3A_649 = tpu.memref_squeeze %dma_start3A_648 : memref<1x104x32xf32, #tpu.memory_space<vmem>> -> memref<104x32xf32, #tpu.memory_space<vmem>>
        %dma_start3A_650 = arith.constant 0 : i32
        %dma_start3A_651 = tpu.memref_slice %arg5[%dma_start3A_644, %dma_start3A_650] : memref<12x104xi32, #tpu.memory_space<vmem>> -> memref<1x104xi32, #tpu.memory_space<vmem>>
        %dma_start3A_652 = tpu.memref_squeeze %dma_start3A_651 : memref<1x104xi32, #tpu.memory_space<vmem>> -> memref<104xi32, #tpu.memory_space<vmem>>
        %dma_start3A_653 = arith.constant 0 : i32
        %dma_start3A_654 = arith.constant 0 : i32
        %dma_start3A_655 = tpu.memref_slice %arg2[%dma_start3A_653, %dma_start3A_654] : memref<3145728x32xf32, #tpu.memory_space<hbm>> -> memref<3145728x32xf32, #tpu.memory_space<hbm>>
        tpu.enqueue_indirect_dma source(%dma_start3A_655 : memref<3145728x32xf32, #tpu.memory_space<hbm>>) target(%dma_start3A_649 : memref<104x32xf32, #tpu.memory_space<vmem>>) offsets(%dma_start3A_652 : memref<104xi32, #tpu.memory_space<vmem>>) semaphore(%arg11 : memref<!tpu.dma_semaphore, #tpu.memory_space<semaphore_mem>>)
        %dma_start3A_656 = arith.constant 4 : i32
        %dma_start3A_657 = arith.constant 4 : i32
        %dma_start3A_658 = arith.constant 0 : i32
        %dma_start3A_659 = arith.constant 0 : i32
        %dma_start3A_660 = tpu.memref_slice %arg7[%dma_start3A_657, %dma_start3A_658, %dma_start3A_659] : memref<12x104x32xf32, #tpu.memory_space<vmem>> -> memref<1x104x32xf32, #tpu.memory_space<vmem>>
        %dma_start3A_661 = tpu.memref_squeeze %dma_start3A_660 : memref<1x104x32xf32, #tpu.memory_space<vmem>> -> memref<104x32xf32, #tpu.memory_space<vmem>>
        %dma_start3A_662 = arith.constant 0 : i32
        %dma_start3A_663 = tpu.memref_slice %arg5[%dma_start3A_656, %dma_start3A_662] : memref<12x104xi32, #tpu.memory_space<vmem>> -> memref<1x104xi32, #tpu.memory_space<vmem>>
        %dma_start3A_664 = tpu.memref_squeeze %dma_start3A_663 : memref<1x104xi32, #tpu.memory_space<vmem>> -> memref<104xi32, #tpu.memory_space<vmem>>
        %dma_start3A_665 = arith.constant 0 : i32
        %dma_start3A_666 = arith.constant 0 : i32
        %dma_start3A_667 = tpu.memref_slice %arg2[%dma_start3A_665, %dma_start3A_666] : memref<3145728x32xf32, #tpu.memory_space<hbm>> -> memref<3145728x32xf32, #tpu.memory_space<hbm>>
        tpu.enqueue_indirect_dma source(%dma_start3A_667 : memref<3145728x32xf32, #tpu.memory_space<hbm>>) target(%dma_start3A_661 : memref<104x32xf32, #tpu.memory_space<vmem>>) offsets(%dma_start3A_664 : memref<104xi32, #tpu.memory_space<vmem>>) semaphore(%arg11 : memref<!tpu.dma_semaphore, #tpu.memory_space<semaphore_mem>>)
        %dma_start3A_668 = arith.constant 5 : i32
        %dma_start3A_669 = arith.constant 5 : i32
        %dma_start3A_670 = arith.constant 0 : i32
        %dma_start3A_671 = arith.constant 0 : i32
        %dma_start3A_672 = tpu.memref_slice %arg7[%dma_start3A_669, %dma_start3A_670, %dma_start3A_671] : memref<12x104x32xf32, #tpu.memory_space<vmem>> -> memref<1x104x32xf32, #tpu.memory_space<vmem>>
        %dma_start3A_673 = tpu.memref_squeeze %dma_start3A_672 : memref<1x104x32xf32, #tpu.memory_space<vmem>> -> memref<104x32xf32, #tpu.memory_space<vmem>>
        %dma_start3A_674 = arith.constant 0 : i32
        %dma_start3A_675 = tpu.memref_slice %arg5[%dma_start3A_668, %dma_start3A_674] : memref<12x104xi32, #tpu.memory_space<vmem>> -> memref<1x104xi32, #tpu.memory_space<vmem>>
        %dma_start3A_676 = tpu.memref_squeeze %dma_start3A_675 : memref<1x104xi32, #tpu.memory_space<vmem>> -> memref<104xi32, #tpu.memory_space<vmem>>
        %dma_start3A_677 = arith.constant 0 : i32
        %dma_start3A_678 = arith.constant 0 : i32
        %dma_start3A_679 = tpu.memref_slice %arg2[%dma_start3A_677, %dma_start3A_678] : memref<3145728x32xf32, #tpu.memory_space<hbm>> -> memref<3145728x32xf32, #tpu.memory_space<hbm>>
        tpu.enqueue_indirect_dma source(%dma_start3A_679 : memref<3145728x32xf32, #tpu.memory_space<hbm>>) target(%dma_start3A_673 : memref<104x32xf32, #tpu.memory_space<vmem>>) offsets(%dma_start3A_676 : memref<104xi32, #tpu.memory_space<vmem>>) semaphore(%arg11 : memref<!tpu.dma_semaphore, #tpu.memory_space<semaphore_mem>>)
        %dma_start3A_680 = arith.constant 6 : i32
        %dma_start3A_681 = arith.constant 6 : i32
        %dma_start3A_682 = arith.constant 0 : i32
        %dma_start3A_683 = arith.constant 0 : i32
        %dma_start3A_684 = tpu.memref_slice %arg7[%dma_start3A_681, %dma_start3A_682, %dma_start3A_683] : memref<12x104x32xf32, #tpu.memory_space<vmem>> -> memref<1x104x32xf32, #tpu.memory_space<vmem>>
        %dma_start3A_685 = tpu.memref_squeeze %dma_start3A_684 : memref<1x104x32xf32, #tpu.memory_space<vmem>> -> memref<104x32xf32, #tpu.memory_space<vmem>>
        %dma_start3A_686 = arith.constant 0 : i32
        %dma_start3A_687 = tpu.memref_slice %arg5[%dma_start3A_680, %dma_start3A_686] : memref<12x104xi32, #tpu.memory_space<vmem>> -> memref<1x104xi32, #tpu.memory_space<vmem>>
        %dma_start3A_688 = tpu.memref_squeeze %dma_start3A_687 : memref<1x104xi32, #tpu.memory_space<vmem>> -> memref<104xi32, #tpu.memory_space<vmem>>
        %dma_start3A_689 = arith.constant 0 : i32
        %dma_start3A_690 = arith.constant 0 : i32
        %dma_start3A_691 = tpu.memref_slice %arg2[%dma_start3A_689, %dma_start3A_690] : memref<3145728x32xf32, #tpu.memory_space<hbm>> -> memref<3145728x32xf32, #tpu.memory_space<hbm>>
        tpu.enqueue_indirect_dma source(%dma_start3A_691 : memref<3145728x32xf32, #tpu.memory_space<hbm>>) target(%dma_start3A_685 : memref<104x32xf32, #tpu.memory_space<vmem>>) offsets(%dma_start3A_688 : memref<104xi32, #tpu.memory_space<vmem>>) semaphore(%arg11 : memref<!tpu.dma_semaphore, #tpu.memory_space<semaphore_mem>>)
        %dma_start3A_692 = arith.constant 7 : i32
        %dma_start3A_693 = arith.constant 7 : i32
        %dma_start3A_694 = arith.constant 0 : i32
        %dma_start3A_695 = arith.constant 0 : i32
        %dma_start3A_696 = tpu.memref_slice %arg7[%dma_start3A_693, %dma_start3A_694, %dma_start3A_695] : memref<12x104x32xf32, #tpu.memory_space<vmem>> -> memref<1x104x32xf32, #tpu.memory_space<vmem>>
        %dma_start3A_697 = tpu.memref_squeeze %dma_start3A_696 : memref<1x104x32xf32, #tpu.memory_space<vmem>> -> memref<104x32xf32, #tpu.memory_space<vmem>>
        %dma_start3A_698 = arith.constant 0 : i32
        %dma_start3A_699 = tpu.memref_slice %arg5[%dma_start3A_692, %dma_start3A_698] : memref<12x104xi32, #tpu.memory_space<vmem>> -> memref<1x104xi32, #tpu.memory_space<vmem>>
        %dma_start3A_700 = tpu.memref_squeeze %dma_start3A_699 : memref<1x104xi32, #tpu.memory_space<vmem>> -> memref<104xi32, #tpu.memory_space<vmem>>
        %dma_start3A_701 = arith.constant 0 : i32
        %dma_start3A_702 = arith.constant 0 : i32
        %dma_start3A_703 = tpu.memref_slice %arg2[%dma_start3A_701, %dma_start3A_702] : memref<3145728x32xf32, #tpu.memory_space<hbm>> -> memref<3145728x32xf32, #tpu.memory_space<hbm>>
        tpu.enqueue_indirect_dma source(%dma_start3A_703 : memref<3145728x32xf32, #tpu.memory_space<hbm>>) target(%dma_start3A_697 : memref<104x32xf32, #tpu.memory_space<vmem>>) offsets(%dma_start3A_700 : memref<104xi32, #tpu.memory_space<vmem>>) semaphore(%arg11 : memref<!tpu.dma_semaphore, #tpu.memory_space<semaphore_mem>>)
        %dma_start3A_704 = arith.constant 8 : i32
        %dma_start3A_705 = arith.constant 8 : i32
        %dma_start3A_706 = arith.constant 0 : i32
        %dma_start3A_707 = arith.constant 0 : i32
        %dma_start3A_708 = tpu.memref_slice %arg7[%dma_start3A_705, %dma_start3A_706, %dma_start3A_707] : memref<12x104x32xf32, #tpu.memory_space<vmem>> -> memref<1x104x32xf32, #tpu.memory_space<vmem>>
        %dma_start3A_709 = tpu.memref_squeeze %dma_start3A_708 : memref<1x104x32xf32, #tpu.memory_space<vmem>> -> memref<104x32xf32, #tpu.memory_space<vmem>>
        %dma_start3A_710 = arith.constant 0 : i32
        %dma_start3A_711 = tpu.memref_slice %arg5[%dma_start3A_704, %dma_start3A_710] : memref<12x104xi32, #tpu.memory_space<vmem>> -> memref<1x104xi32, #tpu.memory_space<vmem>>
        %dma_start3A_712 = tpu.memref_squeeze %dma_start3A_711 : memref<1x104xi32, #tpu.memory_space<vmem>> -> memref<104xi32, #tpu.memory_space<vmem>>
        %dma_start3A_713 = arith.constant 0 : i32
        %dma_start3A_714 = arith.constant 0 : i32
        %dma_start3A_715 = tpu.memref_slice %arg2[%dma_start3A_713, %dma_start3A_714] : memref<3145728x32xf32, #tpu.memory_space<hbm>> -> memref<3145728x32xf32, #tpu.memory_space<hbm>>
        tpu.enqueue_indirect_dma source(%dma_start3A_715 : memref<3145728x32xf32, #tpu.memory_space<hbm>>) target(%dma_start3A_709 : memref<104x32xf32, #tpu.memory_space<vmem>>) offsets(%dma_start3A_712 : memref<104xi32, #tpu.memory_space<vmem>>) semaphore(%arg11 : memref<!tpu.dma_semaphore, #tpu.memory_space<semaphore_mem>>)
        %dma_start3A_716 = arith.constant 9 : i32
        %dma_start3A_717 = arith.constant 9 : i32
        %dma_start3A_718 = arith.constant 0 : i32
        %dma_start3A_719 = arith.constant 0 : i32
        %dma_start3A_720 = tpu.memref_slice %arg7[%dma_start3A_717, %dma_start3A_718, %dma_start3A_719] : memref<12x104x32xf32, #tpu.memory_space<vmem>> -> memref<1x104x32xf32, #tpu.memory_space<vmem>>
        %dma_start3A_721 = tpu.memref_squeeze %dma_start3A_720 : memref<1x104x32xf32, #tpu.memory_space<vmem>> -> memref<104x32xf32, #tpu.memory_space<vmem>>
        %dma_start3A_722 = arith.constant 0 : i32
        %dma_start3A_723 = tpu.memref_slice %arg5[%dma_start3A_716, %dma_start3A_722] : memref<12x104xi32, #tpu.memory_space<vmem>> -> memref<1x104xi32, #tpu.memory_space<vmem>>
        %dma_start3A_724 = tpu.memref_squeeze %dma_start3A_723 : memref<1x104xi32, #tpu.memory_space<vmem>> -> memref<104xi32, #tpu.memory_space<vmem>>
        %dma_start3A_725 = arith.constant 0 : i32
        %dma_start3A_726 = arith.constant 0 : i32
        %dma_start3A_727 = tpu.memref_slice %arg2[%dma_start3A_725, %dma_start3A_726] : memref<3145728x32xf32, #tpu.memory_space<hbm>> -> memref<3145728x32xf32, #tpu.memory_space<hbm>>
        tpu.enqueue_indirect_dma source(%dma_start3A_727 : memref<3145728x32xf32, #tpu.memory_space<hbm>>) target(%dma_start3A_721 : memref<104x32xf32, #tpu.memory_space<vmem>>) offsets(%dma_start3A_724 : memref<104xi32, #tpu.memory_space<vmem>>) semaphore(%arg11 : memref<!tpu.dma_semaphore, #tpu.memory_space<semaphore_mem>>)
        %dma_start3A_728 = arith.constant 10 : i32
        %dma_start3A_729 = arith.constant 10 : i32
        %dma_start3A_730 = arith.constant 0 : i32
        %dma_start3A_731 = arith.constant 0 : i32
        %dma_start3A_732 = tpu.memref_slice %arg7[%dma_start3A_729, %dma_start3A_730, %dma_start3A_731] : memref<12x104x32xf32, #tpu.memory_space<vmem>> -> memref<1x104x32xf32, #tpu.memory_space<vmem>>
        %dma_start3A_733 = tpu.memref_squeeze %dma_start3A_732 : memref<1x104x32xf32, #tpu.memory_space<vmem>> -> memref<104x32xf32, #tpu.memory_space<vmem>>
        %dma_start3A_734 = arith.constant 0 : i32
        %dma_start3A_735 = tpu.memref_slice %arg5[%dma_start3A_728, %dma_start3A_734] : memref<12x104xi32, #tpu.memory_space<vmem>> -> memref<1x104xi32, #tpu.memory_space<vmem>>
        %dma_start3A_736 = tpu.memref_squeeze %dma_start3A_735 : memref<1x104xi32, #tpu.memory_space<vmem>> -> memref<104xi32, #tpu.memory_space<vmem>>
        %dma_start3A_737 = arith.constant 0 : i32
        %dma_start3A_738 = arith.constant 0 : i32
        %dma_start3A_739 = tpu.memref_slice %arg2[%dma_start3A_737, %dma_start3A_738] : memref<3145728x32xf32, #tpu.memory_space<hbm>> -> memref<3145728x32xf32, #tpu.memory_space<hbm>>
        tpu.enqueue_indirect_dma source(%dma_start3A_739 : memref<3145728x32xf32, #tpu.memory_space<hbm>>) target(%dma_start3A_733 : memref<104x32xf32, #tpu.memory_space<vmem>>) offsets(%dma_start3A_736 : memref<104xi32, #tpu.memory_space<vmem>>) semaphore(%arg11 : memref<!tpu.dma_semaphore, #tpu.memory_space<semaphore_mem>>)
        %dma_start3A_740 = arith.constant 11 : i32
        %dma_start3A_741 = arith.constant 11 : i32
        %dma_start3A_742 = arith.constant 0 : i32
        %dma_start3A_743 = arith.constant 0 : i32
        %dma_start3A_744 = tpu.memref_slice %arg7[%dma_start3A_741, %dma_start3A_742, %dma_start3A_743] : memref<12x104x32xf32, #tpu.memory_space<vmem>> -> memref<1x104x32xf32, #tpu.memory_space<vmem>>
        %dma_start3A_745 = tpu.memref_squeeze %dma_start3A_744 : memref<1x104x32xf32, #tpu.memory_space<vmem>> -> memref<104x32xf32, #tpu.memory_space<vmem>>
        %dma_start3A_746 = arith.constant 0 : i32
        %dma_start3A_747 = tpu.memref_slice %arg5[%dma_start3A_740, %dma_start3A_746] : memref<12x104xi32, #tpu.memory_space<vmem>> -> memref<1x104xi32, #tpu.memory_space<vmem>>
        %dma_start3A_748 = tpu.memref_squeeze %dma_start3A_747 : memref<1x104xi32, #tpu.memory_space<vmem>> -> memref<104xi32, #tpu.memory_space<vmem>>
        %dma_start3A_749 = arith.constant 0 : i32
        %dma_start3A_750 = arith.constant 0 : i32
        %dma_start3A_751 = tpu.memref_slice %arg2[%dma_start3A_749, %dma_start3A_750] : memref<3145728x32xf32, #tpu.memory_space<hbm>> -> memref<3145728x32xf32, #tpu.memory_space<hbm>>
        tpu.enqueue_indirect_dma source(%dma_start3A_751 : memref<3145728x32xf32, #tpu.memory_space<hbm>>) target(%dma_start3A_745 : memref<104x32xf32, #tpu.memory_space<vmem>>) offsets(%dma_start3A_748 : memref<104xi32, #tpu.memory_space<vmem>>) semaphore(%arg11 : memref<!tpu.dma_semaphore, #tpu.memory_space<semaphore_mem>>)
      } else {
      }
      %ge3A_580 = arith.constant 2 : i32
      %ge3A_581 = arith.cmpi sge, %add3A_385, %ge3A_580 : i32
      %convert_element_type3A_582 = arith.extui %ge3A_581 : i1 to i32
      %cond3A_583 = arith.constant 0 : i32
      %cond3A_584 = arith.cmpi ne, %convert_element_type3A_582, %cond3A_583 : i32
      scf.if %cond3A_584 {
        %dma_wait3A_599 = arith.constant 0 : i32
        %dma_wait3A_600 = arith.constant 0 : i32
        %dma_wait3A_601 = tpu.memref_slice %arg4[%dma_wait3A_599, %dma_wait3A_600] : memref<1124864x32xf32, #tpu.memory_space<hbm>> -> memref<104x32xf32, #tpu.memory_space<hbm>>
        %dma_wait3A_602 = arith.constant 0 : i32
        %dma_wait3A_603 = arith.constant 0 : i32
        %dma_wait3A_604 = tpu.memref_slice %arg4[%dma_wait3A_602, %dma_wait3A_603] : memref<1124864x32xf32, #tpu.memory_space<hbm>> -> memref<104x32xf32, #tpu.memory_space<hbm>>
        tpu.wait_dma2 semaphore(%arg16 : memref<!tpu.dma_semaphore, #tpu.memory_space<semaphore_mem>>) src(%dma_wait3A_604 : memref<104x32xf32, #tpu.memory_space<hbm>>) dst(%arg10 : memref<104x32xf32, #tpu.memory_space<vmem>>)
      } else {
      }
      %scan3A_585 = arith.constant 0 : i32
      %scan3A_586 = arith.constant 104 : i32
      %scan3A_587 = arith.addi %scan3A_585, %scan3A_586 : i32
      %scan3A_588 = arith.constant 1 : i32
      scf.for %scan3A_599 = %scan3A_585 to %scan3A_587 step %scan3A_588  : i32 {
        %mul3A_600 = arith.constant 1 : i32
        %mul3A_601 = arith.muli %scan3A_599, %mul3A_600 : i32
        %add3A_602 = arith.constant 0 : i32
        %add3A_603 = arith.addi %add3A_602, %mul3A_601 : i32
        %get3A = arith.constant 0 : i32
        %get3A_604 = arith.index_cast %get3A : i32 to index
        %get3A_605 = arith.index_cast %add3A_603 : i32 to index
        %get3A_606 = arith.constant 0 : index
        %get3A_607 = tpu.vector_load %arg8[%get3A_604, %get3A_605, %get3A_606] {strides = array<i32>} : memref<12x104x32xf32, #tpu.memory_space<vmem>>, vector<1x1x16xf32>,
        %get3A_608 = vector.shape_cast %get3A_607 : vector<1x1x16xf32> to vector<16xf32>
        %get3A_609 = arith.constant 1 : i32
        %get3A_610 = arith.index_cast %get3A_609 : i32 to index
        %get3A_611 = arith.index_cast %add3A_603 : i32 to index
        %get3A_612 = arith.constant 0 : index
        %get3A_613 = tpu.vector_load %arg8[%get3A_610, %get3A_611, %get3A_612] {strides = array<i32>} : memref<12x104x32xf32, #tpu.memory_space<vmem>>, vector<1x1x16xf32>,
        %get3A_614 = vector.shape_cast %get3A_613 : vector<1x1x16xf32> to vector<16xf32>
        %add3A_615 = arith.addf %get3A_608, %get3A_614 : vector<16xf32>
        %get3A_616 = arith.constant 2 : i32
        %get3A_617 = arith.index_cast %get3A_616 : i32 to index
        %get3A_618 = arith.index_cast %add3A_603 : i32 to index
        %get3A_619 = arith.constant 0 : index
        %get3A_620 = tpu.vector_load %arg8[%get3A_617, %get3A_618, %get3A_619] {strides = array<i32>} : memref<12x104x32xf32, #tpu.memory_space<vmem>>, vector<1x1x16xf32>,
        %get3A_621 = vector.shape_cast %get3A_620 : vector<1x1x16xf32> to vector<16xf32>
        %add3A_622 = arith.addf %add3A_615, %get3A_621 : vector<16xf32>
        %get3A_623 = arith.constant 3 : i32
        %get3A_624 = arith.index_cast %get3A_623 : i32 to index
        %get3A_625 = arith.index_cast %add3A_603 : i32 to index
        %get3A_626 = arith.constant 0 : index
        %get3A_627 = tpu.vector_load %arg8[%get3A_624, %get3A_625, %get3A_626] {strides = array<i32>} : memref<12x104x32xf32, #tpu.memory_space<vmem>>, vector<1x1x16xf32>,
        %get3A_628 = vector.shape_cast %get3A_627 : vector<1x1x16xf32> to vector<16xf32>
        %add3A_629 = arith.addf %add3A_622, %get3A_628 : vector<16xf32>
        %get3A_630 = arith.constant 4 : i32
        %get3A_631 = arith.index_cast %get3A_630 : i32 to index
        %get3A_632 = arith.index_cast %add3A_603 : i32 to index
        %get3A_633 = arith.constant 0 : index
        %get3A_634 = tpu.vector_load %arg8[%get3A_631, %get3A_632, %get3A_633] {strides = array<i32>} : memref<12x104x32xf32, #tpu.memory_space<vmem>>, vector<1x1x16xf32>,
        %get3A_635 = vector.shape_cast %get3A_634 : vector<1x1x16xf32> to vector<16xf32>
        %add3A_636 = arith.addf %add3A_629, %get3A_635 : vector<16xf32>
        %get3A_637 = arith.constant 5 : i32
        %get3A_638 = arith.index_cast %get3A_637 : i32 to index
        %get3A_639 = arith.index_cast %add3A_603 : i32 to index
        %get3A_640 = arith.constant 0 : index
        %get3A_641 = tpu.vector_load %arg8[%get3A_638, %get3A_639, %get3A_640] {strides = array<i32>} : memref<12x104x32xf32, #tpu.memory_space<vmem>>, vector<1x1x16xf32>,
        %get3A_642 = vector.shape_cast %get3A_641 : vector<1x1x16xf32> to vector<16xf32>
        %add3A_643 = arith.addf %add3A_636, %get3A_642 : vector<16xf32>
        %get3A_644 = arith.constant 6 : i32
        %get3A_645 = arith.index_cast %get3A_644 : i32 to index
        %get3A_646 = arith.index_cast %add3A_603 : i32 to index
        %get3A_647 = arith.constant 0 : index
        %get3A_648 = tpu.vector_load %arg8[%get3A_645, %get3A_646, %get3A_647] {strides = array<i32>} : memref<12x104x32xf32, #tpu.memory_space<vmem>>, vector<1x1x16xf32>,
        %get3A_649 = vector.shape_cast %get3A_648 : vector<1x1x16xf32> to vector<16xf32>
        %add3A_650 = arith.addf %add3A_643, %get3A_649 : vector<16xf32>
        %get3A_651 = arith.constant 7 : i32
        %get3A_652 = arith.index_cast %get3A_651 : i32 to index
        %get3A_653 = arith.index_cast %add3A_603 : i32 to index
        %get3A_654 = arith.constant 0 : index
        %get3A_655 = tpu.vector_load %arg8[%get3A_652, %get3A_653, %get3A_654] {strides = array<i32>} : memref<12x104x32xf32, #tpu.memory_space<vmem>>, vector<1x1x16xf32>,
        %get3A_656 = vector.shape_cast %get3A_655 : vector<1x1x16xf32> to vector<16xf32>
        %add3A_657 = arith.addf %add3A_650, %get3A_656 : vector<16xf32>
        %get3A_658 = arith.constant 8 : i32
        %get3A_659 = arith.index_cast %get3A_658 : i32 to index
        %get3A_660 = arith.index_cast %add3A_603 : i32 to index
        %get3A_661 = arith.constant 0 : index
        %get3A_662 = tpu.vector_load %arg8[%get3A_659, %get3A_660, %get3A_661] {strides = array<i32>} : memref<12x104x32xf32, #tpu.memory_space<vmem>>, vector<1x1x16xf32>,
        %get3A_663 = vector.shape_cast %get3A_662 : vector<1x1x16xf32> to vector<16xf32>
        %add3A_664 = arith.addf %add3A_657, %get3A_663 : vector<16xf32>
        %get3A_665 = arith.constant 9 : i32
        %get3A_666 = arith.index_cast %get3A_665 : i32 to index
        %get3A_667 = arith.index_cast %add3A_603 : i32 to index
        %get3A_668 = arith.constant 0 : index
        %get3A_669 = tpu.vector_load %arg8[%get3A_666, %get3A_667, %get3A_668] {strides = array<i32>} : memref<12x104x32xf32, #tpu.memory_space<vmem>>, vector<1x1x16xf32>,
        %get3A_670 = vector.shape_cast %get3A_669 : vector<1x1x16xf32> to vector<16xf32>
        %add3A_671 = arith.addf %add3A_664, %get3A_670 : vector<16xf32>
        %get3A_672 = arith.constant 10 : i32
        %get3A_673 = arith.index_cast %get3A_672 : i32 to index
        %get3A_674 = arith.index_cast %add3A_603 : i32 to index
        %get3A_675 = arith.constant 0 : index
        %get3A_676 = tpu.vector_load %arg8[%get3A_673, %get3A_674, %get3A_675] {strides = array<i32>} : memref<12x104x32xf32, #tpu.memory_space<vmem>>, vector<1x1x16xf32>,
        %get3A_677 = vector.shape_cast %get3A_676 : vector<1x1x16xf32> to vector<16xf32>
        %add3A_678 = arith.addf %add3A_671, %get3A_677 : vector<16xf32>
        %get3A_679 = arith.constant 11 : i32
        %get3A_680 = arith.index_cast %get3A_679 : i32 to index
        %get3A_681 = arith.index_cast %add3A_603 : i32 to index
        %get3A_682 = arith.constant 0 : index
        %get3A_683 = tpu.vector_load %arg8[%get3A_680, %get3A_681, %get3A_682] {strides = array<i32>} : memref<12x104x32xf32, #tpu.memory_space<vmem>>, vector<1x1x16xf32>,
        %get3A_684 = vector.shape_cast %get3A_683 : vector<1x1x16xf32> to vector<16xf32>
        %add3A_685 = arith.addf %add3A_678, %get3A_684 : vector<16xf32>
        %mul3A_686 = arith.constant 0.0833333358 : f32
        %mul3A_687 = vector.broadcast %mul3A_686 : f32 to vector<16xf32>
        %mul3A_688 = arith.mulf %add3A_685, %mul3A_687 : vector<16xf32>
        %swap3A = arith.index_cast %add3A_603 : i32 to index
        %swap3A_689 = arith.constant 0 : index
        %swap3A_690 = tpu.vector_load %arg10[%swap3A, %swap3A_689] {strides = array<i32>} : memref<104x32xf32, #tpu.memory_space<vmem>>, vector<1x16xf32>,
        %swap3A_691 = vector.shape_cast %swap3A_690 : vector<1x16xf32> to vector<16xf32>
        %swap3A_692 = vector.shape_cast %mul3A_688 : vector<16xf32> to vector<1x16xf32>
        tpu.vector_store %arg10[%swap3A, %swap3A_689], %swap3A_692 {strides = array<i32>} : memref<104x32xf32, #tpu.memory_space<vmem>>, vector<1x16xf32>,
        %get3A_693 = arith.constant 0 : i32
        %get3A_694 = arith.index_cast %get3A_693 : i32 to index
        %get3A_695 = arith.index_cast %add3A_603 : i32 to index
        %get3A_696 = arith.constant 16 : index
        %get3A_697 = tpu.vector_load %arg8[%get3A_694, %get3A_695, %get3A_696] {strides = array<i32>} : memref<12x104x32xf32, #tpu.memory_space<vmem>>, vector<1x1x16xf32>,
        %get3A_698 = vector.shape_cast %get3A_697 : vector<1x1x16xf32> to vector<16xf32>
        %get3A_699 = arith.constant 1 : i32
        %get3A_700 = arith.index_cast %get3A_699 : i32 to index
        %get3A_701 = arith.index_cast %add3A_603 : i32 to index
        %get3A_702 = arith.constant 16 : index
        %get3A_703 = tpu.vector_load %arg8[%get3A_700, %get3A_701, %get3A_702] {strides = array<i32>} : memref<12x104x32xf32, #tpu.memory_space<vmem>>, vector<1x1x16xf32>,
        %get3A_704 = vector.shape_cast %get3A_703 : vector<1x1x16xf32> to vector<16xf32>
        %add3A_705 = arith.addf %get3A_698, %get3A_704 : vector<16xf32>
        %get3A_706 = arith.constant 2 : i32
        %get3A_707 = arith.index_cast %get3A_706 : i32 to index
        %get3A_708 = arith.index_cast %add3A_603 : i32 to index
        %get3A_709 = arith.constant 16 : index
        %get3A_710 = tpu.vector_load %arg8[%get3A_707, %get3A_708, %get3A_709] {strides = array<i32>} : memref<12x104x32xf32, #tpu.memory_space<vmem>>, vector<1x1x16xf32>,
        %get3A_711 = vector.shape_cast %get3A_710 : vector<1x1x16xf32> to vector<16xf32>
        %add3A_712 = arith.addf %add3A_705, %get3A_711 : vector<16xf32>
        %get3A_713 = arith.constant 3 : i32
        %get3A_714 = arith.index_cast %get3A_713 : i32 to index
        %get3A_715 = arith.index_cast %add3A_603 : i32 to index
        %get3A_716 = arith.constant 16 : index
        %get3A_717 = tpu.vector_load %arg8[%get3A_714, %get3A_715, %get3A_716] {strides = array<i32>} : memref<12x104x32xf32, #tpu.memory_space<vmem>>, vector<1x1x16xf32>,
        %get3A_718 = vector.shape_cast %get3A_717 : vector<1x1x16xf32> to vector<16xf32>
        %add3A_719 = arith.addf %add3A_712, %get3A_718 : vector<16xf32>
        %get3A_720 = arith.constant 4 : i32
        %get3A_721 = arith.index_cast %get3A_720 : i32 to index
        %get3A_722 = arith.index_cast %add3A_603 : i32 to index
        %get3A_723 = arith.constant 16 : index
        %get3A_724 = tpu.vector_load %arg8[%get3A_721, %get3A_722, %get3A_723] {strides = array<i32>} : memref<12x104x32xf32, #tpu.memory_space<vmem>>, vector<1x1x16xf32>,
        %get3A_725 = vector.shape_cast %get3A_724 : vector<1x1x16xf32> to vector<16xf32>
        %add3A_726 = arith.addf %add3A_719, %get3A_725 : vector<16xf32>
        %get3A_727 = arith.constant 5 : i32
        %get3A_728 = arith.index_cast %get3A_727 : i32 to index
        %get3A_729 = arith.index_cast %add3A_603 : i32 to index
        %get3A_730 = arith.constant 16 : index
        %get3A_731 = tpu.vector_load %arg8[%get3A_728, %get3A_729, %get3A_730] {strides = array<i32>} : memref<12x104x32xf32, #tpu.memory_space<vmem>>, vector<1x1x16xf32>,
        %get3A_732 = vector.shape_cast %get3A_731 : vector<1x1x16xf32> to vector<16xf32>
        %add3A_733 = arith.addf %add3A_726, %get3A_732 : vector<16xf32>
        %get3A_734 = arith.constant 6 : i32
        %get3A_735 = arith.index_cast %get3A_734 : i32 to index
        %get3A_736 = arith.index_cast %add3A_603 : i32 to index
        %get3A_737 = arith.constant 16 : index
        %get3A_738 = tpu.vector_load %arg8[%get3A_735, %get3A_736, %get3A_737] {strides = array<i32>} : memref<12x104x32xf32, #tpu.memory_space<vmem>>, vector<1x1x16xf32>,
        %get3A_739 = vector.shape_cast %get3A_738 : vector<1x1x16xf32> to vector<16xf32>
        %add3A_740 = arith.addf %add3A_733, %get3A_739 : vector<16xf32>
        %get3A_741 = arith.constant 7 : i32
        %get3A_742 = arith.index_cast %get3A_741 : i32 to index
        %get3A_743 = arith.index_cast %add3A_603 : i32 to index
        %get3A_744 = arith.constant 16 : index
        %get3A_745 = tpu.vector_load %arg8[%get3A_742, %get3A_743, %get3A_744] {strides = array<i32>} : memref<12x104x32xf32, #tpu.memory_space<vmem>>, vector<1x1x16xf32>,
        %get3A_746 = vector.shape_cast %get3A_745 : vector<1x1x16xf32> to vector<16xf32>
        %add3A_747 = arith.addf %add3A_740, %get3A_746 : vector<16xf32>
        %get3A_748 = arith.constant 8 : i32
        %get3A_749 = arith.index_cast %get3A_748 : i32 to index
        %get3A_750 = arith.index_cast %add3A_603 : i32 to index
        %get3A_751 = arith.constant 16 : index
        %get3A_752 = tpu.vector_load %arg8[%get3A_749, %get3A_750, %get3A_751] {strides = array<i32>} : memref<12x104x32xf32, #tpu.memory_space<vmem>>, vector<1x1x16xf32>,
        %get3A_753 = vector.shape_cast %get3A_752 : vector<1x1x16xf32> to vector<16xf32>
        %add3A_754 = arith.addf %add3A_747, %get3A_753 : vector<16xf32>
        %get3A_755 = arith.constant 9 : i32
        %get3A_756 = arith.index_cast %get3A_755 : i32 to index
        %get3A_757 = arith.index_cast %add3A_603 : i32 to index
        %get3A_758 = arith.constant 16 : index
        %get3A_759 = tpu.vector_load %arg8[%get3A_756, %get3A_757, %get3A_758] {strides = array<i32>} : memref<12x104x32xf32, #tpu.memory_space<vmem>>, vector<1x1x16xf32>,
        %get3A_760 = vector.shape_cast %get3A_759 : vector<1x1x16xf32> to vector<16xf32>
        %add3A_761 = arith.addf %add3A_754, %get3A_760 : vector<16xf32>
        %get3A_762 = arith.constant 10 : i32
        %get3A_763 = arith.index_cast %get3A_762 : i32 to index
        %get3A_764 = arith.index_cast %add3A_603 : i32 to index
        %get3A_765 = arith.constant 16 : index
        %get3A_766 = tpu.vector_load %arg8[%get3A_763, %get3A_764, %get3A_765] {strides = array<i32>} : memref<12x104x32xf32, #tpu.memory_space<vmem>>, vector<1x1x16xf32>,
        %get3A_767 = vector.shape_cast %get3A_766 : vector<1x1x16xf32> to vector<16xf32>
        %add3A_768 = arith.addf %add3A_761, %get3A_767 : vector<16xf32>
        %get3A_769 = arith.constant 11 : i32
        %get3A_770 = arith.index_cast %get3A_769 : i32 to index
        %get3A_771 = arith.index_cast %add3A_603 : i32 to index
        %get3A_772 = arith.constant 16 : index
        %get3A_773 = tpu.vector_load %arg8[%get3A_770, %get3A_771, %get3A_772] {strides = array<i32>} : memref<12x104x32xf32, #tpu.memory_space<vmem>>, vector<1x1x16xf32>,
        %get3A_774 = vector.shape_cast %get3A_773 : vector<1x1x16xf32> to vector<16xf32>
        %add3A_775 = arith.addf %add3A_768, %get3A_774 : vector<16xf32>
        %mul3A_776 = arith.constant 0.0833333358 : f32
        %mul3A_777 = vector.broadcast %mul3A_776 : f32 to vector<16xf32>
        %mul3A_778 = arith.mulf %add3A_775, %mul3A_777 : vector<16xf32>
        %swap3A_779 = arith.index_cast %add3A_603 : i32 to index
        %swap3A_780 = arith.constant 16 : index
        %swap3A_781 = tpu.vector_load %arg10[%swap3A_779, %swap3A_780] {strides = array<i32>} : memref<104x32xf32, #tpu.memory_space<vmem>>, vector<1x16xf32>,
        %swap3A_782 = vector.shape_cast %swap3A_781 : vector<1x16xf32> to vector<16xf32>
        %swap3A_783 = vector.shape_cast %mul3A_778 : vector<16xf32> to vector<1x16xf32>
        tpu.vector_store %arg10[%swap3A_779, %swap3A_780], %swap3A_783 {strides = array<i32>} : memref<104x32xf32, #tpu.memory_space<vmem>>, vector<1x16xf32>,
      }
      %scan3A_589 = arith.constant 104 : i32
      %mul3A_590 = arith.constant 35152 : i32
      %mul3A_591 = arith.muli %add3A, %mul3A_590 : i32
      %mul3A_592 = arith.constant 104 : i32
      %mul3A_593 = arith.muli %add3A_385, %mul3A_592 : i32
      %add3A_594 = arith.addi %mul3A_591, %mul3A_593 : i32
      %dma_start3A_595 = arith.constant 0 : i32
      %dma_start3A_596 = tpu.memref_slice %arg4[%add3A_594, %dma_start3A_595] : memref<1124864x32xf32, #tpu.memory_space<hbm>> -> memref<104x32xf32, #tpu.memory_space<hbm>>
      %dma_start3A_597 = arith.constant 0 : i32
      %dma_start3A_598 = tpu.memref_slice %arg4[%add3A_594, %dma_start3A_597] : memref<1124864x32xf32, #tpu.memory_space<hbm>> -> memref<104x32xf32, #tpu.memory_space<hbm>>
      tpu.enqueue_dma source(%arg10 : memref<104x32xf32, #tpu.memory_space<vmem>>) target(%dma_start3A_598 : memref<104x32xf32, #tpu.memory_space<hbm>>) target_semaphore(%arg16 : memref<!tpu.dma_semaphore, #tpu.memory_space<semaphore_mem>>)
    }
    %scan3A_156 = arith.constant 169 : i32
    %dma_wait3A = arith.constant 0 : i32
    %dma_wait3A_157 = arith.constant 0 : i32
    %dma_wait3A_158 = tpu.memref_slice %arg4[%dma_wait3A, %dma_wait3A_157] : memref<1124864x32xf32, #tpu.memory_space<hbm>> -> memref<104x32xf32, #tpu.memory_space<hbm>>
    %dma_wait3A_159 = arith.constant 0 : i32
    %dma_wait3A_160 = arith.constant 0 : i32
    %dma_wait3A_161 = tpu.memref_slice %arg4[%dma_wait3A_159, %dma_wait3A_160] : memref<1124864x32xf32, #tpu.memory_space<hbm>> -> memref<104x32xf32, #tpu.memory_space<hbm>>
    tpu.wait_dma2 semaphore(%arg15 : memref<!tpu.dma_semaphore, #tpu.memory_space<semaphore_mem>>) src(%dma_wait3A_161 : memref<104x32xf32, #tpu.memory_space<hbm>>) dst(%arg9 : memref<104x32xf32, #tpu.memory_space<vmem>>)
    %dma_wait3A_162 = arith.constant 0 : i32
    %dma_wait3A_163 = arith.constant 0 : i32
    %dma_wait3A_164 = tpu.memref_slice %arg4[%dma_wait3A_162, %dma_wait3A_163] : memref<1124864x32xf32, #tpu.memory_space<hbm>> -> memref<104x32xf32, #tpu.memory_space<hbm>>
    %dma_wait3A_165 = arith.constant 0 : i32
    %dma_wait3A_166 = arith.constant 0 : i32
    %dma_wait3A_167 = tpu.memref_slice %arg4[%dma_wait3A_165, %dma_wait3A_166] : memref<1124864x32xf32, #tpu.memory_space<hbm>> -> memref<104x32xf32, #tpu.memory_space<hbm>>
    tpu.wait_dma2 semaphore(%arg16 : memref<!tpu.dma_semaphore, #tpu.memory_space<semaphore_mem>>) src(%dma_wait3A_167 : memref<104x32xf32, #tpu.memory_space<hbm>>) dst(%arg10 : memref<104x32xf32, #tpu.memory_space<vmem>>)
    return
  }
}

</mosaic_0001>

<sc_bundles>
// kernel: gather_mean.3.cloned.1.call-start
scs
__scs_entry_jumppad:
0x0: {  	(pc) =	sbr.rel $0x88, $3  }
0x1: {  	(tag) =	ssettag $0x0;
	lr =	simm.s32 $0x1  }
0x2: {  	[smem:$0x3F9E] =	sst lr;
	_ =	strace $0xD0000000  }
0x3: {  	_ = 	snop  }
0x4: {  	_ = 	snop  }
0x5: {  	_ = 	snop  }
0x6: {  	_ = 	snop  }
0x7: {  	_ = 	snop  }
__scs_overlays_trampoline_lowered:
0x8: {  	[smem:$0x3FAD] =	sst s0  }
0x9: {  	[smem:$0x3FAE] =	sst s1  }
0xa: {  	[smem:$0x3FAF] =	sst s2  }
0xb: {  	[smem:$0x3FB0] =	sst s3  }
0xc: {  	[smem:$0x3FB1] =	sst s4  }
0xd: {  	[smem:$0x3FB2] =	sst s5  }
0xe: {  	[smem:$0x3FB3] =	sst s6  }
0xf: {  	[smem:$0x3FB4] =	sst s7  }
0x10: {  	[smem:$0x3FB5] =	sst s8  }
0x11: {  	[smem:$0x3FB6] =	sst s9;
	s0 =	simm.s32 @!p0 $0x0  }
0x12: {  	s1 =	sld [smem:$0x3F9C];
	s0 =	simm.s32 @p0 $0x1  }
0x13: {  	[smem:$0x3FB7] =	sst s0;
	s0 =	simm.s32 @!p1 $0x0  }
0x14: {  	s2 =	sld [smem:$0x3F9B];
	s0 =	simm.s32 @p1 $0x1  }
0x15: {  	[smem:$0x3FB8] =	sst s0;
	s0 =	simm.s32 @!p2 $0x0  }
0x16: {  	s3 =	sld [smem:$0x3FDB];
	s0 =	simm.s32 @p2 $0x1  }
0x17: {  	s4 =	simm.s32 $0x1BF5;
	[smem:$0x3FBA] =	sst s0  }
0x18: {  	s0 =	sld [smem:$0x3F9D];
	_ =	swait.ge [sflag:s4], $0x0  }
0x19: {  	s7 =	sld [smem:$0x3F9E]  }
0x1a: {  	s8 =	sadd.s32 $0xFFFFE003, lr  }
0x1b: {  	s9 =	sadd.s32 $0xFFFFFEF7, lr;
	s5 =	simm.s32 $0xFFFFFFFF;
	p2 =	slt.u32 s8, $0xFFFFF086  }
0x1c: {  	p1 =	slt.u32 s9, $0xF7A;
	s5 =	simm.s32 @!p2 $0x0  }
0x1d: {  	s5 =	simm.s32 @p1 $0x1;
	p0 =	seq.s32 s7, s2  }
0x1e: {  	s7 =	smul.u32 @!p0 $0xF7A, s2;
	p2 =	seq.s32 @!p0 s5, $0x0  }
0x1f: {  	s9 =	smul.u32 $0xF7A, s1;
	s8 =	simm.s32 @!p0 $0x1BF5;
	p2 =	por !p2, p0  }
0x20: {  	[sflag:s8] =	ssyncset.s32 @!p0 $0xFFFFF086;
	s6 =	sadd.s32 @!p0 s3, s7;
	s7 =	simm.s32 @!p0 $0x108  }
0x21: {  	s3 =	sadd.s32 s3, s9;
	s6 =	sadd.s32 @!p0 $0x88, s6;
	s7 =	simm.s32 @p2 $0x1082  }
0x22: {  	[simem:s7], [sflag:s8] =	dma.local @!p0 [hbm:s6], $0xF7A  }
0x23: {  	s9 =	sor.u32 $0xD0000000, s2;
	s6 =	simm.s32 $0x108;
	_ =	swait.ge @!p0 [sflag:s8], $0x0  }
0x24: {  	s3 =	sadd.s32 $0x88, s3;
	s6 =	simm.s32 @!p1 $0x1082;
	[sflag:s4] =	ssyncset.s32 $0xFFFFF086  }
0x25: {  	[simem:s6], [sflag:s4] =	dma.local [hbm:s3], $0xF7A  }
0x26: {  	[smem:$0x3F9E] =	sst s1;
	(tag) =	ssettag s2;
	_ =	strace s9  }
0x27: {  	s1 =	sld [smem:$0x3FAE]  }
0x28: {  	s2 =	sld [smem:$0x3FAF]  }
0x29: {  	s4 =	sld [smem:$0x3FB1]  }
0x2a: {  	p0 =	seq.s32 s5, $0x0;
	s5 =	sld [smem:$0x3FB2]  }
0x2b: {  	s6 =	sld [smem:$0x3FB3]  }
0x2c: {  	s7 =	sld [smem:$0x3FB4]  }
0x2d: {  	s3 =	simm.s32 $0x108;
	s8 =	sld [smem:$0x3FB5]  }
0x2e: {  	s3 =	simm.s32 @!p0 $0x1082;
	s9 =	sld [smem:$0x3FB6]  }
0x2f: {  	lr =	sadd.s32 s0, s3;
	s0 =	sld [smem:$0x3FAD]  }
0x30: {  	s3 =	sld [smem:$0x3FB0]  }
0x31: {  	[smem:$0x3FB9] =	sst s10  }
0x32: {  	s10 =	sld [smem:$0x3FB7];
	_ =	sdelay $0x3  }
0x33: {  	p0 =	seq.s32 s10, $0x1;
	s10 =	sld [smem:$0x3FB9];
	_ =	sdelay $0x3  }
0x34: {  	[smem:$0x3FB9] =	sst s10  }
0x35: {  	s10 =	sld [smem:$0x3FB8];
	_ =	sdelay $0x3  }
0x36: {  	p1 =	seq.s32 s10, $0x1;
	s10 =	sld [smem:$0x3FB9];
	_ =	sdelay $0x3  }
0x37: {  	[smem:$0x3FB9] =	sst s10  }
0x38: {  	s10 =	sld [smem:$0x3FBA]  }
0x39: {  	_ = 	snop;
	(pc) =	sbr.ind lr, $3  }
0x3a: {  	_ = 	snop  }
0x3b: {  	_ = 	snop  }
0x3c: {  	p2 =	seq.s32 s10, $0x1;
	s10 =	sld [smem:$0x3FB9]  }
0x3d: {  	_ =	shalt  }
0x3e: {  	_ =	shalt  }
0x3f: {  	_ =	shalt  }
0x40: {  	_ =	shalt  }
0x41: {  	_ =	shalt  }
0x42: {  	_ =	shalt  }
0x43: {  	_ =	shalt  }
0x44: {  	_ =	shalt  }
0x45: {  	_ =	shalt  }
0x46: {  	_ =	shalt  }
0x47: {  	_ =	shalt  }
0x48: {  	_ =	shalt  }
0x49: {  	_ =	shalt  }
0x4a: {  	_ =	shalt  }
0x4b: {  	_ =	shalt  }
0x4c: {  	_ =	shalt  }
0x4d: {  	_ =	shalt  }
0x4e: {  	_ =	shalt  }
0x4f: {  	_ =	shalt  }
0x50: {  	_ =	shalt  }
0x51: {  	_ =	shalt  }
0x52: {  	_ =	shalt  }
0x53: {  	_ =	shalt  }
0x54: {  	_ =	shalt  }
0x55: {  	_ =	shalt  }
0x56: {  	_ =	shalt  }
0x57: {  	_ =	shalt  }
0x58: {  	_ =	shalt  }
0x59: {  	_ =	shalt  }
0x5a: {  	_ =	shalt  }
0x5b: {  	_ =	shalt  }
0x5c: {  	_ =	shalt  }
0x5d: {  	_ =	shalt  }
0x5e: {  	_ =	shalt  }
0x5f: {  	_ =	shalt  }
0x60: {  	_ =	shalt  }
0x61: {  	_ =	shalt  }
0x62: {  	_ =	shalt  }
0x63: {  	_ =	shalt  }
0x64: {  	_ =	shalt  }
0x65: {  	_ =	shalt  }
0x66: {  	_ =	shalt  }
0x67: {  	_ =	shalt  }
0x68: {  	_ =	shalt  }
0x69: {  	_ =	shalt  }
0x6a: {  	_ =	shalt  }
0x6b: {  	_ =	shalt  }
0x6c: {  	_ =	shalt  }
0x6d: {  	_ =	shalt  }
0x6e: {  	_ =	shalt  }
0x6f: {  	_ =	shalt  }
0x70: {  	_ =	shalt  }
0x71: {  	_ =	shalt  }
0x72: {  	_ =	shalt  }
0x73: {  	_ =	shalt  }
0x74: {  	_ =	shalt  }
0x75: {  	_ =	shalt  }
0x76: {  	_ =	shalt  }
0x77: {  	_ =	shalt  }
0x78: {  	_ =	shalt  }
0x79: {  	_ =	shalt  }
0x7a: {  	_ =	shalt  }
0x7b: {  	_ =	shalt  }
0x7c: {  	_ =	shalt  }
0x7d: {  	_ =	shalt  }
0x7e: {  	_ =	shalt  }
0x7f: {  	_ =	shalt  }
0x80: {  	_ =	shalt  }
0x81: {  	_ =	shalt  }
0x82: {  	_ =	shalt  }
0x83: {  	_ =	shalt  }
0x84: {  	_ =	shalt  }
0x85: {  	_ =	shalt  }
0x86: {  	_ =	shalt  }
0x87: {  	_ =	shalt  }
.Lfunc_end0:
.L_simem_size_0:
called_computation.2_lowered:
.L_overlay_start_0:
0x88: {  	s2 =	sld [smem:$0x3FD9]  }
0x89: {  	s3 =	sld [smem:$0x3FFE];
	_ =	sdelay $0x1  }
0x8a: {  	s1 =	srdreg.scid  }
0x8b: {  	s0 =	sand.u32 $0x1, s1  }
0x8c: {  	s16 =	sshll.u32 s0, $0xA;
	s2 =	sadd.s32 s3, s2  }
0x8d: {  	s2 =	sadd.s32 s2, s16  }
0x8e: {  	[smem:$0x3FC5] =	sst s2  }
0x8f: {  	_ = 	snop  }
0x90: {  	(tm) =	ssettm $0x1  }
0x91: {  	s17 =	sld [smem:$0x3FFB];
	_ =	sdelay $0x3  }
0x92: {  	_ =	strace s17  }
0x93: {  	s2 =	sld [smem:$0x3FFC];
	_ =	sdelay $0x3  }
0x94: {  	_ =	strace s2  }
0x95: {  	s2 =	sld [smem:$0x3FFD];
	_ =	sdelay $0x3  }
0x96: {  	_ =	strace s2  }
0x97: {  	_ =	strace $0x8FFFFFFF  }
0x98: {  	s18 =	sld [smem:$0x3FDB];
	_ =	sdelay $0x1  }
0x99: {  	s19 =	simm.s32 $_scs_section_size  }
0x9a: {  	s4 =	simm.s32 $_size__tile_overlayer_lowered;
	s5 =	simm.s32 $_tile_overlayer_lowered  }
0x9b: {  	s22 =	simm.s32 $0x1BFF;
	s21 =	sshll.u32 s5, $0x1;
	s2 =	sadd.s32 s19, s18  }
0x9c: {  	s6 =	simm.s32 $0x0;
	s20 =	sshll.u32 s4, $0x1;
	s4 =	sadd.s32 s21, s2  }
0x9d: {  	[timem:s6], [sflag:s22] =	dma.local [hbm:s4], s20  }
0x9e: {  	_ =	swait.ge [sflag:s22], s20  }
0x9f: {  	s3 =	ssub.s32 $0x0, s20;
	[sflag:s22] =	ssyncset.done $0x0  }
0xa0: {  	[sflag:s22] =	ssyncadd.s32 s3;
	_ =	sdelay $0x1  }
0xa1: {  	s23 =	simm.s32 $0x1B8B  }
0xa2: {  	_ =	swait.ge [sflag:s23], $0x1  }
0xa3: {  	[sflag:s23] =	ssyncset.done $0x0  }
0xa4: {  	s25 =	simm.s32 $0x1B8E;
	s24 =	sld [smem:$0x3FFE];
	[sflag:s23] =	ssyncadd.s32 $0xFFFFFFFF  }
0xa5: {  	s26 =	simm.s32 $execute0_lowered;
	[smem:$0x3FD2] =	sst s25  }
0xa6: {  	s4 =	sshll.u32 s26, $0x1;
	_ =	strace $0x80000049;
	[dreg:$0x1] =	wrdreg $0xFFFFFFFF  }
0xa7: {  	s28 =	simm.s32 $_size_execute0_lowered;
	s2 =	sadd.s32 s2, s4;
	[dreg:$0x0] =	wrdreg $0x0  }
0xa8: {  	s4 =	sshll.u32 s28, $0x1;
	[dreg:$0x2] =	wrdreg s2  }
0xa9: {  	[dreg:$0x3] =	wrdreg s4  }
0xaa: {  	[dreg:$0x4] =	wrdreg $0xC0  }
0xab: {  	_ =	task [dreg:s6], $0x5FFFF  }
0xac: {  	[dreg:$0x1] =	wrdreg $0xFFFFFFFF  }
0xad: {  	[dreg:$0x0] =	wrdreg $0x60  }
0xae: {  	[dreg:$0x2] =	wrdreg s24  }
0xaf: {  	[dreg:$0x3] =	wrdreg $0x9  }
0xb0: {  	_ =	task.clear_ibuf [dreg:s6], $0x4FFFF;
	_ =	strace $0x90000049  }
0xb1: {  	s29 =	simm.s32 $0x9;
	_ =	strace $0x8000004B  }
0xb2: {  	_ =	swait.ge [sflag:s29], $0x1  }
0xb3: {  	[sflag:s29] =	ssyncadd.s32 $0xFFFFFFFF  }
0xb4: {  	_ =	strace $0x9000004B  }
0xb5: {  	_ =	sfence  }
0xb6: {  	s30 =	sld [smem:$0x0];
	_ =	sdelay $0x2  }
0xb7: {  	s31 =	sshll.u32 s1, $0xD;
	s1 =	sshrl.u32 s1, $0x2  }
0xb8: {  	s3 =	sand.u32 $0x4000, s31;
	s1 =	sadd.s32 s1, s30  }
0xb9: {  	s0 =	sor.u32 s3, s0;
	s1 =	sshll.u32 s1, $0x11  }
0xba: {  	s0 =	sor.u32 s1, s0  }
0xbb: {  	s0 =	sadd.s32 $0x8F2B, s0  }
0xbc: {  	[sflag:s0] =	ssyncadd.remote.s32 $0x1  }
0xbd: {  	_ =	sfence.sel $0xFFFF  }
0xbe: {  	[dreg:$0x0] =	wrdreg $0xFFFFFFFF;
	(pc) =	sbr.abs _section_cstart, $3  }
0xbf: {  	[dreg:$0x1] =	wrdreg $0xFFFFFFFF  }
0xc0: {  	_ =	task.clear_ibuf [dreg:s6], $0x2FFFF;
	_ =	strace $0x9FFFFFFF  }
0xc1: {  	(tm) =	ssettm $0x7FFFFFFF  }
tec
execute0_lowered:
.L_overlay_start_1:
0x0: {  	(tag) =	ssettag $0x1  }
0x1: {  	s0 =	srdreg.scid  }
0x2: {  	s2 =	stileid.u32;
	s1 =	rddreg [dreg:$0x0]  }
0x3: {  	s13 =	simm.s32 $0x68;
	s21 =	simm.s32 $0x4E0;
	s22 =	simm.s32 $0x1  }
0x4: {  	s23 =	simm.s32 $0x4;
	s14 =	simm.s32 $0x100C0;
	s12 =	simm.s32 $0x888  }
0x5: {  	s15 =	simm.s32 $0x11AC0;
	s28 =	simm.s32 $0x134C0;
	s29 =	simm.s32 $0x141C0  }
0x6: {  	s30 =	simm.s32 $0x2;
	s31 =	simm.s32 $0x14EC0;
	s16 =	simm.s32 $0x0  }
0x7: {  	s0 =	sand.u32 $0x1, s0;
	s3 =	sshll.u32 s2, $0x1;
	s2 =	simm.s32 $0x0  }
0x8: {  	s4 =	sadd.s32 $0xE00, s1;
	s5 =	sadd.s32 $0x3C00E00, s1;
	s6 =	sadd.s32 $0xC00E00, s1  }
0x9: {  	s1 =	simm.s32 $0x6;
	s3 =	sor.u32 s0, s3;
	s0 =	ssub.s32 $0x2, s0  }
0xa: {  	[smem:$0x7FF] =	sst s2;
	s3 =	smul.u32 $0x8950, s3;
	s24 =	sshrl.u32 s0, $0x1  }
0xb: {  	_ =	strace $0x8000004A;
	s0 =	ssub.s32 s0, s24;
	s24 =	simm.s32 $0x8F0  }
0xc: {  	s7 =	sadd.s32 $0x68, s3;
	s8 =	sshrl.u32 s3, $0x3;
	s10 =	sadd.s32 $0xD0, s3  }
0xd: {  	s11 =	sadd.s32 $0x138, s3;
	s0 =	smax.u32 s0, $0x1;
	s9 =	sshrl.u32 s7, $0x3  }
0xe: {  	s25 =	sadd.s32 s5, s8;
	[dreg:$0x4] =	wrdreg s0;
	s8 =	simm.s32 $0x820  }
0xf: {  	[dreg:$0x2] =	wrdreg s25;
	s26 =	sadd.s32 s5, s9;
	s9 =	simm.s32 $0x10DC0  }
0x10: {  	s25 =	simm.s32 $0x127C0;
	[dreg:$0x3] =	wrdreg s26;
	s26 =	simm.s32 $0x958  }
.LBB2_1:
0x11: {  	[dreg:$0x5] =	wrdreg s16  }
0x12: {  	s0 =	rddreg [dreg:$0x2];
	s16 =	simm.s32 $0x112A00;
	s17 =	simm.s32 $0x7  }
0x13: {  	[tilespmem:s2], [sflag:$0x7] =	stream.strided.gather [hbm4b:s0+s13], $0x4E0, s16, s13, $0x38;
	[tilespmem:$0x15BC0] =	vst v63  }
0x14: {  	_ =	swait.ge [sflag:s17], $0x4E0  }
0x15: {  	[sflag:s17] =	ssyncset.done $0x0  }
0x16: {  	s18 =	simm.s32 $0x9C0;
	[sflag:s17] =	ssyncadd.s32 $0xFFFFFB20  }
0x17: {  	[tilespmem:s18], [sflag:$0x1] =	stream.indirect.gather [hbm4b:s4+s13], $0x20, s2, s13, $0xb8;
	[tilespmem:$0x15BC0] =	vst v63  }
0x18: {  	s19 =	simm.s32 $0x16C0  }
0x19: {  	[tilespmem:s19], [sflag:$0x1] =	stream.indirect.gather [hbm4b:s4+s13], $0x20, s13, s13, $0xb8;
	[tilespmem:$0x15BC0] =	vst v63  }
0x1a: {  	s20 =	simm.s32 $0xD0;
	s17 =	simm.s32 $0x23C0  }
0x1b: {  	[tilespmem:s17], [sflag:$0x1] =	stream.indirect.gather [hbm4b:s4+s13], $0x20, s20, s13, $0xb8;
	[tilespmem:$0x15BC0] =	vst v63  }
0x1c: {  	s18 =	simm.s32 $0x30C0;
	s17 =	simm.s32 $0x138  }
0x1d: {  	[tilespmem:s18], [sflag:$0x1] =	stream.indirect.gather [hbm4b:s4+s13], $0x20, s17, s13, $0xb8;
	[tilespmem:$0x15BC0] =	vst v63  }
0x1e: {  	s19 =	simm.s32 $0x1A0;
	s20 =	simm.s32 $0x3DC0  }
0x1f: {  	[tilespmem:s20], [sflag:$0x1] =	stream.indirect.gather [hbm4b:s4+s13], $0x20, s19, s13, $0xb8;
	[tilespmem:$0x15BC0] =	vst v63  }
0x20: {  	s17 =	simm.s32 $0x208;
	s18 =	simm.s32 $0x4AC0  }
0x21: {  	[tilespmem:s18], [sflag:$0x1] =	stream.indirect.gather [hbm4b:s4+s13], $0x20, s17, s13, $0xb8;
	[tilespmem:$0x15BC0] =	vst v63  }
0x22: {  	s19 =	simm.s32 $0x270;
	s20 =	simm.s32 $0x57C0  }
0x23: {  	[tilespmem:s20], [sflag:$0x1] =	stream.indirect.gather [hbm4b:s4+s13], $0x20, s19, s13, $0xb8;
	[tilespmem:$0x15BC0] =	vst v63  }
0x24: {  	s17 =	simm.s32 $0x2D8;
	s18 =	simm.s32 $0x64C0  }
0x25: {  	[tilespmem:s18], [sflag:$0x1] =	stream.indirect.gather [hbm4b:s4+s13], $0x20, s17, s13, $0xb8;
	[tilespmem:$0x15BC0] =	vst v63  }
0x26: {  	s19 =	simm.s32 $0x340;
	s20 =	simm.s32 $0x71C0  }
0x27: {  	[tilespmem:s20], [sflag:$0x1] =	stream.indirect.gather [hbm4b:s4+s13], $0x20, s19, s13, $0xb8;
	[tilespmem:$0x15BC0] =	vst v63  }
0x28: {  	s17 =	simm.s32 $0x3A8;
	s18 =	simm.s32 $0x7EC0  }
0x29: {  	[tilespmem:s18], [sflag:$0x1] =	stream.indirect.gather [hbm4b:s4+s13], $0x20, s17, s13, $0xb8;
	[tilespmem:$0x15BC0] =	vst v63  }
0x2a: {  	s19 =	simm.s32 $0x410;
	s20 =	simm.s32 $0x8BC0  }
0x2b: {  	[tilespmem:s20], [sflag:$0x1] =	stream.indirect.gather [hbm4b:s4+s13], $0x20, s19, s13, $0xb8;
	[tilespmem:$0x15BC0] =	vst v63  }
0x2c: {  	s18 =	simm.s32 $0x478;
	s19 =	simm.s32 $0x98C0  }
0x2d: {  	[tilespmem:s19], [sflag:$0x1] =	stream.indirect.gather [hbm4b:s4+s13], $0x20, s18, s13, $0xb8;
	[tilespmem:$0x15BC0] =	vst v63  }
0x2e: {  	s0 =	simm.s32 $0x0;
	s20 =	rddreg [dreg:$0x3]  }
0x2f: {  	[tilespmem:s21], [sflag:$0x4] =	stream.strided.gather [hbm4b:s20+s13], $0x4E0, s16, s13, $0x38;
	[tilespmem:$0x15BC0] =	vst v63  }
.LBB2_2:
0x30: {  	_ =	swait.ge [sflag:s22], $0xD00  }
0x31: {  	[sflag:s22] =	ssyncset.done $0x0  }
0x32: {  	[sflag:s22] =	ssyncadd.s32 $0xFFFFF300  }
0x33: {  	_ =	swait.ge [sflag:s22], $0xD00  }
0x34: {  	[sflag:s22] =	ssyncset.done $0x0  }
0x35: {  	[sflag:s22] =	ssyncadd.s32 $0xFFFFF300  }
0x36: {  	_ =	swait.ge [sflag:s22], $0xD00  }
0x37: {  	[sflag:s22] =	ssyncset.done $0x0  }
0x38: {  	[sflag:s22] =	ssyncadd.s32 $0xFFFFF300  }
0x39: {  	_ =	swait.ge [sflag:s22], $0xD00  }
0x3a: {  	[sflag:s22] =	ssyncset.done $0x0  }
0x3b: {  	[sflag:s22] =	ssyncadd.s32 $0xFFFFF300  }
0x3c: {  	_ =	swait.ge [sflag:s22], $0xD00  }
0x3d: {  	[sflag:s22] =	ssyncset.done $0x0  }
0x3e: {  	[sflag:s22] =	ssyncadd.s32 $0xFFFFF300  }
0x3f: {  	_ =	swait.ge [sflag:s22], $0xD00  }
0x40: {  	[sflag:s22] =	ssyncset.done $0x0  }
0x41: {  	[sflag:s22] =	ssyncadd.s32 $0xFFFFF300  }
0x42: {  	_ =	swait.ge [sflag:s22], $0xD00  }
0x43: {  	[sflag:s22] =	ssyncset.done $0x0  }
0x44: {  	[sflag:s22] =	ssyncadd.s32 $0xFFFFF300  }
0x45: {  	_ =	swait.ge [sflag:s22], $0xD00  }
0x46: {  	[sflag:s22] =	ssyncset.done $0x0  }
0x47: {  	[sflag:s22] =	ssyncadd.s32 $0xFFFFF300  }
0x48: {  	_ =	swait.ge [sflag:s22], $0xD00  }
0x49: {  	[sflag:s22] =	ssyncset.done $0x0  }
0x4a: {  	[sflag:s22] =	ssyncadd.s32 $0xFFFFF300  }
0x4b: {  	_ =	swait.ge [sflag:s22], $0xD00  }
0x4c: {  	[sflag:s22] =	ssyncset.done $0x0  }
0x4d: {  	[sflag:s22] =	ssyncadd.s32 $0xFFFFF300  }
0x4e: {  	p0 =	seq.s32 s0, $0xA8;
	_ =	swait.ge [sflag:s22], $0xD00  }
0x4f: {  	s16 =	smul.u32 @!p0 $0xD0, s0;
	[sflag:s22] =	ssyncset.done $0x0  }
0x50: {  	[sflag:s22] =	ssyncadd.s32 $0xFFFFF300  }
0x51: {  	s17 =	simm.s32 @!p0 $0x68;
	s16 =	sadd.s32 @!p0 s16, s10;
	_ =	swait.ge [sflag:s22], $0xD00  }
0x52: {  	s18 =	simm.s32 @!p0 $0x112A00;
	s16 =	sshrl.u32 @!p0 s16, $0x3;
	[sflag:s22] =	ssyncset.done $0x0  }
0x53: {  	s19 =	simm.s32 @!p0 $0x0;
	s16 =	sadd.s32 @!p0 s5, s16;
	[sflag:s22] =	ssyncadd.s32 $0xFFFFF300  }
0x54: {  	[tilespmem:s19], [sflag:$0x3] =	stream.strided.gather @!p0 [hbm4b:s16+s17], $0x4E0, s18, s17, $0x38;
	[tilespmem:$0x15BC0] =	vst v63  }
0x55: {  	_ =	swait.ge [sflag:s23], $0x4E0  }
0x56: {  	[sflag:s23] =	ssyncset.done $0x0  }
0x57: {  	s18 =	simm.s32 $0xA5C0;
	[sflag:s23] =	ssyncadd.s32 $0xFFFFFB20  }
0x58: {  	[tilespmem:s18], [sflag:$0x2] =	stream.indirect.gather [hbm4b:s4+s13], $0x20, s21, s13, $0xb8;
	[tilespmem:$0x15BC0] =	vst v63  }
0x59: {  	s20 =	simm.s32 $0xB2C0;
	s19 =	simm.s32 $0x548  }
0x5a: {  	[tilespmem:s20], [sflag:$0x2] =	stream.indirect.gather [hbm4b:s4+s13], $0x20, s19, s13, $0xb8;
	[tilespmem:$0x15BC0] =	vst v63  }
0x5b: {  	s17 =	simm.s32 $0x5B0;
	s18 =	simm.s32 $0xBFC0  }
0x5c: {  	[tilespmem:s18], [sflag:$0x2] =	stream.indirect.gather [hbm4b:s4+s13], $0x20, s17, s13, $0xb8;
	[tilespmem:$0x15BC0] =	vst v63  }
0x5d: {  	s19 =	simm.s32 $0x618;
	s20 =	simm.s32 $0xCCC0  }
0x5e: {  	[tilespmem:s20], [sflag:$0x2] =	stream.indirect.gather [hbm4b:s4+s13], $0x20, s19, s13, $0xb8;
	[tilespmem:$0x15BC0] =	vst v63  }
0x5f: {  	s17 =	simm.s32 $0x680;
	s18 =	simm.s32 $0xD9C0  }
0x60: {  	[tilespmem:s18], [sflag:$0x2] =	stream.indirect.gather [hbm4b:s4+s13], $0x20, s17, s13, $0xb8;
	[tilespmem:$0x15BC0] =	vst v63  }
0x61: {  	s19 =	simm.s32 $0x6E8;
	s20 =	simm.s32 $0xE6C0  }
0x62: {  	[tilespmem:s20], [sflag:$0x2] =	stream.indirect.gather [hbm4b:s4+s13], $0x20, s19, s13, $0xb8;
	[tilespmem:$0x15BC0] =	vst v63  }
0x63: {  	s18 =	simm.s32 $0x750;
	s19 =	simm.s32 $0xF3C0  }
0x64: {  	[tilespmem:s19], [sflag:$0x2] =	stream.indirect.gather [hbm4b:s4+s13], $0x20, s18, s13, $0xb8;
	[tilespmem:$0x15BC0] =	vst v63  }
0x65: {  	s20 =	simm.s32 $0x7B8  }
0x66: {  	[tilespmem:s14], [sflag:$0x2] =	stream.indirect.gather [hbm4b:s4+s13], $0x20, s20, s13, $0xb8;
	[tilespmem:$0x15BC0] =	vst v63  }
0x67: {  	_ = 	snop  }
0x68: {  	[tilespmem:s9], [sflag:$0x2] =	stream.indirect.gather [hbm4b:s4+s13], $0x20, s8, s13, $0xb8;
	[tilespmem:$0x15BC0] =	vst v63  }
0x69: {  	_ = 	snop  }
0x6a: {  	[tilespmem:s15], [sflag:$0x2] =	stream.indirect.gather [hbm4b:s4+s13], $0x20, s12, s13, $0xb8;
	[tilespmem:$0x15BC0] =	vst v63  }
0x6b: {  	p1 =	seq.s32 s0, $0x0  }
0x6c: {  	[tilespmem:s25], [sflag:$0x2] =	stream.indirect.gather [hbm4b:s4+s13], $0x20, s24, s13, $0xb8;
	[tilespmem:$0x15BC0] =	vst v63  }
0x6d: {  	s16 =	simm.s32 @!p1 $0x5  }
0x6e: {  	[tilespmem:s28], [sflag:$0x2] =	stream.indirect.gather [hbm4b:s4+s13], $0x20, s26, s13, $0xb8;
	[tilespmem:$0x15BC0] =	vst v63  }
0x6f: {  	_ =	swait.ge @!p1 [sflag:s16], $0xD00  }
0x70: {  	[sflag:s16] =	ssyncset.done @!p1 $0x0  }
0x71: {  	[sflag:s16] =	ssyncadd.s32 @!p1 $0xFFFFF300;
	s16 =	simm.s32 $0x0  }
0x72: {  	v0 =	vld [tilespmem:s16+$0x9D0]  }
0x73: {  	v1 =	vld [tilespmem:s16+$0x16D0]  }
0x74: {  	v2 =	vld [tilespmem:s16+$0x9C0]  }
0x75: {  	v3 =	vld [tilespmem:s16+$0x23D0]  }
0x76: {  	v4 =	vld [tilespmem:s16+$0x16C0]  }
0x77: {  	v5 =	vld [tilespmem:s16+$0x30D0]  }
0x78: {  	v6 =	vld [tilespmem:s16+$0x23C0];
	v0 =	vadd.f32 v1, v0  }
0x79: {  	v1 =	vld [tilespmem:s16+$0x3DD0]  }
0x7a: {  	v7 =	vld [tilespmem:s16+$0x30C0];
	v0 =	vadd.f32 v3, v0  }
0x7b: {  	v2 =	vadd.f32 v4, v2;
	v3 =	vld [tilespmem:s16+$0x4AD0]  }
0x7c: {  	v4 =	vld [tilespmem:s16+$0x3DC0];
	v0 =	vadd.f32 v5, v0  }
0x7d: {  	v2 =	vadd.f32 v6, v2;
	v5 =	vld [tilespmem:s16+$0x57D0]  }
0x7e: {  	v6 =	vld [tilespmem:s16+$0x4AC0];
	v0 =	vadd.f32 v1, v0  }
0x7f: {  	v2 =	vadd.f32 v7, v2;
	v1 =	vld [tilespmem:s16+$0x64D0]  }
0x80: {  	v7 =	vld [tilespmem:s16+$0x57C0];
	v0 =	vadd.f32 v3, v0  }
0x81: {  	v2 =	vadd.f32 v4, v2;
	v3 =	vld [tilespmem:s16+$0x71D0]  }
0x82: {  	v8 =	vld [tilespmem:s16+$0x64C0];
	v0 =	vadd.f32 v5, v0  }
0x83: {  	v2 =	vadd.f32 v6, v2;
	v5 =	vld [tilespmem:s16+$0x7ED0]  }
0x84: {  	v6 =	vld [tilespmem:s16+$0x71C0];
	v0 =	vadd.f32 v1, v0  }
0x85: {  	v9 =	vld [tilespmem:s16+$0x8BD0];
	v1 =	vadd.f32 v7, v2  }
0x86: {  	v2 =	vld [tilespmem:s16+$0x7EC0];
	v0 =	vadd.f32 v3, v0  }
0x87: {  	v4 =	vld [tilespmem:s16+$0x98D0];
	v7 =	vadd.f32 v8, v1  }
0x88: {  	v3 =	vld [tilespmem:s16+$0x8BC0];
	v8 =	vadd.f32 v5, v0  }
0x89: {  	s17 =	simm.s32 $0x20;
	v1 =	vld [tilespmem:s16+$0x98C0];
	v5 =	vadd.f32 v6, v7  }
0x8a: {  	s18 =	simm.s32 $0x100;
	v0 =	vld [tilespmem:s17+$0x9D0];
	v6 =	vadd.f32 v9, v8  }
.LBB2_3:
0x8b: {  	p1 =	sne.s32 s18, $0x3380;
	v7 =	vld [tilespmem:s17+$0x16D0];
	v2 =	vadd.f32 v2, v5  }
0x8c: {  	v5 =	vld [tilespmem:s17+$0x9C0];
	v4 =	vadd.f32 v4, v6  }
0x8d: {  	v6 =	vld [tilespmem:s17+$0x23D0];
	v2 =	vadd.f32 v3, v2  }
0x8e: {  	v3 =	vld [tilespmem:s17+$0x16C0];
	v4 =	vmul.f32 $8.333333580e-02, v4  }
0x8f: {  	v8 =	vld [tilespmem:s17+$0x30D0];
	v1 =	vadd.f32 v1, v2  }
0x90: {  	v2 =	vld [tilespmem:s17+$0x23C0];
	v0 =	vadd.f32 v7, v0;
	[tilespmem:s16+$0x141D0] =	vst v4  }
0x91: {  	v4 =	vld [tilespmem:s17+$0x3DD0];
	v1 =	vmul.f32 $8.333333580e-02, v1  }
0x92: {  	v7 =	vld [tilespmem:s17+$0x30C0];
	v0 =	vadd.f32 v6, v0  }
0x93: {  	v3 =	vadd.f32 v3, v5;
	v5 =	vld [tilespmem:s17+$0x4AD0];
	[tilespmem:s16+$0x141C0] =	vst v1;
	s16 =	smov.u32 s17  }
0x94: {  	v1 =	vld [tilespmem:s16+$0x3DC0];
	v0 =	vadd.f32 v8, v0  }
0x95: {  	v2 =	vadd.f32 v2, v3;
	v3 =	vld [tilespmem:s16+$0x57D0]  }
0x96: {  	v6 =	vld [tilespmem:s16+$0x4AC0];
	v0 =	vadd.f32 v4, v0  }
0x97: {  	v2 =	vadd.f32 v7, v2;
	v4 =	vld [tilespmem:s16+$0x64D0]  }
0x98: {  	v7 =	vld [tilespmem:s16+$0x57C0];
	v0 =	vadd.f32 v5, v0  }
0x99: {  	v1 =	vadd.f32 v1, v2;
	v5 =	vld [tilespmem:s16+$0x71D0]  }
0x9a: {  	v8 =	vld [tilespmem:s16+$0x64C0];
	v0 =	vadd.f32 v3, v0  }
0x9b: {  	v1 =	vadd.f32 v6, v1;
	v6 =	vld [tilespmem:s16+$0x7ED0]  }
0x9c: {  	v9 =	vld [tilespmem:s16+$0x71C0];
	v0 =	vadd.f32 v4, v0  }
0x9d: {  	v1 =	vadd.f32 v7, v1;
	v7 =	vld [tilespmem:s16+$0x8BD0]  }
.Ltmp0:
0x9e: {  	v2 =	vld [tilespmem:s16+$0x7EC0];
	v0 =	vadd.f32 v5, v0;
	(pc) =	sbr.rel @p1 .LBB2_3-.Ltmp0, $4  }
0x9f: {  	v1 =	vadd.f32 v8, v1;
	v4 =	vld [tilespmem:s16+$0x98D0]  }
0xa0: {  	v3 =	vld [tilespmem:s16+$0x8BC0];
	v6 =	vadd.f32 v6, v0  }
0xa1: {  	s17 =	sshra.s32 s18, $0x2;
	v5 =	vadd.f32 v9, v1;
	v1 =	vld [tilespmem:s16+$0x98C0]  }
0xa2: {  	s18 =	sadd.s32 $0x80, s18;
	v0 =	vld [tilespmem:s17+$0x9D0];
	v6 =	vadd.f32 v7, v6  }
0xa3: {  	v7 =	vld [tilespmem:s17+$0x16D0];
	v2 =	vadd.f32 v2, v5  }
0xa4: {  	v8 =	vld [tilespmem:s17+$0x9C0];
	v4 =	vadd.f32 v4, v6  }
0xa5: {  	v5 =	vld [tilespmem:s17+$0x23D0];
	v2 =	vadd.f32 v3, v2  }
0xa6: {  	v6 =	vld [tilespmem:s17+$0x16C0];
	v3 =	vmul.f32 $8.333333580e-02, v4  }
0xa7: {  	v9 =	vld [tilespmem:s17+$0x23C0];
	v1 =	vadd.f32 v1, v2  }
0xa8: {  	v4 =	vld [tilespmem:s17+$0x30D0];
	[tilespmem:s16+$0x141D0] =	vst v3  }
0xa9: {  	v2 =	vld [tilespmem:s17+$0x3DD0];
	v1 =	vmul.f32 $8.333333580e-02, v1  }
0xaa: {  	v0 =	vadd.f32 v7, v0;
	v3 =	vld [tilespmem:s17+$0x30C0]  }
0xab: {  	v7 =	vld [tilespmem:s17+$0x4AD0];
	v6 =	vadd.f32 v6, v8;
	[tilespmem:s16+$0x141C0] =	vst v1  }
0xac: {  	v0 =	vadd.f32 v5, v0;
	v1 =	vld [tilespmem:s17+$0x3DC0]  }
0xad: {  	v5 =	vadd.f32 v9, v6  }
0xae: {  	v0 =	vadd.f32 v4, v0;
	v4 =	vld [tilespmem:s17+$0x4AC0]  }
0xaf: {  	v6 =	vld [tilespmem:s17+$0x57D0];
	v3 =	vadd.f32 v3, v5  }
0xb0: {  	v0 =	vadd.f32 v2, v0;
	v2 =	vld [tilespmem:s17+$0x57C0]  }
0xb1: {  	v5 =	vld [tilespmem:s17+$0x64D0];
	v1 =	vadd.f32 v1, v3  }
0xb2: {  	v0 =	vadd.f32 v7, v0;
	v3 =	vld [tilespmem:s17+$0x64C0]  }
0xb3: {  	v7 =	vld [tilespmem:s17+$0x71D0];
	v1 =	vadd.f32 v4, v1  }
0xb4: {  	v0 =	vadd.f32 v6, v0;
	v4 =	vld [tilespmem:s17+$0x71C0]  }
0xb5: {  	v6 =	vld [tilespmem:s17+$0x7ED0];
	v1 =	vadd.f32 v2, v1  }
0xb6: {  	v0 =	vadd.f32 v5, v0;
	v2 =	vld [tilespmem:s17+$0x7EC0]  }
0xb7: {  	v5 =	vld [tilespmem:s17+$0x8BD0];
	v1 =	vadd.f32 v3, v1  }
0xb8: {  	v0 =	vadd.f32 v7, v0;
	v3 =	vld [tilespmem:s17+$0x8BC0]  }
0xb9: {  	v7 =	vld [tilespmem:s17+$0x98D0];
	v1 =	vadd.f32 v4, v1  }
0xba: {  	v0 =	vadd.f32 v6, v0;
	v4 =	vld [tilespmem:s17+$0x98C0]  }
0xbb: {  	v1 =	vadd.f32 v2, v1  }
0xbc: {  	v0 =	vadd.f32 v5, v0  }
0xbd: {  	v1 =	vadd.f32 v3, v1  }
0xbe: {  	v0 =	vadd.f32 v7, v0  }
0xbf: {  	s16 =	smul.u32 $0xD0, s0;
	v1 =	vadd.f32 v4, v1  }
0xc0: {  	v0 =	vmul.f32 $8.333333580e-02, v0  }
0xc1: {  	s18 =	sadd.s32 s3, s16;
	v1 =	vmul.f32 $8.333333580e-02, v1  }
0xc2: {  	s18 =	sshll.u32 s18, $0x2;
	[tilespmem:s17+$0x141D0] =	vst v0  }
0xc3: {  	s20 =	sadd.s32 s6, s18;
	[tilespmem:s17+$0x141C0] =	vst v1  }
0xc4: {  	[hbm4b:s20+s2] =	stream.linear.scatter [tilespmem:s29], [sflag:$0x5], $0xD00, $0x38;
	[tilespmem:$0x15BC0] =	vst v63  }
0xc5: {  	_ =	swait.ge [sflag:s30], $0xD00  }
0xc6: {  	[sflag:s30] =	ssyncset.done $0x0  }
0xc7: {  	[sflag:s30] =	ssyncadd.s32 $0xFFFFF300  }
0xc8: {  	_ =	swait.ge [sflag:s30], $0xD00  }
0xc9: {  	[sflag:s30] =	ssyncset.done $0x0  }
0xca: {  	[sflag:s30] =	ssyncadd.s32 $0xFFFFF300  }
0xcb: {  	_ =	swait.ge [sflag:s30], $0xD00  }
0xcc: {  	[sflag:s30] =	ssyncset.done $0x0  }
0xcd: {  	[sflag:s30] =	ssyncadd.s32 $0xFFFFF300  }
0xce: {  	_ =	swait.ge [sflag:s30], $0xD00  }
0xcf: {  	[sflag:s30] =	ssyncset.done $0x0  }
0xd0: {  	[sflag:s30] =	ssyncadd.s32 $0xFFFFF300  }
0xd1: {  	_ =	swait.ge [sflag:s30], $0xD00  }
0xd2: {  	[sflag:s30] =	ssyncset.done $0x0  }
0xd3: {  	[sflag:s30] =	ssyncadd.s32 $0xFFFFF300  }
0xd4: {  	_ =	swait.ge [sflag:s30], $0xD00  }
0xd5: {  	[sflag:s30] =	ssyncset.done $0x0  }
0xd6: {  	[sflag:s30] =	ssyncadd.s32 $0xFFFFF300  }
0xd7: {  	_ =	swait.ge [sflag:s30], $0xD00  }
0xd8: {  	[sflag:s30] =	ssyncset.done $0x0  }
0xd9: {  	[sflag:s30] =	ssyncadd.s32 $0xFFFFF300  }
0xda: {  	_ =	swait.ge [sflag:s30], $0xD00  }
0xdb: {  	[sflag:s30] =	ssyncset.done $0x0  }
0xdc: {  	[sflag:s30] =	ssyncadd.s32 $0xFFFFF300  }
0xdd: {  	_ =	swait.ge [sflag:s30], $0xD00  }
0xde: {  	[sflag:s30] =	ssyncset.done $0x0  }
0xdf: {  	[sflag:s30] =	ssyncadd.s32 $0xFFFFF300  }
0xe0: {  	_ =	swait.ge [sflag:s30], $0xD00  }
0xe1: {  	[sflag:s30] =	ssyncset.done $0x0  }
0xe2: {  	[sflag:s30] =	ssyncadd.s32 $0xFFFFF300  }
0xe3: {  	_ =	swait.ge [sflag:s30], $0xD00  }
0xe4: {  	[sflag:s30] =	ssyncset.done $0x0  }
0xe5: {  	[sflag:s30] =	ssyncadd.s32 $0xFFFFF300  }
0xe6: {  	s19 =	simm.s32 @!p0 $0x112A00;
	s17 =	sadd.s32 @!p0 s16, s11;
	_ =	swait.ge [sflag:s30], $0xD00  }
0xe7: {  	s18 =	simm.s32 @!p0 $0x68;
	s17 =	sshrl.u32 @!p0 s17, $0x3;
	[sflag:s30] =	ssyncset.done $0x0  }
0xe8: {  	s20 =	simm.s32 @!p0 $0x4E0;
	s17 =	sadd.s32 @!p0 s5, s17;
	[sflag:s30] =	ssyncadd.s32 $0xFFFFF300  }
0xe9: {  	[tilespmem:s20], [sflag:$0x4] =	stream.strided.gather @!p0 [hbm4b:s17+s18], $0x4E0, s19, s18, $0x38;
	[tilespmem:$0x15BC0] =	vst v63  }
0xea: {  	s17 =	simm.s32 @!p0 $0x3  }
0xeb: {  	_ =	swait.ge @!p0 [sflag:s17], $0x4E0  }
0xec: {  	[sflag:s17] =	ssyncset.done @!p0 $0x0  }
0xed: {  	s19 =	simm.s32 @!p0 $0x9C0;
	[sflag:s17] =	ssyncadd.s32 @!p0 $0xFFFFFB20;
	s17 =	simm.s32 @!p0 $0x0  }
0xee: {  	[tilespmem:s19], [sflag:$0x1] =	stream.indirect.gather @!p0 [hbm4b:s4+s18], $0x20, s17, s18, $0xb8;
	[tilespmem:$0x15BC0] =	vst v63  }
0xef: {  	s17 =	simm.s32 @!p0 $0x16C0  }
0xf0: {  	[tilespmem:s17], [sflag:$0x1] =	stream.indirect.gather @!p0 [hbm4b:s4+s18], $0x20, s18, s18, $0xb8;
	[tilespmem:$0x15BC0] =	vst v63  }
0xf1: {  	s19 =	simm.s32 @!p0 $0x23C0;
	s17 =	simm.s32 @!p0 $0xD0  }
0xf2: {  	[tilespmem:s19], [sflag:$0x1] =	stream.indirect.gather @!p0 [hbm4b:s4+s18], $0x20, s17, s18, $0xb8;
	[tilespmem:$0x15BC0] =	vst v63  }
0xf3: {  	s17 =	simm.s32 @!p0 $0x138;
	s19 =	simm.s32 @!p0 $0x30C0  }
0xf4: {  	[tilespmem:s19], [sflag:$0x1] =	stream.indirect.gather @!p0 [hbm4b:s4+s18], $0x20, s17, s18, $0xb8;
	[tilespmem:$0x15BC0] =	vst v63  }
0xf5: {  	s17 =	simm.s32 @!p0 $0x1A0;
	s19 =	simm.s32 @!p0 $0x3DC0  }
0xf6: {  	[tilespmem:s19], [sflag:$0x1] =	stream.indirect.gather @!p0 [hbm4b:s4+s18], $0x20, s17, s18, $0xb8;
	[tilespmem:$0x15BC0] =	vst v63  }
0xf7: {  	s17 =	simm.s32 @!p0 $0x208;
	s19 =	simm.s32 @!p0 $0x4AC0  }
0xf8: {  	[tilespmem:s19], [sflag:$0x1] =	stream.indirect.gather @!p0 [hbm4b:s4+s18], $0x20, s17, s18, $0xb8;
	[tilespmem:$0x15BC0] =	vst v63  }
0xf9: {  	s17 =	simm.s32 @!p0 $0x270;
	s19 =	simm.s32 @!p0 $0x57C0  }
0xfa: {  	[tilespmem:s19], [sflag:$0x1] =	stream.indirect.gather @!p0 [hbm4b:s4+s18], $0x20, s17, s18, $0xb8;
	[tilespmem:$0x15BC0] =	vst v63  }
0xfb: {  	s17 =	simm.s32 @!p0 $0x2D8;
	s19 =	simm.s32 @!p0 $0x64C0  }
0xfc: {  	[tilespmem:s19], [sflag:$0x1] =	stream.indirect.gather @!p0 [hbm4b:s4+s18], $0x20, s17, s18, $0xb8;
	[tilespmem:$0x15BC0] =	vst v63  }
0xfd: {  	s17 =	simm.s32 @!p0 $0x340;
	s19 =	simm.s32 @!p0 $0x71C0  }
0xfe: {  	[tilespmem:s19], [sflag:$0x1] =	stream.indirect.gather @!p0 [hbm4b:s4+s18], $0x20, s17, s18, $0xb8;
	[tilespmem:$0x15BC0] =	vst v63  }
0xff: {  	s17 =	simm.s32 @!p0 $0x3A8;
	s19 =	simm.s32 @!p0 $0x7EC0  }
0x100: {  	[tilespmem:s19], [sflag:$0x1] =	stream.indirect.gather @!p0 [hbm4b:s4+s18], $0x20, s17, s18, $0xb8;
	[tilespmem:$0x15BC0] =	vst v63  }
0x101: {  	s17 =	simm.s32 @!p0 $0x410;
	s19 =	simm.s32 @!p0 $0x8BC0  }
0x102: {  	[tilespmem:s19], [sflag:$0x1] =	stream.indirect.gather @!p0 [hbm4b:s4+s18], $0x20, s17, s18, $0xb8;
	[tilespmem:$0x15BC0] =	vst v63  }
0x103: {  	p1 =	seq.s32 @!p0 s0, $0x0;
	s17 =	simm.s32 @!p0 $0x478;
	s19 =	simm.s32 @!p0 $0x98C0  }
0x104: {  	[tilespmem:s19], [sflag:$0x1] =	stream.indirect.gather @!p0 [hbm4b:s4+s18], $0x20, s17, s18, $0xb8;
	[tilespmem:$0x15BC0] =	vst v63  }
0x105: {  	p0 =	por p0, !p1  }
0x106: {  	_ =	swait.ge @p0 [sflag:s1], $0xD00  }
0x107: {  	[sflag:s1] =	ssyncset.done @p0 $0x0  }
0x108: {  	s17 =	simm.s32 $0x0;
	[sflag:s1] =	ssyncadd.s32 @p0 $0xFFFFF300  }
0x109: {  	v0 =	vld [tilespmem:s17+$0xA5D0]  }
0x10a: {  	v1 =	vld [tilespmem:s17+$0xB2D0]  }
0x10b: {  	v2 =	vld [tilespmem:s17+$0xA5C0]  }
0x10c: {  	v3 =	vld [tilespmem:s17+$0xBFD0]  }
0x10d: {  	v4 =	vld [tilespmem:s17+$0xB2C0]  }
0x10e: {  	v5 =	vld [tilespmem:s17+$0xCCD0]  }
0x10f: {  	v6 =	vld [tilespmem:s17+$0xBFC0];
	v0 =	vadd.f32 v1, v0  }
0x110: {  	v1 =	vld [tilespmem:s17+$0xD9D0]  }
0x111: {  	v7 =	vld [tilespmem:s17+$0xCCC0];
	v0 =	vadd.f32 v3, v0  }
0x112: {  	v2 =	vadd.f32 v4, v2;
	v3 =	vld [tilespmem:s17+$0xE6D0]  }
0x113: {  	v4 =	vld [tilespmem:s17+$0xD9C0];
	v0 =	vadd.f32 v5, v0  }
0x114: {  	v2 =	vadd.f32 v6, v2;
	v5 =	vld [tilespmem:s17+$0xF3D0]  }
0x115: {  	v6 =	vld [tilespmem:s17+$0xE6C0];
	v0 =	vadd.f32 v1, v0  }
0x116: {  	v2 =	vadd.f32 v7, v2;
	v1 =	vld [tilespmem:s17+$0x100D0]  }
0x117: {  	v7 =	vld [tilespmem:s17+$0xF3C0];
	v0 =	vadd.f32 v3, v0  }
0x118: {  	v2 =	vadd.f32 v4, v2;
	v3 =	vld [tilespmem:s17+$0x10DD0]  }
0x119: {  	v8 =	vld [tilespmem:s17+$0x100C0];
	v0 =	vadd.f32 v5, v0  }
0x11a: {  	v2 =	vadd.f32 v6, v2;
	v5 =	vld [tilespmem:s17+$0x11AD0]  }
0x11b: {  	v6 =	vld [tilespmem:s17+$0x10DC0];
	v0 =	vadd.f32 v1, v0  }
0x11c: {  	v63 =	vld [tilespmem:s17+$0x127D0];
	v1 =	vadd.f32 v7, v2  }
0x11d: {  	v2 =	vld [tilespmem:s17+$0x11AC0];
	v0 =	vadd.f32 v3, v0  }
0x11e: {  	v4 =	vld [tilespmem:s17+$0x134D0];
	v7 =	vadd.f32 v8, v1  }
0x11f: {  	v3 =	vld [tilespmem:s17+$0x127C0];
	v8 =	vadd.f32 v5, v0  }
0x120: {  	s18 =	simm.s32 $0x20;
	v1 =	vld [tilespmem:s17+$0x134C0];
	v5 =	vadd.f32 v6, v7  }
0x121: {  	s19 =	simm.s32 $0x100;
	v0 =	vld [tilespmem:s18+$0xA5D0];
	v6 =	vadd.f32 v63, v8  }
.LBB2_5:
0x122: {  	p0 =	sne.s32 s19, $0x3380;
	v7 =	vld [tilespmem:s18+$0xB2D0];
	v2 =	vadd.f32 v2, v5  }
0x123: {  	v5 =	vld [tilespmem:s18+$0xA5C0];
	v4 =	vadd.f32 v4, v6  }
0x124: {  	v6 =	vld [tilespmem:s18+$0xBFD0];
	v2 =	vadd.f32 v3, v2  }
0x125: {  	v3 =	vld [tilespmem:s18+$0xB2C0];
	v4 =	vmul.f32 $8.333333580e-02, v4  }
0x126: {  	v8 =	vld [tilespmem:s18+$0xCCD0];
	v1 =	vadd.f32 v1, v2  }
0x127: {  	v2 =	vld [tilespmem:s18+$0xBFC0];
	v0 =	vadd.f32 v7, v0;
	[tilespmem:s17+$0x14ED0] =	vst v4  }
0x128: {  	v4 =	vld [tilespmem:s18+$0xD9D0];
	v1 =	vmul.f32 $8.333333580e-02, v1  }
0x129: {  	v7 =	vld [tilespmem:s18+$0xCCC0];
	v0 =	vadd.f32 v6, v0  }
0x12a: {  	v3 =	vadd.f32 v3, v5;
	v5 =	vld [tilespmem:s18+$0xE6D0];
	[tilespmem:s17+$0x14EC0] =	vst v1;
	s17 =	smov.u32 s18  }
0x12b: {  	v1 =	vld [tilespmem:s17+$0xD9C0];
	v0 =	vadd.f32 v8, v0  }
0x12c: {  	v2 =	vadd.f32 v2, v3;
	v3 =	vld [tilespmem:s17+$0xF3D0]  }
0x12d: {  	v6 =	vld [tilespmem:s17+$0xE6C0];
	v0 =	vadd.f32 v4, v0  }
0x12e: {  	v2 =	vadd.f32 v7, v2;
	v4 =	vld [tilespmem:s17+$0x100D0]  }
0x12f: {  	v7 =	vld [tilespmem:s17+$0xF3C0];
	v0 =	vadd.f32 v5, v0  }
0x130: {  	v1 =	vadd.f32 v1, v2;
	v5 =	vld [tilespmem:s17+$0x10DD0]  }
0x131: {  	v8 =	vld [tilespmem:s17+$0x100C0];
	v0 =	vadd.f32 v3, v0  }
0x132: {  	v1 =	vadd.f32 v6, v1;
	v6 =	vld [tilespmem:s17+$0x11AD0]  }
0x133: {  	v9 =	vld [tilespmem:s17+$0x10DC0];
	v0 =	vadd.f32 v4, v0  }
0x134: {  	v1 =	vadd.f32 v7, v1;
	v7 =	vld [tilespmem:s17+$0x127D0]  }
.Ltmp1:
0x135: {  	v2 =	vld [tilespmem:s17+$0x11AC0];
	v0 =	vadd.f32 v5, v0;
	(pc) =	sbr.rel @p0 .LBB2_5-.Ltmp1, $4  }
0x136: {  	v1 =	vadd.f32 v8, v1;
	v4 =	vld [tilespmem:s17+$0x134D0]  }
0x137: {  	v3 =	vld [tilespmem:s17+$0x127C0];
	v6 =	vadd.f32 v6, v0  }
0x138: {  	s18 =	sshra.s32 s19, $0x2;
	v5 =	vadd.f32 v9, v1;
	v1 =	vld [tilespmem:s17+$0x134C0]  }
0x139: {  	s19 =	sadd.s32 $0x80, s19;
	v0 =	vld [tilespmem:s18+$0xA5D0];
	v6 =	vadd.f32 v7, v6  }
0x13a: {  	v7 =	vld [tilespmem:s18+$0xB2D0];
	v2 =	vadd.f32 v2, v5  }
0x13b: {  	v8 =	vld [tilespmem:s18+$0xA5C0];
	v4 =	vadd.f32 v4, v6  }
0x13c: {  	v44 =	vld [tilespmem:s18+$0xBFD0];
	v2 =	vadd.f32 v3, v2  }
0x13d: {  	v45 =	vld [tilespmem:s18+$0xB2C0];
	v46 =	vmul.f32 $8.333333580e-02, v4  }
0x13e: {  	v47 =	vld [tilespmem:s18+$0xCCD0];
	v1 =	vadd.f32 v1, v2  }
0x13f: {  	v9 =	vld [tilespmem:s18+$0xBFC0];
	[tilespmem:s17+$0x14ED0] =	vst v46  }
0x140: {  	v48 =	vld [tilespmem:s18+$0xD9D0];
	v1 =	vmul.f32 $8.333333580e-02, v1  }
0x141: {  	v0 =	vadd.f32 v7, v0;
	v3 =	vld [tilespmem:s18+$0xCCC0]  }
0x142: {  	v6 =	vadd.f32 v45, v8;
	v49 =	vld [tilespmem:s18+$0xE6D0];
	[tilespmem:s17+$0x14EC0] =	vst v1  }
0x143: {  	v0 =	vadd.f32 v44, v0;
	v1 =	vld [tilespmem:s18+$0xD9C0]  }
0x144: {  	v50 =	vadd.f32 v9, v6  }
0x145: {  	v0 =	vadd.f32 v47, v0;
	v51 =	vld [tilespmem:s18+$0xE6C0]  }
0x146: {  	v52 =	vld [tilespmem:s18+$0xF3D0];
	v3 =	vadd.f32 v3, v50  }
0x147: {  	v53 =	vld [tilespmem:s18+$0xF3C0];
	v0 =	vadd.f32 v48, v0  }
0x148: {  	v54 =	vld [tilespmem:s18+$0x100D0];
	v1 =	vadd.f32 v1, v3  }
0x149: {  	v55 =	vld [tilespmem:s18+$0x100C0];
	v0 =	vadd.f32 v49, v0  }
0x14a: {  	v56 =	vld [tilespmem:s18+$0x10DD0];
	v1 =	vadd.f32 v51, v1  }
0x14b: {  	v57 =	vld [tilespmem:s18+$0x10DC0];
	v0 =	vadd.f32 v52, v0  }
0x14c: {  	v58 =	vld [tilespmem:s18+$0x11AD0];
	v1 =	vadd.f32 v53, v1  }
0x14d: {  	v59 =	vld [tilespmem:s18+$0x11AC0];
	v0 =	vadd.f32 v54, v0  }
0x14e: {  	v60 =	vld [tilespmem:s18+$0x127D0];
	v1 =	vadd.f32 v55, v1  }
0x14f: {  	v61 =	vld [tilespmem:s18+$0x127C0];
	v0 =	vadd.f32 v56, v0  }
0x150: {  	v62 =	vld [tilespmem:s18+$0x134D0];
	v1 =	vadd.f32 v57, v1  }
0x151: {  	v63 =	vld [tilespmem:s18+$0x134C0];
	v0 =	vadd.f32 v58, v0  }
0x152: {  	v1 =	vadd.f32 v59, v1  }
0x153: {  	v0 =	vadd.f32 v60, v0  }
0x154: {  	v1 =	vadd.f32 v61, v1  }
0x155: {  	s0 =	sadd.s32 $0x1, s0;
	v0 =	vadd.f32 v62, v0  }
0x156: {  	p0 =	sne.s32 s0, $0xA9;
	v1 =	vadd.f32 v63, v1  }
.Ltmp2:
0x157: {  	s16 =	sadd.s32 s16, s7;
	v0 =	vmul.f32 $8.333333580e-02, v0;
	(pc) =	sbr.rel @p0 .LBB2_2-.Ltmp2, $4  }
0x158: {  	s16 =	sshll.u32 s16, $0x2;
	v1 =	vmul.f32 $8.333333580e-02, v1  }
0x159: {  	s16 =	sand.u32 $0x1FFFFFE0, s16;
	[tilespmem:s18+$0x14ED0] =	vst v0  }
0x15a: {  	s16 =	sadd.s32 s6, s16;
	[tilespmem:s18+$0x14EC0] =	vst v1  }
0x15b: {  	[hbm4b:s16+s2] =	stream.linear.scatter [tilespmem:s31], [sflag:$0x6], $0xD00, $0x38;
	[tilespmem:$0x15BC0] =	vst v63  }
0x15c: {  	s0 =	simm.s32 $0x5  }
0x15d: {  	_ =	swait.ge [sflag:s0], $0xD00  }
0x15e: {  	[sflag:s0] =	ssyncset.done $0x0  }
0x15f: {  	[sflag:s0] =	ssyncadd.s32 $0xFFFFF300  }
0x160: {  	_ =	swait.ge [sflag:s1], $0xD00  }
0x161: {  	s16 =	rddreg [dreg:$0x5]  }
0x162: {  	s20 =	rddreg [dreg:$0x4];
	s16 =	sadd.s32 $0x1, s16  }
0x163: {  	p0 =	sne.s32 s16, s20  }
.Ltmp3:
0x164: {  	_ = 	snop;
	(pc) =	sbr.rel @p0 .LBB2_1-.Ltmp3, $3  }
0x165: {  	_ =	sdelay $0x1  }
0x166: {  	[sflag:s1] =	ssyncset.done $0x0  }
0x167: {  	[sflag:s1] =	ssyncadd.s32 $0xFFFFF300  }
0x168: {  	_ =	sfence.sel $0x180000  }
0x169: {  	[bflag:$0x0] =	sbarrier.arrive $0xFFFF  }
0x16a: {  	_ =	strace $0x9000004A  }
0x16b: {  	s0 =	stileid.u32;
	[bflag:$0x2] =	sbarrier.arrive $0xFFFF  }
0x16c: {  	p0 =	sne.s32 s0, $0x0;
	s0 =	rddreg [dreg:$0x1]  }
0x16d: {  	s0 =	sadd.s32 @!p0 $0x100000, s0  }
0x16e: {  	[sflag:s0] =	ssyncadd.tile.s32 @!p0 $0x1;
	_ =	shalt  }
.Lfunc_end2:
_tile_overlayer_lowered:
.L_overlay_start_2:
0x16f: {  	(tag) =	ssettag $0x2  }
0x170: {  	s0 =	rddreg [dreg:$0x0];
	s2 =	stileid.u32  }
0x171: {  	s1 =	rddreg [dreg:$0x1];
	p0 =	sne.s32 s2, $0x0  }
0x172: {  	s3 =	rddreg [dreg:$0x2];
	[bflag:$0x3] =	sbarrier.arrive $0xFFFF;
	s2 =	simm.s32 @!p0 $0x1C07  }
0x173: {  	[timem:s3], [sflag:s2] =	dma.local @!p0 [hbm:s0], s1  }
0x174: {  	s0 =	simm.s32 @!p0 $0x7  }
0x175: {  	_ =	swait.ge @!p0 [sflag:s0], s1  }
0x176: {  	s1 =	ssub.s32 @!p0 $0x0, s1;
	[sflag:s0] =	ssyncset.done @!p0 $0x0  }
0x177: {  	[sflag:s0] =	ssyncadd.s32 @!p0 s1  }
0x178: {  	[bflag:$0x3] =	sbarrier.arrive $0xFFFF  }
0x179: {  	_ =	shalt  }

// kernel: sparse-core-data-format-call.1.cloned.1.call-start
scs
called_computation.1_lowered:
.L_overlay_start_0:
0x0: {  	s1 =	sld [smem:$0x3FD9]  }
0x1: {  	s2 =	sld [smem:$0x3FFE];
	_ =	sdelay $0x1  }
0x2: {  	s3 =	srdreg.scid  }
0x3: {  	s0 =	sand.u32 $0x1, s3  }
0x4: {  	s17 =	sshll.u32 s0, $0xA;
	s1 =	sadd.s32 s2, s1  }
0x5: {  	s1 =	sadd.s32 s1, s17  }
0x6: {  	[smem:$0x3FC5] =	sst s1  }
0x7: {  	_ = 	snop  }
0x8: {  	(tm) =	ssettm $0x1  }
0x9: {  	s18 =	sld [smem:$0x3FFB];
	_ =	sdelay $0x3  }
0xa: {  	_ =	strace s18  }
0xb: {  	s1 =	sld [smem:$0x3FFC];
	_ =	sdelay $0x3  }
0xc: {  	_ =	strace s1  }
0xd: {  	s1 =	sld [smem:$0x3FFD];
	_ =	sdelay $0x3  }
0xe: {  	_ =	strace s1  }
0xf: {  	_ =	strace $0x8FFFFFFF  }
0x10: {  	s19 =	sld [smem:$0x3FDB];
	_ =	sdelay $0x1  }
0x11: {  	s20 =	simm.s32 $_scs_section_size  }
0x12: {  	s4 =	simm.s32 $_size__tile_overlayer_lowered;
	s5 =	simm.s32 $_tile_overlayer_lowered  }
0x13: {  	s23 =	simm.s32 $0x1BFF;
	s22 =	sshll.u32 s5, $0x1;
	s1 =	sadd.s32 s20, s19  }
0x14: {  	s6 =	simm.s32 $0x0;
	s21 =	sshll.u32 s4, $0x1;
	s4 =	sadd.s32 s22, s1  }
0x15: {  	[timem:s6], [sflag:s23] =	dma.local [hbm:s4], s21  }
0x16: {  	_ =	swait.ge [sflag:s23], s21  }
0x17: {  	s2 =	ssub.s32 $0x0, s21;
	[sflag:s23] =	ssyncset.done $0x0  }
0x18: {  	[sflag:s23] =	ssyncadd.s32 s2;
	_ =	sdelay $0x1  }
0x19: {  	s24 =	simm.s32 $0x1B8B  }
0x1a: {  	_ =	swait.ge [sflag:s24], $0x1  }
0x1b: {  	[sflag:s24] =	ssyncset.done $0x0  }
0x1c: {  	s26 =	simm.s32 $0x1B8E;
	s25 =	sld [smem:$0x3FFE];
	[sflag:s24] =	ssyncadd.s32 $0xFFFFFFFF  }
0x1d: {  	s27 =	simm.s32 $execute0_lowered;
	[smem:$0x3FD2] =	sst s26  }
0x1e: {  	s4 =	sshll.u32 s27, $0x1;
	_ =	strace $0x80000046;
	[dreg:$0x1] =	wrdreg $0xFFFFFFFF  }
0x1f: {  	s28 =	simm.s32 $_size_execute0_lowered;
	s1 =	sadd.s32 s1, s4;
	[dreg:$0x0] =	wrdreg $0x0  }
0x20: {  	s4 =	sshll.u32 s28, $0x1;
	[dreg:$0x2] =	wrdreg s1  }
0x21: {  	[dreg:$0x3] =	wrdreg s4  }
0x22: {  	[dreg:$0x4] =	wrdreg $0xC0  }
0x23: {  	_ =	task [dreg:s6], $0x5FFFF  }
0x24: {  	[dreg:$0x1] =	wrdreg $0xFFFFFFFF  }
0x25: {  	[dreg:$0x0] =	wrdreg $0x60  }
0x26: {  	[dreg:$0x2] =	wrdreg s25  }
0x27: {  	[dreg:$0x3] =	wrdreg $0x9  }
0x28: {  	_ =	task.clear_ibuf [dreg:s6], $0x4FFFF;
	_ =	strace $0x90000046  }
0x29: {  	s29 =	simm.s32 $0x9;
	_ =	strace $0x80000048  }
0x2a: {  	_ =	swait.ge [sflag:s29], $0x1  }
0x2b: {  	[sflag:s29] =	ssyncadd.s32 $0xFFFFFFFF  }
0x2c: {  	_ =	strace $0x90000048  }
0x2d: {  	_ =	sfence  }
0x2e: {  	s30 =	sld [smem:$0x0];
	_ =	sdelay $0x2  }
0x2f: {  	s31 =	sshll.u32 s3, $0xD;
	s3 =	sshrl.u32 s3, $0x2  }
0x30: {  	s2 =	sand.u32 $0x4000, s31;
	s1 =	sadd.s32 s3, s30  }
0x31: {  	s0 =	sor.u32 s2, s0;
	s1 =	sshll.u32 s1, $0x11  }
0x32: {  	s0 =	sor.u32 s1, s0  }
0x33: {  	s0 =	sadd.s32 $0x8F2B, s0  }
0x34: {  	[sflag:s0] =	ssyncadd.remote.s32 $0x1  }
0x35: {  	_ =	sfence.sel $0xFFFF  }
0x36: {  	[dreg:$0x0] =	wrdreg $0xFFFFFFFF;
	(pc) =	sbr.abs _section_cstart, $3  }
0x37: {  	[dreg:$0x1] =	wrdreg $0xFFFFFFFF  }
0x38: {  	_ =	task.clear_ibuf [dreg:s6], $0x2FFFF;
	_ =	strace $0x9FFFFFFF  }
0x39: {  	(tm) =	ssettm $0x7FFFFFFF  }
tec
execute0_lowered:
.L_overlay_start_1:
0x0: {  	(tag) =	ssettag $0x1  }
0x1: {  	s0 =	srdreg.scid;
	s9 =	rddreg [dreg:$0x0];
	s6 =	simm.s32 $0x1  }
0x2: {  	s5 =	simm.s32 $0x1;
	s31 =	simm.s32 $0x2;
	s1 =	sshll.u32 s0, $0x4  }
0x3: {  	s19 =	simm.s32 $0x0;
	s0 =	stileid.u32;
	s1 =	sand.u32 $0x10, s1  }
0x4: {  	s11 =	simm.s32 $0x80;
	s18 =	simm.s32 $0x0;
	s1 =	sor.u32 s0, s1  }
0x5: {  	s17 =	simm.s32 $0x0;
	s20 =	simm.s32 $0x0;
	s2 =	sshll.u32 s1, $0x2  }
0x6: {  	s12 =	simm.s32 $0x0;
	s14 =	simm.s32 $0x0;
	s4 =	ssub.s32 $0x200, s2  }
0x7: {  	s15 =	simm.s32 $0x0;
	s16 =	simm.s32 $0x0;
	s3 =	sand.u32 $0x7C, s4  }
0x8: {  	s1 =	rddreg [dreg:$0x1];
	_ =	strace $0x80000047;
	p0 =	sne.s32 s3, $0x0  }
.Ltmp0:
0x9: {  	s7 =	sshrl.u32 s4, $0x7;
	s6 =	simm.s32 @!p0 $0x0;
	(pc) =	sbr.rel .LBB1_1-.Ltmp0, $4  }
0xa: {  	s8 =	sadd.s32 $0xC04E00, s9;
	[sflag:s5] =	ssyncpa.u1 $0x0;
	s6 =	sadd.s32 s6, s7  }
0xb: {  	s13 =	smov.u32 s2;
	s4 =	sadd.s32 $0xC00E00, s9;
	s6 =	smul.u32 $0x30, s6  }
0xc: {  	[sflag:s31] =	ssyncpa.u1 $0x0;
	s3 =	sadd.s32 $0xE00, s9;
	p0 =	por $0x0, $0x0  }
0xd: {  	s7 =	sadd.s32 $0xC02E00, s9;
	s9 =	sadd.s32 $0xC06E00, s9;
	s10 =	sor.u32 $0x1, s6  }
.LBB1_7:
0xe: {  	s21 =	sadd.s32 $0x80, s12  }
0xf: {  	s17 =	sadd.s32 $0x80, s13;
	s22 =	smov.u32 s13;
	p2 =	sgt.s32 s21, $0x1FF  }
0x10: {  	s22 =	smov.u32 @p2 s17  }
0x11: {  	s23 =	smov.u32 s14;
	s17 =	sadd.s32 $0x20, s14;
	p3 =	sgt.s32 s22, $0x1FF  }
0x12: {  	s23 =	smov.u32 @p3 s17  }
0x13: {  	s17 =	simm.s32 $0x1;
	p4 =	sgt.s32 s23, $0x1F  }
0x14: {  	s17 =	simm.s32 @!p4 $0x0  }
0x15: {  	p1 =	slt.u32 s16, $0x2;
	s25 =	sadd.s32 s17, s15  }
0x16: {  	s19 =	smov.u32 s12;
	s21 =	simm.s32 @p2 $0x0;
	p2 =	sgt.s32 s25, $0xB  }
0x17: {  	s24 =	simm.s32 @!p1 $0x2;
	s25 =	simm.s32 @p2 $0x0;
	p2 =	sne.s32 s16, s10  }
.Ltmp1:
0x18: {  	s18 =	smov.u32 s13;
	_ =	swait.ge @!p1 [sflag:s24], $0x4000;
	(pc) =	sbr.rel @!p2 .LBB1_8-.Ltmp1, $4  }
0x19: {  	s20 =	smov.u32 s15;
	p0 =	por !p0, !p0;
	[sflag:s24] =	ssyncset.done @!p1 $0x0  }
0x1a: {  	s12 =	smov.u32 s21;
	s22 =	smov.u32 @p3 s2;
	[sflag:s24] =	ssyncadd.s32 @!p1 $0xFFFFC000  }
0x1b: {  	s13 =	smov.u32 s22;
	s23 =	simm.s32 @p4 $0x0;
	s17 =	smov.u32 s14  }
0x1c: {  	s14 =	smov.u32 s23;
	s16 =	sadd.s32 $0x1, s16;
	s15 =	smov.u32 s25  }
.LBB1_1:
0x1d: {  	p1 =	sge.u32 s16, s6;
	s31 =	sadd.s32 $0xFFFFFFFF, s16  }
0x1e: {  	s21 =	sxor.u32 @!p1 $0xFFFFFFFF, s16;
	s22 =	sand.u32 @!p1 $0x78, s12;
	s23 =	sshll.u32 @!p1 s13, $0x9  }
0x1f: {  	s24 =	sshll.u32 @!p1 s12, $0x3;
	s25 =	sshll.u32 @!p1 s13, $0x7;
	s21 =	sshll.u32 @!p1 s21, $0xE  }
0x20: {  	s23 =	sand.u32 @!p1 $0x3F000, s23;
	s24 =	sand.u32 @!p1 $0x3FC00, s24;
	s21 =	sand.u32 @!p1 $0x4000, s21  }
0x21: {  	s23 =	sadd.s32 @!p1 s23, s24;
	s24 =	sand.u32 @!p1 $0x200, s25;
	s25 =	sand.u32 @!p1 $0x180, s25  }
0x22: {  	s23 =	sor.u32 @!p1 s24, s23;
	s22 =	sor.u32 @!p1 s22, s25;
	s24 =	sshll.u32 @!p1 s15, $0x14  }
0x23: {  	s25 =	sshll.u32 @!p1 s14, $0xF;
	s23 =	sshrl.u32 @!p1 s23, $0x3;
	s24 =	sadd.s32 @!p1 s3, s24  }
0x24: {  	s22 =	sshrl.u32 @!p1 s22, $0x3;
	s24 =	sadd.s32 @!p1 s25, s24;
	s25 =	sand.u32 @!p1 $0x7, s12  }
0x25: {  	s23 =	sand.u32 @!p1 $0x7FC0, s23;
	s22 =	sadd.s32 @!p1 s22, s24;
	s24 =	sshll.u32 @!p1 s25, $0x12  }
0x26: {  	s22 =	sadd.s32 @!p1 s23, s22;
	s23 =	sor.u32 @!p1 $0x200, s24;
	s24 =	simm.s32 @!p1 $0x40000  }
0x27: {  	[tilespmem:s21], [sflag:$0x1] =	stream.strided.gather @!p1 [hbm4b:s22+s23], $0x4000, s24, s23, $0x38;
	[tilespmem:$0x10400] =	vst v63  }
0x28: {  	p1 =	sge.u32 s31, s6  }
.Ltmp2:
0x29: {  	_ = 	snop;
	(pc) =	sbr.rel @p1 .LBB1_7-.Ltmp2, $1  }
0x2a: {  	_ =	sdelay $0x3  }
0x2b: {  	s21 =	simm.s32 $0x1;
	s23 =	sand.u32 $0x1, s16  }
0x2c: {  	_ =	swait.ge [sflag:s5], $0x4000;
	s21 =	simm.s32 @!p0 $0x0;
	s25 =	smul.u32 $0x10800, s23  }
0x2d: {  	[sflag:s5] =	ssyncset.done $0x0;
	s22 =	smul.u32 $0x10800, s21  }
0x2e: {  	s21 =	sshll.u32 s21, $0xE;
	[sflag:s5] =	ssyncadd.s32 $0xFFFFC000  }
0x2f: {  	s24 =	sor.u32 $0x40, s21;
	s21 =	sshrl.u32 s25, $0x2;
	s22 =	sshrl.u32 s22, $0x2  }
0x30: {  	s25 =	simm.s32 $0x0;
	s23 =	sor.u32 $0x8000, s22;
	s22 =	sor.u32 $0x8000, s21  }
.LBB1_3:
0x31: {  	v0 =	vld [tilespmem:s24+$0x30]  }
0x32: {  	v1 =	vld [tilespmem:s24+$0xFFFFFFD0]  }
0x33: {  	v5 =	vld [tilespmem:s24+$0xFFFFFFE0]  }
0x34: {  	v6 =	vld [tilespmem:s24+$0xFFFFFFF0]  }
0x35: {  	s26 =	sadd.s32 $0x0, s23;
	v2 =	vld [tilespmem:s24+$0x0]  }
0x36: {  	v3 =	vld [tilespmem:s24+$0x10];
	[tilespmem:s26+$0xE70 ss:$0x21] =	vst.msk $0xffff, v0  }
0x37: {  	v4 =	vld [tilespmem:s24+$0x20];
	[tilespmem:s26+$0x210 ss:$0x21] =	vst.msk $0xffff, v1  }
0x38: {  	s27 =	sadd.s32 $0x80, s24;
	v0 =	vld [tilespmem:s24+$0xFFFFFFC0];
	[tilespmem:s26+$0x420 ss:$0x21] =	vst.msk $0xffff, v5  }
0x39: {  	s28 =	simm.s32 $0x4200;
	s29 =	simm.s32 $0x8400;
	v1 =	vld [tilespmem:s27+$0x30];
	[tilespmem:s26+$0x630 ss:$0x21] =	vst.msk $0xffff, v6  }
.LBB1_4:
0x3a: {  	p1 =	sne.s32 s29, $0xC600;
	v5 =	vld [tilespmem:s27+$0xFFFFFFD0];
	[tilespmem:s26+$0x840 ss:$0x21] =	vst.msk $0xffff, v2  }
0x3b: {  	v6 =	vld [tilespmem:s27+$0xFFFFFFE0];
	[tilespmem:s26+$0xA50 ss:$0x21] =	vst.msk $0xffff, v3  }
0x3c: {  	s30 =	sshra.s32 s28, $0x2;
	s28 =	smov.u32 s29;
	v7 =	vld [tilespmem:s27+$0xFFFFFFF0];
	[tilespmem:s26+$0xC60 ss:$0x21] =	vst.msk $0xffff, v4  }
.Ltmp3:
0x3d: {  	v2 =	vld [tilespmem:s27+$0x0];
	[tilespmem:s26+$0x0 ss:$0x21] =	vst.msk $0xffff, v0;
	s26 =	sadd.s32 s30, s23;
	(pc) =	sbr.rel @p1 .LBB1_4-.Ltmp3, $4  }
0x3e: {  	v3 =	vld [tilespmem:s27+$0x10];
	[tilespmem:s26+$0xE70 ss:$0x21] =	vst.msk $0xffff, v1  }
0x3f: {  	[tilespmem:s26+$0x210 ss:$0x21] =	vst.msk $0xffff, v5;
	v4 =	vld [tilespmem:s27+$0x20]  }
0x40: {  	v0 =	vld [tilespmem:s27+$0xFFFFFFC0];
	[tilespmem:s26+$0x420 ss:$0x21] =	vst.msk $0xffff, v6;
	s27 =	sadd.s32 $0x80, s27  }
0x41: {  	s29 =	sadd.s32 $0x4200, s29;
	v1 =	vld [tilespmem:s27+$0x30];
	[tilespmem:s26+$0x630 ss:$0x21] =	vst.msk $0xffff, v7  }
0x42: {  	v5 =	vld [tilespmem:s27+$0xFFFFFFD0];
	[tilespmem:s26+$0x840 ss:$0x21] =	vst.msk $0xffff, v2  }
0x43: {  	v58 =	vld [tilespmem:s27+$0xFFFFFFE0];
	[tilespmem:s26+$0xA50 ss:$0x21] =	vst.msk $0xffff, v3  }
0x44: {  	s28 =	sshra.s32 s28, $0x2;
	v59 =	vld [tilespmem:s27+$0xFFFFFFF0];
	[tilespmem:s26+$0xC60 ss:$0x21] =	vst.msk $0xffff, v4  }
0x45: {  	v60 =	vld [tilespmem:s27+$0x0];
	s28 =	sadd.s32 s28, s23;
	[tilespmem:s26+$0x0 ss:$0x21] =	vst.msk $0xffff, v0  }
0x46: {  	v61 =	vld [tilespmem:s27+$0x10];
	[tilespmem:s28+$0xE70 ss:$0x21] =	vst.msk $0xffff, v1  }
0x47: {  	v62 =	vld [tilespmem:s27+$0x20];
	s25 =	sadd.s32 $0x1, s25;
	[tilespmem:s28+$0x210 ss:$0x21] =	vst.msk $0xffff, v5  }
0x48: {  	v63 =	vld [tilespmem:s27+$0xFFFFFFC0];
	p1 =	sne.s32 s25, $0x20;
	[tilespmem:s28+$0x420 ss:$0x21] =	vst.msk $0xffff, v58  }
.Ltmp4:
0x49: {  	[tilespmem:s28+$0x630 ss:$0x21] =	vst.msk $0xffff, v59;
	(pc) =	sbr.rel @p1 .LBB1_3-.Ltmp4, $4  }
0x4a: {  	[tilespmem:s28+$0x840 ss:$0x21] =	vst.msk $0xffff, v60  }
0x4b: {  	[tilespmem:s28+$0xA50 ss:$0x21] =	vst.msk $0xffff, v61  }
0x4c: {  	[tilespmem:s28+$0xC60 ss:$0x21] =	vst.msk $0xffff, v62  }
0x4d: {  	s24 =	sadd.s32 $0x200, s24;
	s23 =	sadd.s32 $0x1, s23;
	[tilespmem:s28+$0x0 ss:$0x21] =	vst.msk $0xffff, v63  }
0x4e: {  	s19 =	sshll.u32 s19, $0x7;
	s23 =	sshll.u32 s17, $0x3;
	s20 =	sshll.u32 s20, $0x16  }
0x4f: {  	s18 =	sshll.u32 s18, $0xD;
	s24 =	sand.u32 $0xFC00, s19;
	s23 =	sand.u32 $0xFC00, s23  }
0x50: {  	s26 =	sand.u32 $0x7, s17;
	s19 =	sand.u32 $0x380, s19;
	s23 =	sadd.s32 s23, s24  }
0x51: {  	s25 =	sadd.s32 s20, s18;
	s24 =	sshrl.u32 s17, $0x3;
	s19 =	sor.u32 s19, s23  }
0x52: {  	s23 =	sand.u32 $0xF, s24;
	s24 =	sadd.s32 s4, s25;
	s19 =	sshrl.u32 s19, $0x3  }
0x53: {  	s17 =	sshll.u32 s26, $0x12;
	s24 =	sadd.s32 s23, s24;
	s19 =	sand.u32 $0x1FF0, s19  }
0x54: {  	s27 =	sadd.s32 s20, s7;
	s17 =	sor.u32 $0x20, s17;
	s24 =	sadd.s32 s19, s24  }
0x55: {  	[hbm4b:s24+s17] =	stream.strided.scatter [tilespmem:s22], [sflag:$0x2], $0x1000, s11, s17, $0x10;
	[tilespmem:$0x10400] =	vst v63  }
0x56: {  	s22 =	sadd.s32 s18, s27  }
0x57: {  	s22 =	sadd.s32 s23, s22  }
0x58: {  	s28 =	sadd.s32 $0x9080, s21;
	s29 =	sadd.s32 s20, s8;
	s22 =	sadd.s32 s19, s22  }
0x59: {  	[hbm4b:s22+s17] =	stream.strided.scatter [tilespmem:s28], [sflag:$0x2], $0x1000, s11, s17, $0x10;
	[tilespmem:$0x10400] =	vst v63  }
0x5a: {  	s20 =	sadd.s32 s20, s9;
	s22 =	sadd.s32 s18, s29  }
.Ltmp5:
0x5b: {  	s18 =	sadd.s32 s18, s20;
	s22 =	sadd.s32 s23, s22;
	(pc) =	sbr.rel .LBB1_7-.Ltmp5, $4  }
0x5c: {  	s30 =	sadd.s32 $0xA100, s21;
	s18 =	sadd.s32 s23, s18;
	s22 =	sadd.s32 s19, s22  }
0x5d: {  	[hbm4b:s22+s17] =	stream.strided.scatter [tilespmem:s30], [sflag:$0x2], $0x1000, s11, s17, $0x10;
	[tilespmem:$0x10400] =	vst v63  }
0x5e: {  	s31 =	sadd.s32 $0xB180, s21;
	s18 =	sadd.s32 s19, s18  }
0x5f: {  	[hbm4b:s18+s17] =	stream.strided.scatter [tilespmem:s31], [sflag:$0x2], $0x1000, s11, s17, $0x10;
	[tilespmem:$0x10400] =	vst v63  }
.LBB1_8:
0x60: {  	_ =	sfence.sel $0x180000  }
0x61: {  	s2 =	simm.s32 $0x1;
	[bflag:$0x0] =	sbarrier.arrive $0xFFFF  }
0x62: {  	s31 =	simm.s32 $0x2;
	[sflag:s2] =	ssyncpa.u1 $0x1  }
0x63: {  	[sflag:s31] =	ssyncpa.u1 $0x1  }
0x64: {  	p0 =	sne.s32 s0, $0x0;
	_ =	strace $0x90000047  }
0x65: {  	s0 =	sadd.s32 @!p0 $0x100000, s1;
	[bflag:$0x2] =	sbarrier.arrive $0xFFFF  }
0x66: {  	[sflag:s0] =	ssyncadd.tile.s32 @!p0 $0x1;
	_ =	shalt  }
.Lfunc_end1:
_tile_overlayer_lowered:
.L_overlay_start_2:
0x67: {  	(tag) =	ssettag $0x2  }
0x68: {  	s0 =	rddreg [dreg:$0x0];
	s2 =	stileid.u32  }
0x69: {  	s1 =	rddreg [dreg:$0x1];
	p0 =	sne.s32 s2, $0x0  }
0x6a: {  	s3 =	rddreg [dreg:$0x2];
	[bflag:$0x3] =	sbarrier.arrive $0xFFFF;
	s2 =	simm.s32 @!p0 $0x1C01  }
0x6b: {  	[timem:s3], [sflag:s2] =	dma.local @!p0 [hbm:s0], s1  }
0x6c: {  	s0 =	simm.s32 @!p0 $0x1  }
0x6d: {  	_ =	swait.ge @!p0 [sflag:s0], s1  }
0x6e: {  	s1 =	ssub.s32 @!p0 $0x0, s1;
	[sflag:s0] =	ssyncset.done @!p0 $0x0  }
0x6f: {  	[sflag:s0] =	ssyncadd.s32 @!p0 s1  }
0x70: {  	[bflag:$0x3] =	sbarrier.arrive $0xFFFF  }
0x71: {  	_ =	shalt  }

// kernel: sparse-core-data-format-call.cloned.1.call-start
scs
called_computation_lowered:
.L_overlay_start_0:
0x0: {  	s2 =	sld [smem:$0x3FD9]  }
0x1: {  	s3 =	sld [smem:$0x3FFE];
	_ =	sdelay $0x1  }
0x2: {  	s1 =	srdreg.scid  }
0x3: {  	s0 =	sand.u32 $0x1, s1  }
0x4: {  	s18 =	sshll.u32 s0, $0xA;
	s2 =	sadd.s32 s3, s2  }
0x5: {  	s2 =	sadd.s32 s2, s18  }
0x6: {  	[smem:$0x3FC5] =	sst s2  }
0x7: {  	_ = 	snop  }
0x8: {  	s2 =	sld [smem:$0x3FD0];
	(tm) =	ssettm $0x1  }
0x9: {  	s19 =	sld [smem:$0x3FFB];
	_ =	sdelay $0x3  }
0xa: {  	_ =	strace s19  }
0xb: {  	s3 =	sld [smem:$0x3FFC];
	_ =	sdelay $0x3  }
0xc: {  	_ =	strace s3  }
0xd: {  	s3 =	sld [smem:$0x3FFD];
	_ =	sdelay $0x3  }
0xe: {  	_ =	strace s3  }
0xf: {  	_ =	strace $0x8FFFFFFF  }
0x10: {  	s20 =	sld [smem:$0x3FDB];
	_ =	sdelay $0x1  }
0x11: {  	s4 =	simm.s32 $_scs_section_size  }
0x12: {  	s5 =	simm.s32 $_size__tile_overlayer_lowered;
	s6 =	simm.s32 $_tile_overlayer_lowered  }
0x13: {  	s23 =	simm.s32 $0x1BFF;
	s22 =	sshll.u32 s6, $0x1;
	s3 =	sadd.s32 s4, s20  }
0x14: {  	s7 =	simm.s32 $0x0;
	s21 =	sshll.u32 s5, $0x1;
	s5 =	sadd.s32 s22, s3  }
0x15: {  	[timem:s7], [sflag:s23] =	dma.local [hbm:s5], s21  }
0x16: {  	_ =	swait.ge [sflag:s23], s21  }
0x17: {  	s4 =	ssub.s32 $0x0, s21;
	[sflag:s23] =	ssyncset.done $0x0  }
0x18: {  	[sflag:s23] =	ssyncadd.s32 s4;
	_ =	sdelay $0x1  }
0x19: {  	s24 =	simm.s32 $0x1B8B  }
0x1a: {  	_ =	swait.ge [sflag:s24], $0x1  }
0x1b: {  	[sflag:s24] =	ssyncset.done $0x0  }
0x1c: {  	s26 =	simm.s32 $0x1B8E;
	s25 =	sld [smem:$0x3FFE];
	[sflag:s24] =	ssyncadd.s32 $0xFFFFFFFF  }
0x1d: {  	s27 =	simm.s32 $execute0_lowered;
	[smem:$0x3FD2] =	sst s26  }
0x1e: {  	s5 =	sshll.u32 s27, $0x1;
	_ =	strace $0x8000004C;
	[dreg:$0x1] =	wrdreg $0xFFFFFFFF  }
0x1f: {  	s28 =	simm.s32 $_size_execute0_lowered;
	s3 =	sadd.s32 s3, s5;
	[dreg:$0x0] =	wrdreg $0x0  }
0x20: {  	s5 =	sshll.u32 s28, $0x1;
	[dreg:$0x2] =	wrdreg s3  }
0x21: {  	[dreg:$0x3] =	wrdreg s5  }
0x22: {  	[dreg:$0x4] =	wrdreg $0xC0  }
0x23: {  	_ =	task [dreg:s7], $0x5FFFF  }
0x24: {  	[dreg:$0x1] =	wrdreg $0xFFFFFFFF  }
0x25: {  	[dreg:$0x0] =	wrdreg $0x60  }
0x26: {  	[dreg:$0x2] =	wrdreg s25  }
0x27: {  	[dreg:$0x3] =	wrdreg s2  }
0x28: {  	[dreg:$0x4] =	wrdreg $0x9  }
0x29: {  	_ =	task.clear_ibuf [dreg:s7], $0x5FFFF;
	_ =	strace $0x9000004C  }
0x2a: {  	s29 =	simm.s32 $0x9;
	_ =	strace $0x8000004E  }
0x2b: {  	_ =	swait.ge [sflag:s29], $0x1  }
0x2c: {  	[sflag:s29] =	ssyncadd.s32 $0xFFFFFFFF  }
0x2d: {  	_ =	strace $0x9000004E  }
0x2e: {  	_ =	sfence  }
0x2f: {  	s30 =	sld [smem:$0x0];
	_ =	sdelay $0x2  }
0x30: {  	s31 =	sshll.u32 s1, $0xD;
	s1 =	sshrl.u32 s1, $0x2  }
0x31: {  	s3 =	sand.u32 $0x4000, s31;
	s1 =	sadd.s32 s1, s30  }
0x32: {  	s0 =	sor.u32 s3, s0;
	s1 =	sshll.u32 s1, $0x11  }
0x33: {  	s0 =	sor.u32 s1, s0  }
0x34: {  	s0 =	sadd.s32 $0x8F2B, s0  }
0x35: {  	[sflag:s0] =	ssyncadd.remote.s32 $0x1  }
0x36: {  	_ =	sfence.sel $0xFFFF  }
0x37: {  	[dreg:$0x0] =	wrdreg $0xFFFFFFFF;
	(pc) =	sbr.abs _section_cstart, $3  }
0x38: {  	[dreg:$0x1] =	wrdreg $0xFFFFFFFF  }
0x39: {  	_ =	task.clear_ibuf [dreg:s7], $0x2FFFF;
	_ =	strace $0x9FFFFFFF  }
0x3a: {  	(tm) =	ssettm $0x7FFFFFFF  }
0x3b: {  	_ =	shalt  }
tec
execute0_lowered:
.L_overlay_start_1:
0x0: {  	(tag) =	ssettag $0x1  }
0x1: {  	s0 =	srdreg.scid;
	s6 =	rddreg [dreg:$0x0]  }
0x2: {  	s3 =	rddreg [dreg:$0x1];
	s7 =	simm.s32 $0x2;
	s15 =	simm.s32 $0x0  }
0x3: {  	p0 =	por $0x0, $0x0;
	s8 =	simm.s32 $0x80;
	s1 =	sshll.u32 s0, $0x4  }
0x4: {  	s9 =	simm.s32 $0x152000;
	s0 =	stileid.u32;
	s1 =	sand.u32 $0x10, s1  }
0x5: {  	s16 =	simm.s32 $0x0;
	s10 =	simm.s32 $0x0;
	s2 =	sor.u32 s0, s1  }
.Ltmp0:
0x6: {  	s11 =	simm.s32 $0x0;
	s4 =	ssub.s32 $0x87, s2;
	(pc) =	sbr.rel .LBB1_1-.Ltmp0, $4  }
0x7: {  	s12 =	simm.s32 $0x0;
	s1 =	rddreg [dreg:$0x2];
	s5 =	sshrl.u32 s4, $0x5  }
0x8: {  	_ =	strace $0x8000004D;
	s4 =	simm.s32 $0x1;
	s5 =	smul.u32 $0x68, s5  }
0x9: {  	s14 =	simm.s32 $0x0;
	s6 =	sadd.s32 $0x104B600, s6;
	[sflag:s4] =	ssyncpa.u1 $0x0  }
0xa: {  	s13 =	smov.u32 s2;
	[sflag:s7] =	ssyncpa.u1 $0x0;
	s7 =	sor.u32 $0x1, s5  }
.LBB1_9:
0xb: {  	s18 =	sand.u32 $0x1FFFFFF, s10  }
0xc: {  	s20 =	smulhi.u32 $0x2762763, s18  }
0xd: {  	s21 =	smul.u32 $0x680, s11  }
0xe: {  	s19 =	sand.u32 $0x1, s14;
	s20 =	smul.u32 $0x68, s20  }
0xf: {  	s19 =	smul.u32 $0x4080, s19  }
0x10: {  	s17 =	smul.u32 $0xB80, s17;
	s18 =	ssub.s32 s18, s20  }
0x11: {  	s31 =	sadd.s32 s3, s21;
	s19 =	sshrl.u32 s19, $0x2;
	s18 =	sshll.u32 s18, $0x4  }
0x12: {  	s17 =	sand.u32 $0x3FFFFF80, s17;
	s19 =	sor.u32 $0x2000, s19;
	s18 =	sadd.s32 s18, s31  }
0x13: {  	[hbm4b:s18+s8] =	stream.strided.scatter [tilespmem:s19], [sflag:$0x2], s17, s9, s8, $0x20;
	[tilespmem:$0x4040] =	vst v63  }
.LBB1_10:
0x14: {  	p1 =	slt.u32 s14, $0x2  }
0x15: {  	p2 =	sgt.s32 @!p1 s16, $0x67  }
0x16: {  	s17 =	smov.u32 s16;
	s18 =	sshra.s32 @!p1 s16, $0x1F;
	p2 =	por !p2, p1  }
0x17: {  	s19 =	sshra.s32 @!p1 s15, $0x1F;
	s17 =	simm.s32 @p2 $0x67;
	p2 =	sgt.s32 @!p1 s15, $0x67  }
0x18: {  	s16 =	sand.u32 @!p1 s18, s16;
	s18 =	smov.u32 s15;
	p2 =	por !p2, p1  }
0x19: {  	s15 =	sand.u32 @!p1 s19, s15;
	s16 =	ssub.s32 @!p1 s17, s16;
	s18 =	simm.s32 @p2 $0x67  }
0x1a: {  	s19 =	smov.u32 s13;
	s17 =	sadd.s32 @!p1 $0xFFFFFF99, s16;
	s15 =	ssub.s32 @!p1 s18, s15  }
0x1b: {  	s16 =	ssub.s32 @!p1 $0x68, s16;
	p2 =	sgt.s32 @!p1 s17, $0x0;
	s15 =	sadd.s32 @!p1 $0xFFFFFF99, s15  }
0x1c: {  	s16 =	smul.u32 @!p1 $0x17, s16;
	p3 =	sgt.s32 @!p1 s15, $0x0;
	s15 =	sshll.u32 @!p1 s15, $0x7  }
0x1d: {  	p2 =	por !p2, p1;
	s15 =	ssub.s32 @!p1 $0x80, s15;
	p3 =	por !p3, p1  }
0x1e: {  	s17 =	sadd.s32 $0x1, s12;
	s16 =	simm.s32 @!p2 $0x0;
	s15 =	simm.s32 @!p3 $0x0  }
0x1f: {  	p2 =	sgt.s32 s17, $0x67;
	s15 =	smul.u32 @!p1 s16, s15;
	s16 =	sadd.s32 $0x20, s13  }
0x20: {  	s19 =	smov.u32 @p2 s16  }
0x21: {  	s17 =	simm.s32 @p2 $0x0;
	p2 =	sgt.s32 s19, $0x67  }
0x22: {  	s19 =	smov.u32 @p2 s2;
	p2 =	sne.s32 s14, s7  }
.Ltmp1:
0x23: {  	p0 =	por !p0, !p0;
	s18 =	simm.s32 @!p1 $0x2;
	(pc) =	sbr.rel @!p2 .LBB1_11-.Ltmp1, $4  }
0x24: {  	s16 =	smov.u32 s11;
	s11 =	smov.u32 s13;
	s15 =	sand.u32 @!p1 $0x3FFFFF80, s15  }
0x25: {  	_ =	swait.ge @!p1 [sflag:s18], s15;
	s20 =	ssub.s32 @!p1 $0x0, s15;
	s15 =	smov.u32 s10  }
0x26: {  	s14 =	sadd.s32 $0x1, s14;
	s10 =	smov.u32 s12;
	[sflag:s18] =	ssyncset.done @!p1 $0x0  }
0x27: {  	s12 =	smov.u32 s17;
	s13 =	smov.u32 s19;
	[sflag:s18] =	ssyncadd.s32 @!p1 s20  }
.LBB1_1:
0x28: {  	p1 =	sge.u32 s14, s5  }
0x29: {  	p2 =	sgt.s32 @!p1 s13, $0x67  }
0x2a: {  	s17 =	smov.u32 s13;
	s19 =	smov.u32 s12;
	p2 =	por !p2, p1  }
0x2b: {  	s18 =	sshra.s32 @!p1 s13, $0x1F;
	s17 =	simm.s32 @p2 $0x67;
	p2 =	sgt.s32 @!p1 s12, $0x67  }
0x2c: {  	s20 =	sshra.s32 @!p1 s12, $0x1F;
	s18 =	sand.u32 @!p1 s18, s13;
	p2 =	por !p2, p1  }
0x2d: {  	s20 =	sand.u32 @!p1 s20, s12;
	s17 =	ssub.s32 @!p1 s17, s18;
	s19 =	simm.s32 @p2 $0x67  }
0x2e: {  	s31 =	sadd.s32 $0xFFFFFFFF, s14;
	s18 =	ssub.s32 @!p1 s19, s20;
	s19 =	sadd.s32 @!p1 $0xFFFFFF99, s17  }
0x2f: {  	s17 =	ssub.s32 @!p1 $0x68, s17;
	s20 =	sadd.s32 @!p1 $0xFFFFFF99, s18;
	p2 =	sgt.s32 @!p1 s19, $0x0  }
0x30: {  	s17 =	smul.u32 @!p1 $0x3400, s17;
	s18 =	ssub.s32 @!p1 $0x68, s18;
	p3 =	sgt.s32 @!p1 s20, $0x0  }
0x31: {  	s19 =	smul.u32 @!p1 $0x2A400, s13;
	p2 =	por !p2, p1;
	p3 =	por !p3, p1  }
0x32: {  	s20 =	smul.u32 @!p1 $0x680, s12;
	s17 =	simm.s32 @!p2 $0x0;
	s18 =	simm.s32 @!p3 $0x0  }
0x33: {  	s19 =	sadd.s32 @!p1 s6, s19;
	s17 =	smul.u32 @!p1 s18, s17;
	s18 =	sxor.u32 @!p1 $0xFFFFFFFF, s14  }
0x34: {  	s21 =	simm.s32 @!p1 $0x80;
	s19 =	sadd.s32 @!p1 s20, s19;
	s18 =	sshll.u32 @!p1 s18, $0xC  }
0x35: {  	s20 =	simm.s32 @!p1 $0x20;
	s18 =	sand.u32 @!p1 $0x1000, s18;
	s17 =	sshrl.u32 @!p1 s17, $0x2  }
0x36: {  	[tilespmem:s18], [sflag:$0x1] =	stream.strided.gather @!p1 [hbm4b:s19+s20], s17, s21, s20, $0x38;
	[tilespmem:$0x4040] =	vst v63  }
0x37: {  	p1 =	sge.u32 s31, s5  }
.Ltmp2:
0x38: {  	_ = 	snop;
	(pc) =	sbr.rel @p1 .LBB1_10-.Ltmp2, $1  }
0x39: {  	_ =	sdelay $0x3  }
0x3a: {  	p1 =	sgt.s32 s11, $0x67  }
0x3b: {  	s17 =	smov.u32 s11;
	s18 =	sshra.s32 s11, $0x1F;
	s19 =	smov.u32 s10  }
0x3c: {  	s20 =	sshra.s32 s10, $0x1F;
	s17 =	simm.s32 @!p1 $0x67;
	p1 =	sgt.s32 s10, $0x67  }
0x3d: {  	s18 =	sand.u32 s18, s11;
	s29 =	sand.u32 s20, s10;
	s19 =	simm.s32 @!p1 $0x67  }
0x3e: {  	s17 =	ssub.s32 s17, s18;
	s18 =	ssub.s32 s19, s29  }
0x3f: {  	s30 =	sadd.s32 $0xFFFFFF99, s17;
	s17 =	ssub.s32 $0x68, s17;
	s19 =	sadd.s32 $0xFFFFFF99, s18  }
0x40: {  	p1 =	sgt.s32 s30, $0x0;
	s18 =	ssub.s32 $0x68, s18;
	p2 =	sgt.s32 s19, $0x0  }
0x41: {  	s17 =	simm.s32 @p1 $0x0;
	s18 =	simm.s32 @p2 $0x0  }
0x42: {  	s17 =	smul.u32 s17, s18;
	s18 =	sadd.s32 $0x1, s11  }
0x43: {  	s19 =	sadd.s32 $0x1, s10;
	p1 =	slt.s32 s18, $0x68  }
0x44: {  	s18 =	simm.s32 @!p1 $0x68;
	p1 =	slt.s32 s19, $0x68  }
0x45: {  	s18 =	ssub.s32 s18, s11;
	s19 =	simm.s32 @!p1 $0x68  }
0x46: {  	s19 =	ssub.s32 s19, s10;
	p1 =	slt.s32 s18, $0x1  }
0x47: {  	p2 =	slt.s32 @!p1 s19, $0x1  }
0x48: {  	s31 =	smul.u32 $0x3400, s17;
	p1 =	por p1, p2  }
.Ltmp3:
0x49: {  	_ = 	snop;
	(pc) =	sbr.rel @p1 .LBB1_9-.Ltmp3, $4  }
0x4a: {  	s20 =	sshrl.u32 s31, $0x2  }
0x4b: {  	_ =	swait.ge [sflag:s4], s20  }
0x4c: {  	s20 =	ssub.s32 $0x0, s20;
	[sflag:s4] =	ssyncset.done $0x0  }
0x4d: {  	[sflag:s4] =	ssyncadd.s32 s20  }
0x4e: {  	s20 =	simm.s32 $0x1  }
0x4f: {  	s20 =	simm.s32 @!p0 $0x0  }
0x50: {  	s21 =	smul.u32 $0x4080, s20;
	_ =	sdelay $0x1  }
0x51: {  	s22 =	sshll.u32 s20, $0xC;
	s21 =	sshrl.u32 s21, $0x2  }
0x52: {  	s20 =	sor.u32 $0x2000, s21;
	s21 =	sor.u32 $0x10, s22;
	s22 =	simm.s32 $0x0  }
.LBB1_4:
0x53: {  	s23 =	smov.u32 s21;
	s24 =	simm.s32 $0x0;
	s25 =	simm.s32 $0x0  }
.LBB1_5:
0x54: {  	s26 =	sand.u32 $0x7, s24  }
0x55: {  	v1 =	vld [tilespmem:s23+$0x0];
	s26 =	smul.u32 $0x204, s26  }
0x56: {  	v0 =	vld [tilespmem:s23+$0xFFFFFFF0]  }
0x57: {  	s26 =	sshrl.u32 s26, $0x2  }
0x58: {  	s26 =	sadd.s32 s26, s20  }
0x59: {  	s29 =	sadd.s32 $0x0, s26  }
0x5a: {  	s27 =	simm.s32 $0x4;
	s28 =	sadd.s32 $0x20, s23;
	[tilespmem:s29+$0x810 ss:$0x81] =	vst.msk $0xffff, v1  }
.LBB1_6:
0x5b: {  	v1 =	vld [tilespmem:s28+$0x0];
	p1 =	sne.s32 s27, $0x19C;
	[tilespmem:s29+$0x0 ss:$0x81] =	vst.msk $0xffff, v0;
	s29 =	smov.u32 s27;
	s27 =	sadd.s32 $0x4, s27  }
.Ltmp4:
0x5c: {  	v0 =	vld [tilespmem:s28+$0xFFFFFFF0];
	(pc) =	sbr.rel @p1 .LBB1_6-.Ltmp4, $4  }
0x5d: {  	_ = 	snop  }
0x5e: {  	s29 =	sshra.s32 s29, $0x2  }
0x5f: {  	s29 =	sadd.s32 s29, s26  }
0x60: {  	s28 =	sadd.s32 $0x20, s28;
	[tilespmem:s29+$0x810 ss:$0x81] =	vst.msk $0xffff, v1  }
0x61: {  	s25 =	sadd.s32 $0x1, s25  }
0x62: {  	p1 =	sne.s32 s25, s19  }
.Ltmp5:
0x63: {  	_ = 	snop;
	(pc) =	sbr.rel @p1 .LBB1_5-.Ltmp5, $2  }
0x64: {  	_ =	sdelay $0x2  }
0x65: {  	[tilespmem:s29+$0x0 ss:$0x81] =	vst.msk $0xffff, v0;
	s24 =	sadd.s32 $0x1, s24;
	s23 =	sadd.s32 $0x1000, s23  }
0x66: {  	s22 =	sadd.s32 $0x1, s22  }
0x67: {  	p1 =	sne.s32 s22, s18  }
.Ltmp6:
0x68: {  	_ = 	snop;
	(pc) =	sbr.rel @p1 .LBB1_4-.Ltmp6, $4  }
.Ltmp7:
0x69: {  	_ = 	snop;
	(pc) =	sbr.rel @!p1 .LBB1_9-.Ltmp7, $4  }
0x6a: {  	_ = 	snop  }
0x6b: {  	_ = 	snop  }
0x6c: {  	s20 =	sadd.s32 $0x81, s20;
	s21 =	sadd.s32 $0x1000, s21  }
0x6d: {  	_ = 	snop  }
.LBB1_11:
0x6e: {  	_ =	sfence.sel $0x180000  }
0x6f: {  	s2 =	simm.s32 $0x1;
	[bflag:$0x0] =	sbarrier.arrive $0xFFFF  }
0x70: {  	s31 =	simm.s32 $0x2;
	[sflag:s2] =	ssyncpa.u1 $0x1  }
0x71: {  	[sflag:s31] =	ssyncpa.u1 $0x1  }
0x72: {  	p0 =	sne.s32 s0, $0x0;
	_ =	strace $0x9000004D  }
0x73: {  	s0 =	sadd.s32 @!p0 $0x100000, s1;
	[bflag:$0x2] =	sbarrier.arrive $0xFFFF  }
0x74: {  	[sflag:s0] =	ssyncadd.tile.s32 @!p0 $0x1;
	_ =	shalt  }
.Lfunc_end1:
_tile_overlayer_lowered:
.L_overlay_start_2:
0x75: {  	(tag) =	ssettag $0x2  }
0x76: {  	s0 =	rddreg [dreg:$0x0];
	s2 =	stileid.u32  }
0x77: {  	s1 =	rddreg [dreg:$0x1];
	p0 =	sne.s32 s2, $0x0  }
0x78: {  	s3 =	rddreg [dreg:$0x2];
	[bflag:$0x3] =	sbarrier.arrive $0xFFFF;
	s2 =	simm.s32 @!p0 $0x1C01  }
0x79: {  	[timem:s3], [sflag:s2] =	dma.local @!p0 [hbm:s0], s1  }
0x7a: {  	s0 =	simm.s32 @!p0 $0x1  }
0x7b: {  	_ =	swait.ge @!p0 [sflag:s0], s1  }
0x7c: {  	s1 =	ssub.s32 @!p0 $0x0, s1;
	[sflag:s0] =	ssyncset.done @!p0 $0x0  }
0x7d: {  	[sflag:s0] =	ssyncadd.s32 @!p0 s1  }
0x7e: {  	[bflag:$0x3] =	sbarrier.arrive $0xFFFF  }
0x7f: {  	_ =	shalt  }

</sc_bundles>
